<compile_context>
chip_gen: v7x
topology: tpu7x:2x2x1
jax: 0.10.2.dev20260603
libtpu: 0.0.44.dev20260713+nightly
codegen_flags: <defaults>
</compile_context>

<pallas_src>
import jax
import jax.numpy as jnp
from jax import lax
from jax.experimental import pallas as pl
from jax.experimental.pallas import tpu as pltpu
from jax.experimental.pallas import tpu_sc as plsc

L = 16
ROW = 8192
NCHUNK = ROW // L
NGROUP = NCHUNK // L
NSAMP = 128
NROWS = 64 * 32
NWORK = 32
ROWS_PER_W = NROWS // NWORK
CAND_MAX = 2048
NEG = -1e30


def _sc_body(
    x_hbm,
    out_hbm,
    rowbuf0,
    rowbuf1,
    outbuf0,
    outbuf1,
    cntbuf,
    prefbuf,
    basebuf,
    chunklist,
    candv,
    candidx,
    insem,
    outsem,
):
    rowbufs = (rowbuf0, rowbuf1)
    outbufs = (outbuf0, outbuf1)
    wid = lax.axis_index("s") * 2 + lax.axis_index("c")
    base = wid * ROWS_PER_W
    iota = lax.iota(jnp.int32, L)
    zeros = jnp.zeros((L,), jnp.float32)
    izeros = jnp.zeros((L,), jnp.int32)
    onehot = [iota == j for j in range(L)]

    def _lane0(vec):
        return lax.squeeze(lax.slice(vec, (0,), (1,)), (0,))

    def compute_row(rb, ob):
        @plsc.parallel_loop(0, NSAMP, unroll=8, carry=jnp.full((L,), NEG, jnp.float32))
        def smx(c, acc):
            return jnp.maximum(acc, rb[pl.ds(c * L, L)])

        bound = jnp.full((L,), jnp.max(smx) - jnp.float32(1.0), jnp.float32)

        @pl.loop(0, NGROUP)
        def _(g):
            acc = izeros
            for j in range(L):
                c = g * L + j
                v = rb[pl.ds(c * L, L)]
                ob[pl.ds(c * L, L)] = zeros
                cnt = plsc.all_reduce_population_count(v > bound)
                acc = jnp.where(onehot[j], cnt, acc)
            cntbuf[pl.ds(g * L, L)] = acc

        @plsc.parallel_loop(0, NGROUP, unroll=2)
        def _(g):
            cnt16 = cntbuf[pl.ds(g * L, L)]
            prefbuf[pl.ds(g * L, L)] = plsc.cumsum(cnt16)

        def _lane15(vec):
            return lax.squeeze(lax.slice(vec, (L - 1,), (L,)), (0,))

        tot_lo = plsc.load_gather(prefbuf, [iota * L + (L - 1)])
        tot_hi = plsc.load_gather(prefbuf, [iota * L + (L * L + L - 1)])
        pre_lo = plsc.cumsum(tot_lo)
        pre_hi = plsc.cumsum(tot_hi) + jnp.full((L,), _lane15(pre_lo))
        basebuf[pl.ds(0, L)] = pre_lo - tot_lo
        basebuf[pl.ds(L, L)] = pre_hi - tot_hi
        k = jnp.minimum(_lane15(pre_hi), CAND_MAX)

        @plsc.parallel_loop(0, NGROUP, unroll=2, carry=izeros)
        def off_vec(g, off):
            cnt16 = cntbuf[pl.ds(g * L, L)]
            m_g = cnt16 > 0
            pos = off + plsc.cumsum(jnp.where(m_g, 1, 0)) - 1
            plsc.store_scatter(chunklist, [pos], g * L + iota, mask=m_g)
            return off + plsc.all_reduce_population_count(m_g)

        nflag = _lane0(off_vec)

        @plsc.parallel_loop(0, nflag, unroll=4, carry=zeros)
        def s_acc(i, acc):
            cid = _lane0(chunklist[pl.ds(i, L)])
            o_base = _lane0(basebuf[pl.ds(cid // L, L)])
            o_pref = _lane0(prefbuf[pl.ds(cid, L)])
            o_cnt = _lane0(cntbuf[pl.ds(cid, L)])
            o = jnp.minimum(o_base + o_pref - o_cnt, CAND_MAX)
            v = rb[pl.ds(cid * L, L)]
            m = v > bound
            plsc.store_compressed(candv.at[pl.ds(o, L)], v, mask=m)
            plsc.store_compressed(candidx.at[pl.ds(o, L)], cid * L + iota, mask=m)
            return acc + jnp.where(m, v, 0.0)

        candv[pl.ds(k, L)] = jnp.full((L,), NEG, jnp.float32)
        nk = (k + L - 1) // L
        ssum0 = jnp.sum(s_acc)
        tau0 = (jnp.full((L,), ssum0) - jnp.float32(1.0)) / jnp.full(
            (L,), jnp.maximum(k, 1).astype(jnp.float32)
        )

        def cond(carry):
            i, _, changed = carry
            return changed & (i < 300)

        def step(carry):
            i, tau, _ = carry

            @plsc.parallel_loop(0, nk, unroll=2, carry=(zeros, izeros))
            def sc_acc(j, acc):
                s, c = acc
                v = candv[pl.ds(j * L, L)]
                m = v > tau
                return s + jnp.where(m, v, 0.0), c + jnp.where(m, 1, 0)

            s, c = sc_acc
            csum = jnp.maximum(jnp.sum(c), 1).astype(jnp.float32)
            ssum = jnp.sum(s)
            tau_new = (jnp.full((L,), ssum) - jnp.float32(1.0)) / jnp.full((L,), csum)
            changed = _lane0(plsc.all_reduce_population_count(tau_new != tau)) > 0
            return i + 1, tau_new, changed

        _, tau, _ = lax.while_loop(cond, step, (0, tau0, True))

        @plsc.parallel_loop(0, nk, unroll=2)
        def _(j):
            ok = j * L + iota < k
            idxs = jnp.where(ok, candidx[pl.ds(j * L, L)], 0)
            w = jnp.maximum(candv[pl.ds(j * L, L)] - tau, 0.0)
            plsc.store_scatter(ob, [idxs], w, mask=ok)

    def in_copy(r, b):
        return pltpu.make_async_copy(x_hbm.at[base + r], rowbufs[b], insem.at[b])

    def out_copy(r, b):
        return pltpu.make_async_copy(outbufs[b], out_hbm.at[base + r], outsem.at[b])

    in_copy(0, 0).start()

    @pl.loop(0, ROWS_PER_W, step=2)
    def _(r0):
        for b in range(2):
            r = r0 + b
            nb = 1 - b

            @pl.when(r + 1 < ROWS_PER_W)
            def _():
                in_copy(r + 1, nb).start()

            in_copy(r, b).wait()

            @pl.when(r >= 2)
            def _():
                out_copy(r - 2, b).wait()

            compute_row(rowbufs[b], outbufs[b])
            out_copy(r, b).start()

    for b in range(2):
        out_copy(ROWS_PER_W - 2 + b, b).wait()


@jax.jit
def _sparsemax_sc(x):
    f = pl.kernel(
        _sc_body,
        out_type=jax.ShapeDtypeStruct((NROWS, ROW), jnp.float32),
        mesh=plsc.VectorSubcoreMesh(core_axis_name="c", subcore_axis_name="s"),
        scratch_types=[
            pltpu.VMEM((ROW,), jnp.float32),
            pltpu.VMEM((ROW,), jnp.float32),
            pltpu.VMEM((ROW,), jnp.float32),
            pltpu.VMEM((ROW,), jnp.float32),
            pltpu.VMEM((NCHUNK + L,), jnp.int32),
            pltpu.VMEM((NCHUNK + L,), jnp.int32),
            pltpu.VMEM((3 * L,), jnp.int32),
            pltpu.VMEM((NCHUNK + L,), jnp.int32),
            pltpu.VMEM((CAND_MAX + L,), jnp.float32),
            pltpu.VMEM((CAND_MAX + L,), jnp.int32),
            pltpu.SemaphoreType.DMA((2,)),
            pltpu.SemaphoreType.DMA((2,)),
        ],
        compiler_params=pltpu.CompilerParams(needs_layout_passes=False),
    )
    return f(x)


def kernel(inputs, mask):
    del mask
    x = inputs.reshape(NROWS, ROW)
    return _sparsemax_sc(x).reshape(inputs.shape)

# --- scband reference (transcript-rebuilt; emitter-appended) ---
"""Pipeline reference for scband-sparse-max-8091718386028 (READ-ONLY COPY).

The authoritative reference and input builder live on the scoring server;
editing this copy changes nothing except your own understanding.
"""

import jax, jax.numpy as jnp
import numpy as np

SMALL_NUMBER = 1e-7
BIG_NUMBER = 1e10
EPSILON = 0.0

def setup_inputs(seed: int = 0) -> dict:
    key = jax.random.key(seed)
    k1, k2 = jax.random.split(key)
    inputs = jax.random.normal(k1, (64, 32, 8192), dtype=jnp.float32)
    mask = jnp.ones((64, 32, 8192), dtype=jnp.float32)
    return {"inputs": inputs, "mask": mask}

def reference(inputs, mask):
    z = inputs
    dims = z.shape[-1]
    # top_k over last dim == descending sort of full dim
    z_sorted, _ = jax.lax.top_k(z, dims)
    partial_sums = jnp.cumsum(z_sorted, axis=-1)
    k = jnp.arange(1, dims + 1, dtype=z.dtype)
    z_threshold = 1.0 + k * z_sorted > partial_sums
    k_z = jnp.sum(z_threshold.astype(jnp.int32), axis=-1)  # [B, Q]
    # gather partial_sums at index k_z - 1 (relu'd to >= 0)
    gather_idx = jnp.maximum(k_z - 1, 0)
    tau_sum = jnp.take_along_axis(partial_sums, gather_idx[..., None], axis=-1)[..., 0]
    k_z_f = jnp.clip(k_z.astype(z.dtype), SMALL_NUMBER, BIG_NUMBER)
    tau_z = (tau_sum - 1.0) / k_z_f
    tau_z = tau_z[..., None]
    weights = jax.nn.relu(z - tau_z)
    if EPSILON > 0.0:
        weights = mask * jnp.clip(weights, EPSILON, 1.0)
        clipped_norm = jnp.clip(jnp.sum(jnp.abs(weights), axis=-1, keepdims=True), SMALL_NUMBER, BIG_NUMBER)
        weights = weights / clipped_norm
    return weights

if __name__ == "__main__":
    import jax
    _d = setup_inputs()
    print(jax.jit(kernel)(*tuple(_d.values())))

</pallas_src>

<mosaic_0001>
#map = affine_map<(d0, d1) -> (0, 0)>
module attributes {stable_mosaic.version = 14 : i64} {
  func.func @_sc_body(%arg0: i32, %arg1: i32, %arg2: memref<2048x8192xf32, #tpu.memory_space<hbm>>, %arg3: memref<2048x8192xf32, #tpu.memory_space<hbm>>, %arg4: memref<8192xf32, #tpu.memory_space<vmem>>, %arg5: memref<8192xf32, #tpu.memory_space<vmem>>, %arg6: memref<8192xf32, #tpu.memory_space<vmem>>, %arg7: memref<8192xf32, #tpu.memory_space<vmem>>, %arg8: memref<528xi32, #tpu.memory_space<vmem>>, %arg9: memref<528xi32, #tpu.memory_space<vmem>>, %arg10: memref<48xi32, #tpu.memory_space<vmem>>, %arg11: memref<528xi32, #tpu.memory_space<vmem>>, %arg12: memref<2064xf32, #tpu.memory_space<vmem>>, %arg13: memref<2064xi32, #tpu.memory_space<vmem>>, %arg14: memref<2x!tpu.dma_semaphore, #tpu.memory_space<semaphore_mem>>, %arg15: memref<2x!tpu.dma_semaphore, #tpu.memory_space<semaphore_mem>>) attributes {dimension_semantics = [#tpu.dimension_semantics<core_parallel>, #tpu.dimension_semantics<subcore_parallel>], iteration_bounds = array<i64: 2, 16>, scalar_prefetch = 0 : i64, scratch_operands = 12 : i64, tpu.core_type = #tpu.core_type<sc_vector_subcore>, window_params = [{transform_indices = #map}, {transform_indices = #map}]} {
    %mul3A = arith.constant 2 : i32
    %mul3A_0 = arith.muli %arg1, %mul3A : i32
    %add3A = arith.addi %mul3A_0, %arg0 : i32
    %mul3A_1 = arith.constant 64 : i32
    %mul3A_2 = arith.muli %add3A, %mul3A_1 : i32
    %iota3A = tpu.iota {dimensions = array<i32: 0>} : vector<16xi32>
    %broadcast_in_dim3A = arith.constant 0.000000e+00 : f32
    %broadcast_in_dim3A_3 = vector.broadcast %broadcast_in_dim3A : f32 to vector<16xf32>
    %broadcast_in_dim3A_4 = arith.constant 0 : i32
    %broadcast_in_dim3A_5 = vector.broadcast %broadcast_in_dim3A_4 : i32 to vector<16xi32>
    %eq3A = arith.constant 0 : i32
    %eq3A_6 = vector.broadcast %eq3A : i32 to vector<16xi32>
    %eq3A_7 = arith.cmpi eq, %iota3A, %eq3A_6 : vector<16xi32>
    %eq3A_8 = arith.constant 1 : i32
    %eq3A_9 = vector.broadcast %eq3A_8 : i32 to vector<16xi32>
    %eq3A_10 = arith.cmpi eq, %iota3A, %eq3A_9 : vector<16xi32>
    %eq3A_11 = arith.constant 2 : i32
    %eq3A_12 = vector.broadcast %eq3A_11 : i32 to vector<16xi32>
    %eq3A_13 = arith.cmpi eq, %iota3A, %eq3A_12 : vector<16xi32>
    %eq3A_14 = arith.constant 3 : i32
    %eq3A_15 = vector.broadcast %eq3A_14 : i32 to vector<16xi32>
    %eq3A_16 = arith.cmpi eq, %iota3A, %eq3A_15 : vector<16xi32>
    %eq3A_17 = arith.constant 4 : i32
    %eq3A_18 = vector.broadcast %eq3A_17 : i32 to vector<16xi32>
    %eq3A_19 = arith.cmpi eq, %iota3A, %eq3A_18 : vector<16xi32>
    %eq3A_20 = arith.constant 5 : i32
    %eq3A_21 = vector.broadcast %eq3A_20 : i32 to vector<16xi32>
    %eq3A_22 = arith.cmpi eq, %iota3A, %eq3A_21 : vector<16xi32>
    %eq3A_23 = arith.constant 6 : i32
    %eq3A_24 = vector.broadcast %eq3A_23 : i32 to vector<16xi32>
    %eq3A_25 = arith.cmpi eq, %iota3A, %eq3A_24 : vector<16xi32>
    %eq3A_26 = arith.constant 7 : i32
    %eq3A_27 = vector.broadcast %eq3A_26 : i32 to vector<16xi32>
    %eq3A_28 = arith.cmpi eq, %iota3A, %eq3A_27 : vector<16xi32>
    %eq3A_29 = arith.constant 8 : i32
    %eq3A_30 = vector.broadcast %eq3A_29 : i32 to vector<16xi32>
    %eq3A_31 = arith.cmpi eq, %iota3A, %eq3A_30 : vector<16xi32>
    %eq3A_32 = arith.constant 9 : i32
    %eq3A_33 = vector.broadcast %eq3A_32 : i32 to vector<16xi32>
    %eq3A_34 = arith.cmpi eq, %iota3A, %eq3A_33 : vector<16xi32>
    %eq3A_35 = arith.constant 10 : i32
    %eq3A_36 = vector.broadcast %eq3A_35 : i32 to vector<16xi32>
    %eq3A_37 = arith.cmpi eq, %iota3A, %eq3A_36 : vector<16xi32>
    %eq3A_38 = arith.constant 11 : i32
    %eq3A_39 = vector.broadcast %eq3A_38 : i32 to vector<16xi32>
    %eq3A_40 = arith.cmpi eq, %iota3A, %eq3A_39 : vector<16xi32>
    %eq3A_41 = arith.constant 12 : i32
    %eq3A_42 = vector.broadcast %eq3A_41 : i32 to vector<16xi32>
    %eq3A_43 = arith.cmpi eq, %iota3A, %eq3A_42 : vector<16xi32>
    %eq3A_44 = arith.constant 13 : i32
    %eq3A_45 = vector.broadcast %eq3A_44 : i32 to vector<16xi32>
    %eq3A_46 = arith.cmpi eq, %iota3A, %eq3A_45 : vector<16xi32>
    %eq3A_47 = arith.constant 14 : i32
    %eq3A_48 = vector.broadcast %eq3A_47 : i32 to vector<16xi32>
    %eq3A_49 = arith.cmpi eq, %iota3A, %eq3A_48 : vector<16xi32>
    %eq3A_50 = arith.constant 15 : i32
    %eq3A_51 = vector.broadcast %eq3A_50 : i32 to vector<16xi32>
    %eq3A_52 = arith.cmpi eq, %iota3A, %eq3A_51 : vector<16xi32>
    %add3A_53 = arith.constant 0 : i32
    %add3A_54 = arith.addi %mul3A_2, %add3A_53 : i32
    %dma_start3A = arith.constant 0 : i32
    %dma_start3A_55 = arith.constant 0 : i32
    %dma_start3A_56 = tpu.memref_slice %arg2[%add3A_54, %dma_start3A_55] : memref<2048x8192xf32, #tpu.memory_space<hbm>> -> memref<1x8192xf32, #tpu.memory_space<hbm>>
    %dma_start3A_57 = tpu.memref_squeeze %dma_start3A_56 : memref<1x8192xf32, #tpu.memory_space<hbm>> -> memref<8192xf32, #tpu.memory_space<hbm>>
    %dma_start3A_58 = tpu.memref_slice %arg14[%dma_start3A] : memref<2x!tpu.dma_semaphore, #tpu.memory_space<semaphore_mem>> -> memref<1x!tpu.dma_semaphore, #tpu.memory_space<semaphore_mem>>
    %dma_start3A_59 = tpu.memref_squeeze %dma_start3A_58 : memref<1x!tpu.dma_semaphore, #tpu.memory_space<semaphore_mem>> -> memref<!tpu.dma_semaphore, #tpu.memory_space<semaphore_mem>>
    %dma_start3A_60 = arith.constant 0 : i32
    %dma_start3A_61 = tpu.memref_slice %arg2[%add3A_54, %dma_start3A_60] : memref<2048x8192xf32, #tpu.memory_space<hbm>> -> memref<1x8192xf32, #tpu.memory_space<hbm>>
    %dma_start3A_62 = tpu.memref_squeeze %dma_start3A_61 : memref<1x8192xf32, #tpu.memory_space<hbm>> -> memref<8192xf32, #tpu.memory_space<hbm>>
    tpu.enqueue_dma source(%dma_start3A_62 : memref<8192xf32, #tpu.memory_space<hbm>>) target(%arg4 : memref<8192xf32, #tpu.memory_space<vmem>>) target_semaphore(%dma_start3A_59 : memref<!tpu.dma_semaphore, #tpu.memory_space<semaphore_mem>>)
    %scan3A = arith.constant 0 : i32
    %scan3A_63 = arith.constant 32 : i32
    %scan3A_64 = arith.addi %scan3A, %scan3A_63 : i32
    %scan3A_65 = arith.constant 1 : i32
    scf.for %scan3A_88 = %scan3A to %scan3A_64 step %scan3A_65  : i32 {
      %mul3A_89 = arith.constant 2 : i32
      %mul3A_90 = arith.muli %scan3A_88, %mul3A_89 : i32
      %add3A_91 = arith.constant 0 : i32
      %add3A_92 = arith.addi %add3A_91, %mul3A_90 : i32
      %add3A_93 = arith.constant 0 : i32
      %add3A_94 = arith.addi %add3A_92, %add3A_93 : i32
      %add3A_95 = arith.constant 1 : i32
      %add3A_96 = arith.addi %add3A_94, %add3A_95 : i32
      %lt3A = arith.constant 64 : i32
      %lt3A_97 = arith.cmpi slt, %add3A_96, %lt3A : i32
      %convert_element_type3A = arith.extui %lt3A_97 : i1 to i32
      %cond3A = arith.constant 0 : i32
      %cond3A_98 = arith.cmpi ne, %convert_element_type3A, %cond3A : i32
      scf.if %cond3A_98 {
        %add3A_366 = arith.constant 1 : i32
        %add3A_367 = arith.addi %add3A_94, %add3A_366 : i32
        %add3A_368 = arith.addi %mul3A_2, %add3A_367 : i32
        %dma_start3A_369 = arith.constant 1 : i32
        %dma_start3A_370 = arith.constant 0 : i32
        %dma_start3A_371 = tpu.memref_slice %arg2[%add3A_368, %dma_start3A_370] : memref<2048x8192xf32, #tpu.memory_space<hbm>> -> memref<1x8192xf32, #tpu.memory_space<hbm>>
        %dma_start3A_372 = tpu.memref_squeeze %dma_start3A_371 : memref<1x8192xf32, #tpu.memory_space<hbm>> -> memref<8192xf32, #tpu.memory_space<hbm>>
        %dma_start3A_373 = tpu.memref_slice %arg14[%dma_start3A_369] : memref<2x!tpu.dma_semaphore, #tpu.memory_space<semaphore_mem>> -> memref<1x!tpu.dma_semaphore, #tpu.memory_space<semaphore_mem>>
        %dma_start3A_374 = tpu.memref_squeeze %dma_start3A_373 : memref<1x!tpu.dma_semaphore, #tpu.memory_space<semaphore_mem>> -> memref<!tpu.dma_semaphore, #tpu.memory_space<semaphore_mem>>
        %dma_start3A_375 = arith.constant 0 : i32
        %dma_start3A_376 = tpu.memref_slice %arg2[%add3A_368, %dma_start3A_375] : memref<2048x8192xf32, #tpu.memory_space<hbm>> -> memref<1x8192xf32, #tpu.memory_space<hbm>>
        %dma_start3A_377 = tpu.memref_squeeze %dma_start3A_376 : memref<1x8192xf32, #tpu.memory_space<hbm>> -> memref<8192xf32, #tpu.memory_space<hbm>>
        tpu.enqueue_dma source(%dma_start3A_377 : memref<8192xf32, #tpu.memory_space<hbm>>) target(%arg5 : memref<8192xf32, #tpu.memory_space<vmem>>) target_semaphore(%dma_start3A_374 : memref<!tpu.dma_semaphore, #tpu.memory_space<semaphore_mem>>)
      } else {
      }
      %add3A_99 = arith.addi %mul3A_2, %add3A_94 : i32
      %dma_wait3A_100 = arith.constant 0 : i32
      %dma_wait3A_101 = arith.constant 0 : i32
      %dma_wait3A_102 = tpu.memref_slice %arg2[%add3A_99, %dma_wait3A_101] : memref<2048x8192xf32, #tpu.memory_space<hbm>> -> memref<1x8192xf32, #tpu.memory_space<hbm>>
      %dma_wait3A_103 = tpu.memref_squeeze %dma_wait3A_102 : memref<1x8192xf32, #tpu.memory_space<hbm>> -> memref<8192xf32, #tpu.memory_space<hbm>>
      %dma_wait3A_104 = tpu.memref_slice %arg14[%dma_wait3A_100] : memref<2x!tpu.dma_semaphore, #tpu.memory_space<semaphore_mem>> -> memref<1x!tpu.dma_semaphore, #tpu.memory_space<semaphore_mem>>
      %dma_wait3A_105 = tpu.memref_squeeze %dma_wait3A_104 : memref<1x!tpu.dma_semaphore, #tpu.memory_space<semaphore_mem>> -> memref<!tpu.dma_semaphore, #tpu.memory_space<semaphore_mem>>
      %dma_wait3A_106 = arith.constant 0 : i32
      %dma_wait3A_107 = tpu.memref_slice %arg2[%add3A_99, %dma_wait3A_106] : memref<2048x8192xf32, #tpu.memory_space<hbm>> -> memref<1x8192xf32, #tpu.memory_space<hbm>>
      %dma_wait3A_108 = tpu.memref_squeeze %dma_wait3A_107 : memref<1x8192xf32, #tpu.memory_space<hbm>> -> memref<8192xf32, #tpu.memory_space<hbm>>
      tpu.wait_dma2 semaphore(%dma_wait3A_105 : memref<!tpu.dma_semaphore, #tpu.memory_space<semaphore_mem>>) src(%dma_wait3A_108 : memref<8192xf32, #tpu.memory_space<hbm>>) dst(%arg4 : memref<8192xf32, #tpu.memory_space<vmem>>)
      %ge3A = arith.constant 2 : i32
      %ge3A_109 = arith.cmpi sge, %add3A_94, %ge3A : i32
      %convert_element_type3A_110 = arith.extui %ge3A_109 : i1 to i32
      %cond3A_111 = arith.constant 0 : i32
      %cond3A_112 = arith.cmpi ne, %convert_element_type3A_110, %cond3A_111 : i32
      scf.if %cond3A_112 {
        %sub3A_366 = arith.constant 2 : i32
        %sub3A_367 = arith.subi %add3A_94, %sub3A_366 : i32
        %add3A_368 = arith.addi %mul3A_2, %sub3A_367 : i32
        %dma_wait3A_369 = arith.constant 0 : i32
        %dma_wait3A_370 = arith.constant 0 : i32
        %dma_wait3A_371 = tpu.memref_slice %arg3[%add3A_368, %dma_wait3A_370] : memref<2048x8192xf32, #tpu.memory_space<hbm>> -> memref<1x8192xf32, #tpu.memory_space<hbm>>
        %dma_wait3A_372 = tpu.memref_squeeze %dma_wait3A_371 : memref<1x8192xf32, #tpu.memory_space<hbm>> -> memref<8192xf32, #tpu.memory_space<hbm>>
        %dma_wait3A_373 = tpu.memref_slice %arg15[%dma_wait3A_369] : memref<2x!tpu.dma_semaphore, #tpu.memory_space<semaphore_mem>> -> memref<1x!tpu.dma_semaphore, #tpu.memory_space<semaphore_mem>>
        %dma_wait3A_374 = tpu.memref_squeeze %dma_wait3A_373 : memref<1x!tpu.dma_semaphore, #tpu.memory_space<semaphore_mem>> -> memref<!tpu.dma_semaphore, #tpu.memory_space<semaphore_mem>>
        %dma_wait3A_375 = arith.constant 0 : i32
        %dma_wait3A_376 = tpu.memref_slice %arg3[%add3A_368, %dma_wait3A_375] : memref<2048x8192xf32, #tpu.memory_space<hbm>> -> memref<1x8192xf32, #tpu.memory_space<hbm>>
        %dma_wait3A_377 = tpu.memref_squeeze %dma_wait3A_376 : memref<1x8192xf32, #tpu.memory_space<hbm>> -> memref<8192xf32, #tpu.memory_space<hbm>>
        tpu.wait_dma2 semaphore(%dma_wait3A_374 : memref<!tpu.dma_semaphore, #tpu.memory_space<semaphore_mem>>) src(%arg6 : memref<8192xf32, #tpu.memory_space<vmem>>) dst(%dma_wait3A_377 : memref<8192xf32, #tpu.memory_space<hbm>>)
      } else {
      }
      %broadcast_in_dim3A_113 = arith.constant -1.000000e+30 : f32
      %broadcast_in_dim3A_114 = vector.broadcast %broadcast_in_dim3A_113 : f32 to vector<16xf32>
      %parallel_loop3A = arith.constant 0 : i32
      %parallel_loop3A_115 = arith.constant 128 : i32
      %parallel_loop3A_116 = arith.constant 1 : i32
      %parallel_loop3A_117 = scf.for %parallel_loop3A_366 = %parallel_loop3A to %parallel_loop3A_115 step %parallel_loop3A_116 iter_args(%parallel_loop3A_367 = %broadcast_in_dim3A_114) -> (vector<16xf32>)  : i32 {
        %parallel_loop3A_368 = arith.constant 16 : i32
        %parallel_loop3A_369 = arith.muli %parallel_loop3A_366, %parallel_loop3A_368 : i32
        %parallel_loop3A_370 = arith.index_cast %parallel_loop3A_369 : i32 to index
        %parallel_loop3A_371 = tpu.vector_load %arg4[%parallel_loop3A_370] {strides = array<i32>} : memref<8192xf32, #tpu.memory_space<vmem>>, vector<16xf32>,
        %parallel_loop3A_372 = arith.maximumf %parallel_loop3A_367, %parallel_loop3A_371 : vector<16xf32>
        scf.yield %parallel_loop3A_372 : vector<16xf32>
      } {sc.loop_unroll_factor = 8 : i64, sc.parallel_access}
      %reduce_max3A = arith.constant true
      %reduce_max3A_118 = vector.broadcast %reduce_max3A : i1 to vector<16xi1>
      %reduce_max3A_119 = tpu.scan <max>, %parallel_loop3A_117 masked %reduce_max3A_118 : vector<16xf32>, vector<16xi1> -> vector<16xf32>
      %reduce_max3A_120 = vector.extract %reduce_max3A_119[15] : f32 from vector<16xf32>
      %sub3A = arith.constant 1.000000e+00 : f32
      %sub3A_121 = arith.subf %reduce_max3A_120, %sub3A : f32
      %broadcast_in_dim3A_122 = vector.broadcast %sub3A_121 : f32 to vector<16xf32>
      %scan3A_123 = arith.constant 0 : i32
      %scan3A_124 = arith.constant 32 : i32
      %scan3A_125 = arith.addi %scan3A_123, %scan3A_124 : i32
      %scan3A_126 = arith.constant 1 : i32
      scf.for %scan3A_366 = %scan3A_123 to %scan3A_125 step %scan3A_126  : i32 {
        %mul3A_367 = arith.constant 1 : i32
        %mul3A_368 = arith.muli %scan3A_366, %mul3A_367 : i32
        %add3A_369 = arith.constant 0 : i32
        %add3A_370 = arith.addi %add3A_369, %mul3A_368 : i32
        %mul3A_371 = arith.constant 16 : i32
        %mul3A_372 = arith.muli %add3A_370, %mul3A_371 : i32
        %add3A_373 = arith.constant 0 : i32
        %add3A_374 = arith.addi %mul3A_372, %add3A_373 : i32
        %mul3A_375 = arith.constant 16 : i32
        %mul3A_376 = arith.muli %add3A_374, %mul3A_375 : i32
        %get3A = arith.index_cast %mul3A_376 : i32 to index
        %get3A_377 = tpu.vector_load %arg4[%get3A] {strides = array<i32>} : memref<8192xf32, #tpu.memory_space<vmem>>, vector<16xf32>,
        %mul3A_378 = arith.constant 16 : i32
        %mul3A_379 = arith.muli %add3A_374, %mul3A_378 : i32
        %swap3A_380 = arith.index_cast %mul3A_379 : i32 to index
        %swap3A_381 = tpu.vector_load %arg6[%swap3A_380] {strides = array<i32>} : memref<8192xf32, #tpu.memory_space<vmem>>, vector<16xf32>,
        tpu.vector_store %arg6[%swap3A_380], %broadcast_in_dim3A_3 {strides = array<i32>} : memref<8192xf32, #tpu.memory_space<vmem>>, vector<16xf32>,
        %gt3A = arith.cmpf ogt, %get3A_377, %broadcast_in_dim3A_122 : vector<16xf32>
        %all_reduce_population_count3A = tpu.all_reduce %gt3A {dim = 0 : i64, kind = #tpu.reduction_kind<sum>} : vector<16xi1> -> vector<16xi32>
        %select_n3A_382 = arith.select %eq3A_7, %all_reduce_population_count3A, %broadcast_in_dim3A_5 : vector<16xi1>, vector<16xi32>
        %mul3A_383 = arith.constant 16 : i32
        %mul3A_384 = arith.muli %add3A_370, %mul3A_383 : i32
        %add3A_385 = arith.constant 1 : i32
        %add3A_386 = arith.addi %mul3A_384, %add3A_385 : i32
        %mul3A_387 = arith.constant 16 : i32
        %mul3A_388 = arith.muli %add3A_386, %mul3A_387 : i32
        %get3A_389 = arith.index_cast %mul3A_388 : i32 to index
        %get3A_390 = tpu.vector_load %arg4[%get3A_389] {strides = array<i32>} : memref<8192xf32, #tpu.memory_space<vmem>>, vector<16xf32>,
        %mul3A_391 = arith.constant 16 : i32
        %mul3A_392 = arith.muli %add3A_386, %mul3A_391 : i32
        %swap3A_393 = arith.index_cast %mul3A_392 : i32 to index
        %swap3A_394 = tpu.vector_load %arg6[%swap3A_393] {strides = array<i32>} : memref<8192xf32, #tpu.memory_space<vmem>>, vector<16xf32>,
        tpu.vector_store %arg6[%swap3A_393], %broadcast_in_dim3A_3 {strides = array<i32>} : memref<8192xf32, #tpu.memory_space<vmem>>, vector<16xf32>,
        %gt3A_395 = arith.cmpf ogt, %get3A_390, %broadcast_in_dim3A_122 : vector<16xf32>
        %all_reduce_population_count3A_396 = tpu.all_reduce %gt3A_395 {dim = 0 : i64, kind = #tpu.reduction_kind<sum>} : vector<16xi1> -> vector<16xi32>
        %select_n3A_397 = arith.select %eq3A_10, %all_reduce_population_count3A_396, %select_n3A_382 : vector<16xi1>, vector<16xi32>
        %mul3A_398 = arith.constant 16 : i32
        %mul3A_399 = arith.muli %add3A_370, %mul3A_398 : i32
        %add3A_400 = arith.constant 2 : i32
        %add3A_401 = arith.addi %mul3A_399, %add3A_400 : i32
        %mul3A_402 = arith.constant 16 : i32
        %mul3A_403 = arith.muli %add3A_401, %mul3A_402 : i32
        %get3A_404 = arith.index_cast %mul3A_403 : i32 to index
        %get3A_405 = tpu.vector_load %arg4[%get3A_404] {strides = array<i32>} : memref<8192xf32, #tpu.memory_space<vmem>>, vector<16xf32>,
        %mul3A_406 = arith.constant 16 : i32
        %mul3A_407 = arith.muli %add3A_401, %mul3A_406 : i32
        %swap3A_408 = arith.index_cast %mul3A_407 : i32 to index
        %swap3A_409 = tpu.vector_load %arg6[%swap3A_408] {strides = array<i32>} : memref<8192xf32, #tpu.memory_space<vmem>>, vector<16xf32>,
        tpu.vector_store %arg6[%swap3A_408], %broadcast_in_dim3A_3 {strides = array<i32>} : memref<8192xf32, #tpu.memory_space<vmem>>, vector<16xf32>,
        %gt3A_410 = arith.cmpf ogt, %get3A_405, %broadcast_in_dim3A_122 : vector<16xf32>
        %all_reduce_population_count3A_411 = tpu.all_reduce %gt3A_410 {dim = 0 : i64, kind = #tpu.reduction_kind<sum>} : vector<16xi1> -> vector<16xi32>
        %select_n3A_412 = arith.select %eq3A_13, %all_reduce_population_count3A_411, %select_n3A_397 : vector<16xi1>, vector<16xi32>
        %mul3A_413 = arith.constant 16 : i32
        %mul3A_414 = arith.muli %add3A_370, %mul3A_413 : i32
        %add3A_415 = arith.constant 3 : i32
        %add3A_416 = arith.addi %mul3A_414, %add3A_415 : i32
        %mul3A_417 = arith.constant 16 : i32
        %mul3A_418 = arith.muli %add3A_416, %mul3A_417 : i32
        %get3A_419 = arith.index_cast %mul3A_418 : i32 to index
        %get3A_420 = tpu.vector_load %arg4[%get3A_419] {strides = array<i32>} : memref<8192xf32, #tpu.memory_space<vmem>>, vector<16xf32>,
        %mul3A_421 = arith.constant 16 : i32
        %mul3A_422 = arith.muli %add3A_416, %mul3A_421 : i32
        %swap3A_423 = arith.index_cast %mul3A_422 : i32 to index
        %swap3A_424 = tpu.vector_load %arg6[%swap3A_423] {strides = array<i32>} : memref<8192xf32, #tpu.memory_space<vmem>>, vector<16xf32>,
        tpu.vector_store %arg6[%swap3A_423], %broadcast_in_dim3A_3 {strides = array<i32>} : memref<8192xf32, #tpu.memory_space<vmem>>, vector<16xf32>,
        %gt3A_425 = arith.cmpf ogt, %get3A_420, %broadcast_in_dim3A_122 : vector<16xf32>
        %all_reduce_population_count3A_426 = tpu.all_reduce %gt3A_425 {dim = 0 : i64, kind = #tpu.reduction_kind<sum>} : vector<16xi1> -> vector<16xi32>
        %select_n3A_427 = arith.select %eq3A_16, %all_reduce_population_count3A_426, %select_n3A_412 : vector<16xi1>, vector<16xi32>
        %mul3A_428 = arith.constant 16 : i32
        %mul3A_429 = arith.muli %add3A_370, %mul3A_428 : i32
        %add3A_430 = arith.constant 4 : i32
        %add3A_431 = arith.addi %mul3A_429, %add3A_430 : i32
        %mul3A_432 = arith.constant 16 : i32
        %mul3A_433 = arith.muli %add3A_431, %mul3A_432 : i32
        %get3A_434 = arith.index_cast %mul3A_433 : i32 to index
        %get3A_435 = tpu.vector_load %arg4[%get3A_434] {strides = array<i32>} : memref<8192xf32, #tpu.memory_space<vmem>>, vector<16xf32>,
        %mul3A_436 = arith.constant 16 : i32
        %mul3A_437 = arith.muli %add3A_431, %mul3A_436 : i32
        %swap3A_438 = arith.index_cast %mul3A_437 : i32 to index
        %swap3A_439 = tpu.vector_load %arg6[%swap3A_438] {strides = array<i32>} : memref<8192xf32, #tpu.memory_space<vmem>>, vector<16xf32>,
        tpu.vector_store %arg6[%swap3A_438], %broadcast_in_dim3A_3 {strides = array<i32>} : memref<8192xf32, #tpu.memory_space<vmem>>, vector<16xf32>,
        %gt3A_440 = arith.cmpf ogt, %get3A_435, %broadcast_in_dim3A_122 : vector<16xf32>
        %all_reduce_population_count3A_441 = tpu.all_reduce %gt3A_440 {dim = 0 : i64, kind = #tpu.reduction_kind<sum>} : vector<16xi1> -> vector<16xi32>
        %select_n3A_442 = arith.select %eq3A_19, %all_reduce_population_count3A_441, %select_n3A_427 : vector<16xi1>, vector<16xi32>
        %mul3A_443 = arith.constant 16 : i32
        %mul3A_444 = arith.muli %add3A_370, %mul3A_443 : i32
        %add3A_445 = arith.constant 5 : i32
        %add3A_446 = arith.addi %mul3A_444, %add3A_445 : i32
        %mul3A_447 = arith.constant 16 : i32
        %mul3A_448 = arith.muli %add3A_446, %mul3A_447 : i32
        %get3A_449 = arith.index_cast %mul3A_448 : i32 to index
        %get3A_450 = tpu.vector_load %arg4[%get3A_449] {strides = array<i32>} : memref<8192xf32, #tpu.memory_space<vmem>>, vector<16xf32>,
        %mul3A_451 = arith.constant 16 : i32
        %mul3A_452 = arith.muli %add3A_446, %mul3A_451 : i32
        %swap3A_453 = arith.index_cast %mul3A_452 : i32 to index
        %swap3A_454 = tpu.vector_load %arg6[%swap3A_453] {strides = array<i32>} : memref<8192xf32, #tpu.memory_space<vmem>>, vector<16xf32>,
        tpu.vector_store %arg6[%swap3A_453], %broadcast_in_dim3A_3 {strides = array<i32>} : memref<8192xf32, #tpu.memory_space<vmem>>, vector<16xf32>,
        %gt3A_455 = arith.cmpf ogt, %get3A_450, %broadcast_in_dim3A_122 : vector<16xf32>
        %all_reduce_population_count3A_456 = tpu.all_reduce %gt3A_455 {dim = 0 : i64, kind = #tpu.reduction_kind<sum>} : vector<16xi1> -> vector<16xi32>
        %select_n3A_457 = arith.select %eq3A_22, %all_reduce_population_count3A_456, %select_n3A_442 : vector<16xi1>, vector<16xi32>
        %mul3A_458 = arith.constant 16 : i32
        %mul3A_459 = arith.muli %add3A_370, %mul3A_458 : i32
        %add3A_460 = arith.constant 6 : i32
        %add3A_461 = arith.addi %mul3A_459, %add3A_460 : i32
        %mul3A_462 = arith.constant 16 : i32
        %mul3A_463 = arith.muli %add3A_461, %mul3A_462 : i32
        %get3A_464 = arith.index_cast %mul3A_463 : i32 to index
        %get3A_465 = tpu.vector_load %arg4[%get3A_464] {strides = array<i32>} : memref<8192xf32, #tpu.memory_space<vmem>>, vector<16xf32>,
        %mul3A_466 = arith.constant 16 : i32
        %mul3A_467 = arith.muli %add3A_461, %mul3A_466 : i32
        %swap3A_468 = arith.index_cast %mul3A_467 : i32 to index
        %swap3A_469 = tpu.vector_load %arg6[%swap3A_468] {strides = array<i32>} : memref<8192xf32, #tpu.memory_space<vmem>>, vector<16xf32>,
        tpu.vector_store %arg6[%swap3A_468], %broadcast_in_dim3A_3 {strides = array<i32>} : memref<8192xf32, #tpu.memory_space<vmem>>, vector<16xf32>,
        %gt3A_470 = arith.cmpf ogt, %get3A_465, %broadcast_in_dim3A_122 : vector<16xf32>
        %all_reduce_population_count3A_471 = tpu.all_reduce %gt3A_470 {dim = 0 : i64, kind = #tpu.reduction_kind<sum>} : vector<16xi1> -> vector<16xi32>
        %select_n3A_472 = arith.select %eq3A_25, %all_reduce_population_count3A_471, %select_n3A_457 : vector<16xi1>, vector<16xi32>
        %mul3A_473 = arith.constant 16 : i32
        %mul3A_474 = arith.muli %add3A_370, %mul3A_473 : i32
        %add3A_475 = arith.constant 7 : i32
        %add3A_476 = arith.addi %mul3A_474, %add3A_475 : i32
        %mul3A_477 = arith.constant 16 : i32
        %mul3A_478 = arith.muli %add3A_476, %mul3A_477 : i32
        %get3A_479 = arith.index_cast %mul3A_478 : i32 to index
        %get3A_480 = tpu.vector_load %arg4[%get3A_479] {strides = array<i32>} : memref<8192xf32, #tpu.memory_space<vmem>>, vector<16xf32>,
        %mul3A_481 = arith.constant 16 : i32
        %mul3A_482 = arith.muli %add3A_476, %mul3A_481 : i32
        %swap3A_483 = arith.index_cast %mul3A_482 : i32 to index
        %swap3A_484 = tpu.vector_load %arg6[%swap3A_483] {strides = array<i32>} : memref<8192xf32, #tpu.memory_space<vmem>>, vector<16xf32>,
        tpu.vector_store %arg6[%swap3A_483], %broadcast_in_dim3A_3 {strides = array<i32>} : memref<8192xf32, #tpu.memory_space<vmem>>, vector<16xf32>,
        %gt3A_485 = arith.cmpf ogt, %get3A_480, %broadcast_in_dim3A_122 : vector<16xf32>
        %all_reduce_population_count3A_486 = tpu.all_reduce %gt3A_485 {dim = 0 : i64, kind = #tpu.reduction_kind<sum>} : vector<16xi1> -> vector<16xi32>
        %select_n3A_487 = arith.select %eq3A_28, %all_reduce_population_count3A_486, %select_n3A_472 : vector<16xi1>, vector<16xi32>
        %mul3A_488 = arith.constant 16 : i32
        %mul3A_489 = arith.muli %add3A_370, %mul3A_488 : i32
        %add3A_490 = arith.constant 8 : i32
        %add3A_491 = arith.addi %mul3A_489, %add3A_490 : i32
        %mul3A_492 = arith.constant 16 : i32
        %mul3A_493 = arith.muli %add3A_491, %mul3A_492 : i32
        %get3A_494 = arith.index_cast %mul3A_493 : i32 to index
        %get3A_495 = tpu.vector_load %arg4[%get3A_494] {strides = array<i32>} : memref<8192xf32, #tpu.memory_space<vmem>>, vector<16xf32>,
        %mul3A_496 = arith.constant 16 : i32
        %mul3A_497 = arith.muli %add3A_491, %mul3A_496 : i32
        %swap3A_498 = arith.index_cast %mul3A_497 : i32 to index
        %swap3A_499 = tpu.vector_load %arg6[%swap3A_498] {strides = array<i32>} : memref<8192xf32, #tpu.memory_space<vmem>>, vector<16xf32>,
        tpu.vector_store %arg6[%swap3A_498], %broadcast_in_dim3A_3 {strides = array<i32>} : memref<8192xf32, #tpu.memory_space<vmem>>, vector<16xf32>,
        %gt3A_500 = arith.cmpf ogt, %get3A_495, %broadcast_in_dim3A_122 : vector<16xf32>
        %all_reduce_population_count3A_501 = tpu.all_reduce %gt3A_500 {dim = 0 : i64, kind = #tpu.reduction_kind<sum>} : vector<16xi1> -> vector<16xi32>
        %select_n3A_502 = arith.select %eq3A_31, %all_reduce_population_count3A_501, %select_n3A_487 : vector<16xi1>, vector<16xi32>
        %mul3A_503 = arith.constant 16 : i32
        %mul3A_504 = arith.muli %add3A_370, %mul3A_503 : i32
        %add3A_505 = arith.constant 9 : i32
        %add3A_506 = arith.addi %mul3A_504, %add3A_505 : i32
        %mul3A_507 = arith.constant 16 : i32
        %mul3A_508 = arith.muli %add3A_506, %mul3A_507 : i32
        %get3A_509 = arith.index_cast %mul3A_508 : i32 to index
        %get3A_510 = tpu.vector_load %arg4[%get3A_509] {strides = array<i32>} : memref<8192xf32, #tpu.memory_space<vmem>>, vector<16xf32>,
        %mul3A_511 = arith.constant 16 : i32
        %mul3A_512 = arith.muli %add3A_506, %mul3A_511 : i32
        %swap3A_513 = arith.index_cast %mul3A_512 : i32 to index
        %swap3A_514 = tpu.vector_load %arg6[%swap3A_513] {strides = array<i32>} : memref<8192xf32, #tpu.memory_space<vmem>>, vector<16xf32>,
        tpu.vector_store %arg6[%swap3A_513], %broadcast_in_dim3A_3 {strides = array<i32>} : memref<8192xf32, #tpu.memory_space<vmem>>, vector<16xf32>,
        %gt3A_515 = arith.cmpf ogt, %get3A_510, %broadcast_in_dim3A_122 : vector<16xf32>
        %all_reduce_population_count3A_516 = tpu.all_reduce %gt3A_515 {dim = 0 : i64, kind = #tpu.reduction_kind<sum>} : vector<16xi1> -> vector<16xi32>
        %select_n3A_517 = arith.select %eq3A_34, %all_reduce_population_count3A_516, %select_n3A_502 : vector<16xi1>, vector<16xi32>
        %mul3A_518 = arith.constant 16 : i32
        %mul3A_519 = arith.muli %add3A_370, %mul3A_518 : i32
        %add3A_520 = arith.constant 10 : i32
        %add3A_521 = arith.addi %mul3A_519, %add3A_520 : i32
        %mul3A_522 = arith.constant 16 : i32
        %mul3A_523 = arith.muli %add3A_521, %mul3A_522 : i32
        %get3A_524 = arith.index_cast %mul3A_523 : i32 to index
        %get3A_525 = tpu.vector_load %arg4[%get3A_524] {strides = array<i32>} : memref<8192xf32, #tpu.memory_space<vmem>>, vector<16xf32>,
        %mul3A_526 = arith.constant 16 : i32
        %mul3A_527 = arith.muli %add3A_521, %mul3A_526 : i32
        %swap3A_528 = arith.index_cast %mul3A_527 : i32 to index
        %swap3A_529 = tpu.vector_load %arg6[%swap3A_528] {strides = array<i32>} : memref<8192xf32, #tpu.memory_space<vmem>>, vector<16xf32>,
        tpu.vector_store %arg6[%swap3A_528], %broadcast_in_dim3A_3 {strides = array<i32>} : memref<8192xf32, #tpu.memory_space<vmem>>, vector<16xf32>,
        %gt3A_530 = arith.cmpf ogt, %get3A_525, %broadcast_in_dim3A_122 : vector<16xf32>
        %all_reduce_population_count3A_531 = tpu.all_reduce %gt3A_530 {dim = 0 : i64, kind = #tpu.reduction_kind<sum>} : vector<16xi1> -> vector<16xi32>
        %select_n3A_532 = arith.select %eq3A_37, %all_reduce_population_count3A_531, %select_n3A_517 : vector<16xi1>, vector<16xi32>
        %mul3A_533 = arith.constant 16 : i32
        %mul3A_534 = arith.muli %add3A_370, %mul3A_533 : i32
        %add3A_535 = arith.constant 11 : i32
        %add3A_536 = arith.addi %mul3A_534, %add3A_535 : i32
        %mul3A_537 = arith.constant 16 : i32
        %mul3A_538 = arith.muli %add3A_536, %mul3A_537 : i32
        %get3A_539 = arith.index_cast %mul3A_538 : i32 to index
        %get3A_540 = tpu.vector_load %arg4[%get3A_539] {strides = array<i32>} : memref<8192xf32, #tpu.memory_space<vmem>>, vector<16xf32>,
        %mul3A_541 = arith.constant 16 : i32
        %mul3A_542 = arith.muli %add3A_536, %mul3A_541 : i32
        %swap3A_543 = arith.index_cast %mul3A_542 : i32 to index
        %swap3A_544 = tpu.vector_load %arg6[%swap3A_543] {strides = array<i32>} : memref<8192xf32, #tpu.memory_space<vmem>>, vector<16xf32>,
        tpu.vector_store %arg6[%swap3A_543], %broadcast_in_dim3A_3 {strides = array<i32>} : memref<8192xf32, #tpu.memory_space<vmem>>, vector<16xf32>,
        %gt3A_545 = arith.cmpf ogt, %get3A_540, %broadcast_in_dim3A_122 : vector<16xf32>
        %all_reduce_population_count3A_546 = tpu.all_reduce %gt3A_545 {dim = 0 : i64, kind = #tpu.reduction_kind<sum>} : vector<16xi1> -> vector<16xi32>
        %select_n3A_547 = arith.select %eq3A_40, %all_reduce_population_count3A_546, %select_n3A_532 : vector<16xi1>, vector<16xi32>
        %mul3A_548 = arith.constant 16 : i32
        %mul3A_549 = arith.muli %add3A_370, %mul3A_548 : i32
        %add3A_550 = arith.constant 12 : i32
        %add3A_551 = arith.addi %mul3A_549, %add3A_550 : i32
        %mul3A_552 = arith.constant 16 : i32
        %mul3A_553 = arith.muli %add3A_551, %mul3A_552 : i32
        %get3A_554 = arith.index_cast %mul3A_553 : i32 to index
        %get3A_555 = tpu.vector_load %arg4[%get3A_554] {strides = array<i32>} : memref<8192xf32, #tpu.memory_space<vmem>>, vector<16xf32>,
        %mul3A_556 = arith.constant 16 : i32
        %mul3A_557 = arith.muli %add3A_551, %mul3A_556 : i32
        %swap3A_558 = arith.index_cast %mul3A_557 : i32 to index
        %swap3A_559 = tpu.vector_load %arg6[%swap3A_558] {strides = array<i32>} : memref<8192xf32, #tpu.memory_space<vmem>>, vector<16xf32>,
        tpu.vector_store %arg6[%swap3A_558], %broadcast_in_dim3A_3 {strides = array<i32>} : memref<8192xf32, #tpu.memory_space<vmem>>, vector<16xf32>,
        %gt3A_560 = arith.cmpf ogt, %get3A_555, %broadcast_in_dim3A_122 : vector<16xf32>
        %all_reduce_population_count3A_561 = tpu.all_reduce %gt3A_560 {dim = 0 : i64, kind = #tpu.reduction_kind<sum>} : vector<16xi1> -> vector<16xi32>
        %select_n3A_562 = arith.select %eq3A_43, %all_reduce_population_count3A_561, %select_n3A_547 : vector<16xi1>, vector<16xi32>
        %mul3A_563 = arith.constant 16 : i32
        %mul3A_564 = arith.muli %add3A_370, %mul3A_563 : i32
        %add3A_565 = arith.constant 13 : i32
        %add3A_566 = arith.addi %mul3A_564, %add3A_565 : i32
        %mul3A_567 = arith.constant 16 : i32
        %mul3A_568 = arith.muli %add3A_566, %mul3A_567 : i32
        %get3A_569 = arith.index_cast %mul3A_568 : i32 to index
        %get3A_570 = tpu.vector_load %arg4[%get3A_569] {strides = array<i32>} : memref<8192xf32, #tpu.memory_space<vmem>>, vector<16xf32>,
        %mul3A_571 = arith.constant 16 : i32
        %mul3A_572 = arith.muli %add3A_566, %mul3A_571 : i32
        %swap3A_573 = arith.index_cast %mul3A_572 : i32 to index
        %swap3A_574 = tpu.vector_load %arg6[%swap3A_573] {strides = array<i32>} : memref<8192xf32, #tpu.memory_space<vmem>>, vector<16xf32>,
        tpu.vector_store %arg6[%swap3A_573], %broadcast_in_dim3A_3 {strides = array<i32>} : memref<8192xf32, #tpu.memory_space<vmem>>, vector<16xf32>,
        %gt3A_575 = arith.cmpf ogt, %get3A_570, %broadcast_in_dim3A_122 : vector<16xf32>
        %all_reduce_population_count3A_576 = tpu.all_reduce %gt3A_575 {dim = 0 : i64, kind = #tpu.reduction_kind<sum>} : vector<16xi1> -> vector<16xi32>
        %select_n3A_577 = arith.select %eq3A_46, %all_reduce_population_count3A_576, %select_n3A_562 : vector<16xi1>, vector<16xi32>
        %mul3A_578 = arith.constant 16 : i32
        %mul3A_579 = arith.muli %add3A_370, %mul3A_578 : i32
        %add3A_580 = arith.constant 14 : i32
        %add3A_581 = arith.addi %mul3A_579, %add3A_580 : i32
        %mul3A_582 = arith.constant 16 : i32
        %mul3A_583 = arith.muli %add3A_581, %mul3A_582 : i32
        %get3A_584 = arith.index_cast %mul3A_583 : i32 to index
        %get3A_585 = tpu.vector_load %arg4[%get3A_584] {strides = array<i32>} : memref<8192xf32, #tpu.memory_space<vmem>>, vector<16xf32>,
        %mul3A_586 = arith.constant 16 : i32
        %mul3A_587 = arith.muli %add3A_581, %mul3A_586 : i32
        %swap3A_588 = arith.index_cast %mul3A_587 : i32 to index
        %swap3A_589 = tpu.vector_load %arg6[%swap3A_588] {strides = array<i32>} : memref<8192xf32, #tpu.memory_space<vmem>>, vector<16xf32>,
        tpu.vector_store %arg6[%swap3A_588], %broadcast_in_dim3A_3 {strides = array<i32>} : memref<8192xf32, #tpu.memory_space<vmem>>, vector<16xf32>,
        %gt3A_590 = arith.cmpf ogt, %get3A_585, %broadcast_in_dim3A_122 : vector<16xf32>
        %all_reduce_population_count3A_591 = tpu.all_reduce %gt3A_590 {dim = 0 : i64, kind = #tpu.reduction_kind<sum>} : vector<16xi1> -> vector<16xi32>
        %select_n3A_592 = arith.select %eq3A_49, %all_reduce_population_count3A_591, %select_n3A_577 : vector<16xi1>, vector<16xi32>
        %mul3A_593 = arith.constant 16 : i32
        %mul3A_594 = arith.muli %add3A_370, %mul3A_593 : i32
        %add3A_595 = arith.constant 15 : i32
        %add3A_596 = arith.addi %mul3A_594, %add3A_595 : i32
        %mul3A_597 = arith.constant 16 : i32
        %mul3A_598 = arith.muli %add3A_596, %mul3A_597 : i32
        %get3A_599 = arith.index_cast %mul3A_598 : i32 to index
        %get3A_600 = tpu.vector_load %arg4[%get3A_599] {strides = array<i32>} : memref<8192xf32, #tpu.memory_space<vmem>>, vector<16xf32>,
        %mul3A_601 = arith.constant 16 : i32
        %mul3A_602 = arith.muli %add3A_596, %mul3A_601 : i32
        %swap3A_603 = arith.index_cast %mul3A_602 : i32 to index
        %swap3A_604 = tpu.vector_load %arg6[%swap3A_603] {strides = array<i32>} : memref<8192xf32, #tpu.memory_space<vmem>>, vector<16xf32>,
        tpu.vector_store %arg6[%swap3A_603], %broadcast_in_dim3A_3 {strides = array<i32>} : memref<8192xf32, #tpu.memory_space<vmem>>, vector<16xf32>,
        %gt3A_605 = arith.cmpf ogt, %get3A_600, %broadcast_in_dim3A_122 : vector<16xf32>
        %all_reduce_population_count3A_606 = tpu.all_reduce %gt3A_605 {dim = 0 : i64, kind = #tpu.reduction_kind<sum>} : vector<16xi1> -> vector<16xi32>
        %select_n3A_607 = arith.select %eq3A_52, %all_reduce_population_count3A_606, %select_n3A_592 : vector<16xi1>, vector<16xi32>
        %mul3A_608 = arith.constant 16 : i32
        %mul3A_609 = arith.muli %add3A_370, %mul3A_608 : i32
        %swap3A_610 = arith.index_cast %mul3A_609 : i32 to index
        %swap3A_611 = tpu.vector_load %arg8[%swap3A_610] {strides = array<i32>} : memref<528xi32, #tpu.memory_space<vmem>>, vector<16xi32>,
        tpu.vector_store %arg8[%swap3A_610], %select_n3A_607 {strides = array<i32>} : memref<528xi32, #tpu.memory_space<vmem>>, vector<16xi32>,
      }
      %scan3A_127 = arith.constant 32 : i32
      %parallel_loop3A_128 = arith.constant 0 : i32
      %parallel_loop3A_129 = arith.constant 32 : i32
      %parallel_loop3A_130 = arith.constant 1 : i32
      scf.for %parallel_loop3A_366 = %parallel_loop3A_128 to %parallel_loop3A_129 step %parallel_loop3A_130  : i32 {
        %parallel_loop3A_367 = arith.constant 16 : i32
        %parallel_loop3A_368 = arith.muli %parallel_loop3A_366, %parallel_loop3A_367 : i32
        %parallel_loop3A_369 = arith.index_cast %parallel_loop3A_368 : i32 to index
        %parallel_loop3A_370 = tpu.vector_load %arg8[%parallel_loop3A_369] {strides = array<i32>} : memref<528xi32, #tpu.memory_space<vmem>>, vector<16xi32>,
        %parallel_loop3A_371 = arith.constant true
        %parallel_loop3A_372 = vector.broadcast %parallel_loop3A_371 : i1 to vector<16xi1>
        %parallel_loop3A_373 = tpu.scan <sum>, %parallel_loop3A_370 masked %parallel_loop3A_372 : vector<16xi32>, vector<16xi1> -> vector<16xi32>
        %parallel_loop3A_374 = arith.constant 16 : i32
        %parallel_loop3A_375 = arith.muli %parallel_loop3A_366, %parallel_loop3A_374 : i32
        %parallel_loop3A_376 = arith.index_cast %parallel_loop3A_375 : i32 to index
        %parallel_loop3A_377 = tpu.vector_load %arg9[%parallel_loop3A_376] {strides = array<i32>} : memref<528xi32, #tpu.memory_space<vmem>>, vector<16xi32>,
        tpu.vector_store %arg9[%parallel_loop3A_376], %parallel_loop3A_373 {strides = array<i32>} : memref<528xi32, #tpu.memory_space<vmem>>, vector<16xi32>,
      } {sc.loop_unroll_factor = 2 : i64, sc.parallel_access}
      %mul3A_131 = arith.constant 16 : i32
      %mul3A_132 = vector.broadcast %mul3A_131 : i32 to vector<16xi32>
      %mul3A_133 = arith.muli %iota3A, %mul3A_132 : vector<16xi32>
      %add3A_134 = arith.constant 15 : i32
      %add3A_135 = vector.broadcast %add3A_134 : i32 to vector<16xi32>
      %add3A_136 = arith.addi %mul3A_133, %add3A_135 : vector<16xi32>
      %gather3A = tpu.vector_load_idx %arg9[%add3A_136] : memref<528xi32, #tpu.memory_space<vmem>>[vector<16xi32>], vector<16xi32>,
      %mul3A_137 = arith.constant 16 : i32
      %mul3A_138 = vector.broadcast %mul3A_137 : i32 to vector<16xi32>
      %mul3A_139 = arith.muli %iota3A, %mul3A_138 : vector<16xi32>
      %add3A_140 = arith.constant 271 : i32
      %add3A_141 = vector.broadcast %add3A_140 : i32 to vector<16xi32>
      %add3A_142 = arith.addi %mul3A_139, %add3A_141 : vector<16xi32>
      %gather3A_143 = tpu.vector_load_idx %arg9[%add3A_142] : memref<528xi32, #tpu.memory_space<vmem>>[vector<16xi32>], vector<16xi32>,
      %broadcast_in_dim3A_144 = arith.constant true
      %broadcast_in_dim3A_145 = vector.broadcast %broadcast_in_dim3A_144 : i1 to vector<16xi1>
      %masked_cumsum3A = tpu.scan <sum>, %gather3A masked %broadcast_in_dim3A_145 : vector<16xi32>, vector<16xi1> -> vector<16xi32>
      %broadcast_in_dim3A_146 = arith.constant true
      %broadcast_in_dim3A_147 = vector.broadcast %broadcast_in_dim3A_146 : i1 to vector<16xi1>
      %masked_cumsum3A_148 = tpu.scan <sum>, %gather3A_143 masked %broadcast_in_dim3A_147 : vector<16xi32>, vector<16xi1> -> vector<16xi32>
      %slice3A = vector.extract_strided_slice %masked_cumsum3A {offsets = [15], sizes = [1], strides = [1]} : vector<16xi32> to vector<1xi32>
      %squeeze3A = vector.extract %slice3A[0] : i32 from vector<1xi32>
      %broadcast_in_dim3A_149 = vector.broadcast %squeeze3A : i32 to vector<16xi32>
      %add3A_150 = arith.addi %masked_cumsum3A_148, %broadcast_in_dim3A_149 : vector<16xi32>
      %sub3A_151 = arith.subi %masked_cumsum3A, %gather3A : vector<16xi32>
      %swap3A = arith.constant 0 : index
      %swap3A_152 = tpu.vector_load %arg10[%swap3A] {strides = array<i32>} : memref<48xi32, #tpu.memory_space<vmem>>, vector<16xi32>,
      tpu.vector_store %arg10[%swap3A], %sub3A_151 {strides = array<i32>} : memref<48xi32, #tpu.memory_space<vmem>>, vector<16xi32>,
      %sub3A_153 = arith.subi %add3A_150, %gather3A_143 : vector<16xi32>
      %swap3A_154 = arith.constant 16 : index
      %swap3A_155 = tpu.vector_load %arg10[%swap3A_154] {strides = array<i32>} : memref<48xi32, #tpu.memory_space<vmem>>, vector<16xi32>,
      tpu.vector_store %arg10[%swap3A_154], %sub3A_153 {strides = array<i32>} : memref<48xi32, #tpu.memory_space<vmem>>, vector<16xi32>,
      %slice3A_156 = vector.extract_strided_slice %add3A_150 {offsets = [15], sizes = [1], strides = [1]} : vector<16xi32> to vector<1xi32>
      %squeeze3A_157 = vector.extract %slice3A_156[0] : i32 from vector<1xi32>
      %min3A = arith.constant 2048 : i32
      %min3A_158 = arith.minsi %squeeze3A_157, %min3A : i32
      %parallel_loop3A_159 = arith.constant 0 : i32
      %parallel_loop3A_160 = arith.constant 32 : i32
      %parallel_loop3A_161 = arith.constant 1 : i32
      %parallel_loop3A_162 = scf.for %parallel_loop3A_366 = %parallel_loop3A_159 to %parallel_loop3A_160 step %parallel_loop3A_161 iter_args(%parallel_loop3A_367 = %broadcast_in_dim3A_5) -> (vector<16xi32>)  : i32 {
        %parallel_loop3A_368 = arith.constant 16 : i32
        %parallel_loop3A_369 = arith.muli %parallel_loop3A_366, %parallel_loop3A_368 : i32
        %parallel_loop3A_370 = arith.index_cast %parallel_loop3A_369 : i32 to index
        %parallel_loop3A_371 = tpu.vector_load %arg8[%parallel_loop3A_370] {strides = array<i32>} : memref<528xi32, #tpu.memory_space<vmem>>, vector<16xi32>,
        %parallel_loop3A_372 = arith.constant 0 : i32
        %parallel_loop3A_373 = vector.broadcast %parallel_loop3A_372 : i32 to vector<16xi32>
        %parallel_loop3A_374 = arith.cmpi sgt, %parallel_loop3A_371, %parallel_loop3A_373 : vector<16xi32>
        %parallel_loop3A_375 = arith.constant 1 : i32
        %parallel_loop3A_376 = arith.constant 0 : i32
        %parallel_loop3A_377 = vector.broadcast %parallel_loop3A_375 : i32 to vector<16xi32>
        %parallel_loop3A_378 = vector.broadcast %parallel_loop3A_376 : i32 to vector<16xi32>
        %parallel_loop3A_379 = arith.select %parallel_loop3A_374, %parallel_loop3A_377, %parallel_loop3A_378 : vector<16xi1>, vector<16xi32>
        %parallel_loop3A_380 = arith.constant true
        %parallel_loop3A_381 = vector.broadcast %parallel_loop3A_380 : i1 to vector<16xi1>
        %parallel_loop3A_382 = tpu.scan <sum>, %parallel_loop3A_379 masked %parallel_loop3A_381 : vector<16xi32>, vector<16xi1> -> vector<16xi32>
        %parallel_loop3A_383 = arith.addi %parallel_loop3A_367, %parallel_loop3A_382 : vector<16xi32>
        %parallel_loop3A_384 = arith.constant 1 : i32
        %parallel_loop3A_385 = vector.broadcast %parallel_loop3A_384 : i32 to vector<16xi32>
        %parallel_loop3A_386 = arith.subi %parallel_loop3A_383, %parallel_loop3A_385 : vector<16xi32>
        %parallel_loop3A_387 = arith.constant 16 : i32
        %parallel_loop3A_388 = arith.muli %parallel_loop3A_366, %parallel_loop3A_387 : i32
        %parallel_loop3A_389 = vector.broadcast %parallel_loop3A_388 : i32 to vector<16xi32>
        %parallel_loop3A_390 = arith.addi %parallel_loop3A_389, %iota3A : vector<16xi32>
        tpu.vector_store_idx %arg11[%parallel_loop3A_386], %parallel_loop3A_390 masked %parallel_loop3A_374 : memref<528xi32, #tpu.memory_space<vmem>>[vector<16xi32>], vector<16xi32>, vector<16xi1>
        %parallel_loop3A_391 = tpu.all_reduce %parallel_loop3A_374 {dim = 0 : i64, kind = #tpu.reduction_kind<sum>} : vector<16xi1> -> vector<16xi32>
        %parallel_loop3A_392 = arith.addi %parallel_loop3A_367, %parallel_loop3A_391 : vector<16xi32>
        scf.yield %parallel_loop3A_392 : vector<16xi32>
      } {sc.loop_unroll_factor = 2 : i64, sc.parallel_access}
      %slice3A_163 = vector.extract_strided_slice %parallel_loop3A_162 {offsets = [0], sizes = [1], strides = [1]} : vector<16xi32> to vector<1xi32>
      %squeeze3A_164 = vector.extract %slice3A_163[0] : i32 from vector<1xi32>
      %parallel_loop3A_165 = arith.constant 0 : i32
      %parallel_loop3A_166 = arith.constant 1 : i32
      %parallel_loop3A_167 = scf.for %parallel_loop3A_366 = %parallel_loop3A_165 to %squeeze3A_164 step %parallel_loop3A_166 iter_args(%parallel_loop3A_367 = %broadcast_in_dim3A_3) -> (vector<16xf32>)  : i32 {
        %parallel_loop3A_368 = arith.index_cast %parallel_loop3A_366 : i32 to index
        %parallel_loop3A_369 = tpu.vector_load %arg11[%parallel_loop3A_368] {strides = array<i32>} : memref<528xi32, #tpu.memory_space<vmem>>, vector<16xi32>,
        %parallel_loop3A_370 = vector.extract_strided_slice %parallel_loop3A_369 {offsets = [0], sizes = [1], strides = [1]} : vector<16xi32> to vector<1xi32>
        %parallel_loop3A_371 = vector.extract %parallel_loop3A_370[0] : i32 from vector<1xi32>
        %parallel_loop3A_372 = arith.constant 16 : i32
        %parallel_loop3A_373 = arith.divsi %parallel_loop3A_371, %parallel_loop3A_372 : i32
        %parallel_loop3A_374 = arith.constant 0 : i32
        %parallel_loop3A_375 = arith.cmpi sgt, %parallel_loop3A_371, %parallel_loop3A_374 : i32
        %parallel_loop3A_376 = arith.extui %parallel_loop3A_375 : i1 to i32
        %parallel_loop3A_377 = arith.constant 0 : i32
        %parallel_loop3A_378 = arith.cmpi slt, %parallel_loop3A_371, %parallel_loop3A_377 : i32
        %parallel_loop3A_379 = arith.extui %parallel_loop3A_378 : i1 to i32
        %parallel_loop3A_380 = arith.subi %parallel_loop3A_376, %parallel_loop3A_379 : i32
        %parallel_loop3A_381 = arith.constant 0 : i32
        %parallel_loop3A_382 = arith.cmpi sgt, %parallel_loop3A_372, %parallel_loop3A_381 : i32
        %parallel_loop3A_383 = arith.extui %parallel_loop3A_382 : i1 to i32
        %parallel_loop3A_384 = arith.constant 0 : i32
        %parallel_loop3A_385 = arith.cmpi slt, %parallel_loop3A_372, %parallel_loop3A_384 : i32
        %parallel_loop3A_386 = arith.extui %parallel_loop3A_385 : i1 to i32
        %parallel_loop3A_387 = arith.subi %parallel_loop3A_383, %parallel_loop3A_386 : i32
        %parallel_loop3A_388 = arith.cmpi ne, %parallel_loop3A_380, %parallel_loop3A_387 : i32
        %parallel_loop3A_389 = arith.remsi %parallel_loop3A_371, %parallel_loop3A_372 : i32
        %parallel_loop3A_390 = arith.constant 0 : i32
        %parallel_loop3A_391 = arith.cmpi ne, %parallel_loop3A_389, %parallel_loop3A_390 : i32
        %parallel_loop3A_392 = arith.andi %parallel_loop3A_388, %parallel_loop3A_391 : i1
        %parallel_loop3A_393 = arith.constant 1 : i32
        %parallel_loop3A_394 = arith.subi %parallel_loop3A_373, %parallel_loop3A_393 : i32
        %parallel_loop3A_395 = arith.select %parallel_loop3A_392, %parallel_loop3A_394, %parallel_loop3A_373 : i32
        %parallel_loop3A_396 = arith.index_cast %parallel_loop3A_395 : i32 to index
        %parallel_loop3A_397 = tpu.vector_load %arg10[%parallel_loop3A_396] {strides = array<i32>} : memref<48xi32, #tpu.memory_space<vmem>>, vector<16xi32>,
        %parallel_loop3A_398 = vector.extract_strided_slice %parallel_loop3A_397 {offsets = [0], sizes = [1], strides = [1]} : vector<16xi32> to vector<1xi32>
        %parallel_loop3A_399 = vector.extract %parallel_loop3A_398[0] : i32 from vector<1xi32>
        %parallel_loop3A_400 = arith.index_cast %parallel_loop3A_371 : i32 to index
        %parallel_loop3A_401 = tpu.vector_load %arg9[%parallel_loop3A_400] {strides = array<i32>} : memref<528xi32, #tpu.memory_space<vmem>>, vector<16xi32>,
        %parallel_loop3A_402 = vector.extract_strided_slice %parallel_loop3A_401 {offsets = [0], sizes = [1], strides = [1]} : vector<16xi32> to vector<1xi32>
        %parallel_loop3A_403 = vector.extract %parallel_loop3A_402[0] : i32 from vector<1xi32>
        %parallel_loop3A_404 = arith.index_cast %parallel_loop3A_371 : i32 to index
        %parallel_loop3A_405 = tpu.vector_load %arg8[%parallel_loop3A_404] {strides = array<i32>} : memref<528xi32, #tpu.memory_space<vmem>>, vector<16xi32>,
        %parallel_loop3A_406 = vector.extract_strided_slice %parallel_loop3A_405 {offsets = [0], sizes = [1], strides = [1]} : vector<16xi32> to vector<1xi32>
        %parallel_loop3A_407 = vector.extract %parallel_loop3A_406[0] : i32 from vector<1xi32>
        %parallel_loop3A_408 = arith.addi %parallel_loop3A_399, %parallel_loop3A_403 : i32
        %parallel_loop3A_409 = arith.subi %parallel_loop3A_408, %parallel_loop3A_407 : i32
        %parallel_loop3A_410 = arith.constant 2048 : i32
        %parallel_loop3A_411 = arith.minsi %parallel_loop3A_409, %parallel_loop3A_410 : i32
        %parallel_loop3A_412 = arith.constant 16 : i32
        %parallel_loop3A_413 = arith.muli %parallel_loop3A_371, %parallel_loop3A_412 : i32
        %parallel_loop3A_414 = arith.index_cast %parallel_loop3A_413 : i32 to index
        %parallel_loop3A_415 = tpu.vector_load %arg4[%parallel_loop3A_414] {strides = array<i32>} : memref<8192xf32, #tpu.memory_space<vmem>>, vector<16xf32>,
        %parallel_loop3A_416 = arith.cmpf ogt, %parallel_loop3A_415, %broadcast_in_dim3A_122 : vector<16xf32>
        %parallel_loop3A_417 = arith.index_cast %parallel_loop3A_411 : i32 to index
        %parallel_loop3A_418 = tpu.vector_load %arg12[%parallel_loop3A_417] masked %parallel_loop3A_416 {strides = array<i32>} : memref<2064xf32, #tpu.memory_space<vmem>>, vector<16xf32>, vector<16xi1>
        tpu.vector_store %arg12[%parallel_loop3A_417], %parallel_loop3A_415 masked %parallel_loop3A_416 {strides = array<i32>} : memref<2064xf32, #tpu.memory_space<vmem>>, vector<16xf32>, vector<16xi1>
        %parallel_loop3A_419 = arith.constant 16 : i32
        %parallel_loop3A_420 = arith.muli %parallel_loop3A_371, %parallel_loop3A_419 : i32
        %parallel_loop3A_421 = vector.broadcast %parallel_loop3A_420 : i32 to vector<16xi32>
        %parallel_loop3A_422 = arith.addi %parallel_loop3A_421, %iota3A : vector<16xi32>
        %parallel_loop3A_423 = arith.index_cast %parallel_loop3A_411 : i32 to index
        %parallel_loop3A_424 = tpu.vector_load %arg13[%parallel_loop3A_423] masked %parallel_loop3A_416 {strides = array<i32>} : memref<2064xi32, #tpu.memory_space<vmem>>, vector<16xi32>, vector<16xi1>
        tpu.vector_store %arg13[%parallel_loop3A_423], %parallel_loop3A_422 masked %parallel_loop3A_416 {strides = array<i32>} : memref<2064xi32, #tpu.memory_space<vmem>>, vector<16xi32>, vector<16xi1>
        %parallel_loop3A_425 = arith.constant 0.000000e+00 : f32
        %parallel_loop3A_426 = vector.broadcast %parallel_loop3A_425 : f32 to vector<16xf32>
        %parallel_loop3A_427 = arith.select %parallel_loop3A_416, %parallel_loop3A_415, %parallel_loop3A_426 : vector<16xi1>, vector<16xf32>
        %parallel_loop3A_428 = arith.addf %parallel_loop3A_367, %parallel_loop3A_427 : vector<16xf32>
        scf.yield %parallel_loop3A_428 : vector<16xf32>
      } {sc.loop_unroll_factor = 4 : i64, sc.parallel_access}
      %broadcast_in_dim3A_168 = arith.constant -1.000000e+30 : f32
      %broadcast_in_dim3A_169 = vector.broadcast %broadcast_in_dim3A_168 : f32 to vector<16xf32>
      %swap3A_170 = arith.index_cast %min3A_158 : i32 to index
      %swap3A_171 = tpu.vector_load %arg12[%swap3A_170] {strides = array<i32>} : memref<2064xf32, #tpu.memory_space<vmem>>, vector<16xf32>,
      tpu.vector_store %arg12[%swap3A_170], %broadcast_in_dim3A_169 {strides = array<i32>} : memref<2064xf32, #tpu.memory_space<vmem>>, vector<16xf32>,
      %add3A_172 = arith.constant 16 : i32
      %add3A_173 = arith.addi %min3A_158, %add3A_172 : i32
      %sub3A_174 = arith.constant 1 : i32
      %sub3A_175 = arith.subi %add3A_173, %sub3A_174 : i32
      %jit3A = arith.constant 16 : i32
      %div3A = arith.divsi %sub3A_175, %jit3A : i32
      %sign3A = arith.constant 0 : i32
      %sign3A_176 = arith.cmpi sgt, %sub3A_175, %sign3A : i32
      %sign3A_177 = arith.extui %sign3A_176 : i1 to i32
      %sign3A_178 = arith.constant 0 : i32
      %sign3A_179 = arith.cmpi slt, %sub3A_175, %sign3A_178 : i32
      %sign3A_180 = arith.extui %sign3A_179 : i1 to i32
      %sign3A_181 = arith.subi %sign3A_177, %sign3A_180 : i32
      %sign3A_182 = arith.constant 0 : i32
      %sign3A_183 = arith.cmpi sgt, %jit3A, %sign3A_182 : i32
      %sign3A_184 = arith.extui %sign3A_183 : i1 to i32
      %sign3A_185 = arith.constant 0 : i32
      %sign3A_186 = arith.cmpi slt, %jit3A, %sign3A_185 : i32
      %sign3A_187 = arith.extui %sign3A_186 : i1 to i32
      %sign3A_188 = arith.subi %sign3A_184, %sign3A_187 : i32
      %ne3A = arith.cmpi ne, %sign3A_181, %sign3A_188 : i32
      %rem3A = arith.remsi %sub3A_175, %jit3A : i32
      %ne3A_189 = arith.constant 0 : i32
      %ne3A_190 = arith.cmpi ne, %rem3A, %ne3A_189 : i32
      %and3A = arith.andi %ne3A, %ne3A_190 : i1
      %sub3A_191 = arith.constant 1 : i32
      %sub3A_192 = arith.subi %div3A, %sub3A_191 : i32
      %select_n3A = arith.select %and3A, %sub3A_192, %div3A : i32
      %reduce_sum3A = arith.constant true
      %reduce_sum3A_193 = vector.broadcast %reduce_sum3A : i1 to vector<16xi1>
      %reduce_sum3A_194 = tpu.scan <sum>, %parallel_loop3A_167 masked %reduce_sum3A_193 : vector<16xf32>, vector<16xi1> -> vector<16xf32>
      %reduce_sum3A_195 = vector.extract %reduce_sum3A_194[15] : f32 from vector<16xf32>
      %broadcast_in_dim3A_196 = vector.broadcast %reduce_sum3A_195 : f32 to vector<16xf32>
      %sub3A_197 = arith.constant 1.000000e+00 : f32
      %sub3A_198 = vector.broadcast %sub3A_197 : f32 to vector<16xf32>
      %sub3A_199 = arith.subf %broadcast_in_dim3A_196, %sub3A_198 : vector<16xf32>
      %max3A = arith.constant 1 : i32
      %max3A_200 = arith.maxsi %min3A_158, %max3A : i32
      %convert_element_type3A_201 = arith.sitofp %max3A_200 : i32 to f32
      %broadcast_in_dim3A_202 = vector.broadcast %convert_element_type3A_201 : f32 to vector<16xf32>
      %div3A_203 = arith.divf %sub3A_199, %broadcast_in_dim3A_202 : vector<16xf32>
      %while3A = arith.constant 0 : i32
      %while3A_204 = arith.constant true
      %while3A_205:3 = scf.while (%while3A_366 = %while3A, %while3A_367 = %div3A_203, %while3A_368 = %while3A_204) : (i32, vector<16xf32>, i1) -> (i32, vector<16xf32>, i1) {
        %lt3A_369 = arith.constant 300 : i32
        %lt3A_370 = arith.cmpi slt, %while3A_366, %lt3A_369 : i32
        %and3A_371 = arith.andi %while3A_368, %lt3A_370 : i1
        scf.condition(%and3A_371) %while3A_366, %while3A_367, %while3A_368 : i32, vector<16xf32>, i1
      } do {
      ^bb0(%while3A_366: i32, %while3A_367: vector<16xf32>, %while3A_368: i1):
        %parallel_loop3A_369 = arith.constant 0 : i32
        %parallel_loop3A_370 = arith.constant 1 : i32
        %parallel_loop3A_371:2 = scf.for %parallel_loop3A_395 = %parallel_loop3A_369 to %select_n3A step %parallel_loop3A_370 iter_args(%parallel_loop3A_396 = %broadcast_in_dim3A_3, %parallel_loop3A_397 = %broadcast_in_dim3A_5) -> (vector<16xf32>, vector<16xi32>)  : i32 {
          %parallel_loop3A_398 = arith.constant 16 : i32
          %parallel_loop3A_399 = arith.muli %parallel_loop3A_395, %parallel_loop3A_398 : i32
          %parallel_loop3A_400 = arith.index_cast %parallel_loop3A_399 : i32 to index
          %parallel_loop3A_401 = tpu.vector_load %arg12[%parallel_loop3A_400] {strides = array<i32>} : memref<2064xf32, #tpu.memory_space<vmem>>, vector<16xf32>,
          %parallel_loop3A_402 = arith.cmpf ogt, %parallel_loop3A_401, %while3A_367 : vector<16xf32>
          %parallel_loop3A_403 = arith.constant 0.000000e+00 : f32
          %parallel_loop3A_404 = vector.broadcast %parallel_loop3A_403 : f32 to vector<16xf32>
          %parallel_loop3A_405 = arith.select %parallel_loop3A_402, %parallel_loop3A_401, %parallel_loop3A_404 : vector<16xi1>, vector<16xf32>
          %parallel_loop3A_406 = arith.addf %parallel_loop3A_396, %parallel_loop3A_405 : vector<16xf32>
          %parallel_loop3A_407 = arith.constant 1 : i32
          %parallel_loop3A_408 = arith.constant 0 : i32
          %parallel_loop3A_409 = vector.broadcast %parallel_loop3A_407 : i32 to vector<16xi32>
          %parallel_loop3A_410 = vector.broadcast %parallel_loop3A_408 : i32 to vector<16xi32>
          %parallel_loop3A_411 = arith.select %parallel_loop3A_402, %parallel_loop3A_409, %parallel_loop3A_410 : vector<16xi1>, vector<16xi32>
          %parallel_loop3A_412 = arith.addi %parallel_loop3A_397, %parallel_loop3A_411 : vector<16xi32>
          scf.yield %parallel_loop3A_406, %parallel_loop3A_412 : vector<16xf32>, vector<16xi32>
        } {sc.loop_unroll_factor = 2 : i64, sc.parallel_access}
        %reduce_sum3A_372 = arith.constant true
        %reduce_sum3A_373 = vector.broadcast %reduce_sum3A_372 : i1 to vector<16xi1>
        %reduce_sum3A_374 = tpu.scan <sum>, %parallel_loop3A_371#1 masked %reduce_sum3A_373 : vector<16xi32>, vector<16xi1> -> vector<16xi32>
        %reduce_sum3A_375 = vector.extract %reduce_sum3A_374[15] : i32 from vector<16xi32>
        %max3A_376 = arith.constant 1 : i32
        %max3A_377 = arith.maxsi %reduce_sum3A_375, %max3A_376 : i32
        %convert_element_type3A_378 = arith.sitofp %max3A_377 : i32 to f32
        %reduce_sum3A_379 = arith.constant true
        %reduce_sum3A_380 = vector.broadcast %reduce_sum3A_379 : i1 to vector<16xi1>
        %reduce_sum3A_381 = tpu.scan <sum>, %parallel_loop3A_371#0 masked %reduce_sum3A_380 : vector<16xf32>, vector<16xi1> -> vector<16xf32>
        %reduce_sum3A_382 = vector.extract %reduce_sum3A_381[15] : f32 from vector<16xf32>
        %broadcast_in_dim3A_383 = vector.broadcast %reduce_sum3A_382 : f32 to vector<16xf32>
        %sub3A_384 = arith.constant 1.000000e+00 : f32
        %sub3A_385 = vector.broadcast %sub3A_384 : f32 to vector<16xf32>
        %sub3A_386 = arith.subf %broadcast_in_dim3A_383, %sub3A_385 : vector<16xf32>
        %broadcast_in_dim3A_387 = vector.broadcast %convert_element_type3A_378 : f32 to vector<16xf32>
        %div3A_388 = arith.divf %sub3A_386, %broadcast_in_dim3A_387 : vector<16xf32>
        %ne3A_389 = arith.cmpf one, %div3A_388, %while3A_367 : vector<16xf32>
        %all_reduce_population_count3A = tpu.all_reduce %ne3A_389 {dim = 0 : i64, kind = #tpu.reduction_kind<sum>} : vector<16xi1> -> vector<16xi32>
        %slice3A_390 = vector.extract_strided_slice %all_reduce_population_count3A {offsets = [0], sizes = [1], strides = [1]} : vector<16xi32> to vector<1xi32>
        %squeeze3A_391 = vector.extract %slice3A_390[0] : i32 from vector<1xi32>
        %gt3A = arith.constant 0 : i32
        %gt3A_392 = arith.cmpi sgt, %squeeze3A_391, %gt3A : i32
        %add3A_393 = arith.constant 1 : i32
        %add3A_394 = arith.addi %while3A_366, %add3A_393 : i32
        scf.yield %add3A_394, %div3A_388, %gt3A_392 : i32, vector<16xf32>, i1
      }
      %parallel_loop3A_206 = arith.constant 0 : i32
      %parallel_loop3A_207 = arith.constant 1 : i32
      scf.for %parallel_loop3A_366 = %parallel_loop3A_206 to %select_n3A step %parallel_loop3A_207  : i32 {
        %parallel_loop3A_367 = arith.constant 16 : i32
        %parallel_loop3A_368 = arith.muli %parallel_loop3A_366, %parallel_loop3A_367 : i32
        %parallel_loop3A_369 = vector.broadcast %parallel_loop3A_368 : i32 to vector<16xi32>
        %parallel_loop3A_370 = arith.addi %parallel_loop3A_369, %iota3A : vector<16xi32>
        %parallel_loop3A_371 = vector.broadcast %min3A_158 : i32 to vector<16xi32>
        %parallel_loop3A_372 = arith.cmpi slt, %parallel_loop3A_370, %parallel_loop3A_371 : vector<16xi32>
        %parallel_loop3A_373 = arith.constant 16 : i32
        %parallel_loop3A_374 = arith.muli %parallel_loop3A_366, %parallel_loop3A_373 : i32
        %parallel_loop3A_375 = arith.index_cast %parallel_loop3A_374 : i32 to index
        %parallel_loop3A_376 = tpu.vector_load %arg13[%parallel_loop3A_375] {strides = array<i32>} : memref<2064xi32, #tpu.memory_space<vmem>>, vector<16xi32>,
        %parallel_loop3A_377 = arith.constant 0 : i32
        %parallel_loop3A_378 = vector.broadcast %parallel_loop3A_377 : i32 to vector<16xi32>
        %parallel_loop3A_379 = arith.select %parallel_loop3A_372, %parallel_loop3A_376, %parallel_loop3A_378 : vector<16xi1>, vector<16xi32>
        %parallel_loop3A_380 = arith.constant 16 : i32
        %parallel_loop3A_381 = arith.muli %parallel_loop3A_366, %parallel_loop3A_380 : i32
        %parallel_loop3A_382 = arith.index_cast %parallel_loop3A_381 : i32 to index
        %parallel_loop3A_383 = tpu.vector_load %arg12[%parallel_loop3A_382] {strides = array<i32>} : memref<2064xf32, #tpu.memory_space<vmem>>, vector<16xf32>,
        %parallel_loop3A_384 = arith.subf %parallel_loop3A_383, %while3A_205#1 : vector<16xf32>
        %parallel_loop3A_385 = arith.constant 0.000000e+00 : f32
        %parallel_loop3A_386 = vector.broadcast %parallel_loop3A_385 : f32 to vector<16xf32>
        %parallel_loop3A_387 = arith.maximumf %parallel_loop3A_384, %parallel_loop3A_386 : vector<16xf32>
        tpu.vector_store_idx %arg6[%parallel_loop3A_379], %parallel_loop3A_387 masked %parallel_loop3A_372 : memref<8192xf32, #tpu.memory_space<vmem>>[vector<16xi32>], vector<16xf32>, vector<16xi1>
      } {sc.loop_unroll_factor = 2 : i64, sc.parallel_access}
      %add3A_208 = arith.addi %mul3A_2, %add3A_94 : i32
      %dma_start3A_209 = arith.constant 0 : i32
      %dma_start3A_210 = arith.constant 0 : i32
      %dma_start3A_211 = tpu.memref_slice %arg3[%add3A_208, %dma_start3A_210] : memref<2048x8192xf32, #tpu.memory_space<hbm>> -> memref<1x8192xf32, #tpu.memory_space<hbm>>
      %dma_start3A_212 = tpu.memref_squeeze %dma_start3A_211 : memref<1x8192xf32, #tpu.memory_space<hbm>> -> memref<8192xf32, #tpu.memory_space<hbm>>
      %dma_start3A_213 = tpu.memref_slice %arg15[%dma_start3A_209] : memref<2x!tpu.dma_semaphore, #tpu.memory_space<semaphore_mem>> -> memref<1x!tpu.dma_semaphore, #tpu.memory_space<semaphore_mem>>
      %dma_start3A_214 = tpu.memref_squeeze %dma_start3A_213 : memref<1x!tpu.dma_semaphore, #tpu.memory_space<semaphore_mem>> -> memref<!tpu.dma_semaphore, #tpu.memory_space<semaphore_mem>>
      %dma_start3A_215 = arith.constant 0 : i32
      %dma_start3A_216 = tpu.memref_slice %arg3[%add3A_208, %dma_start3A_215] : memref<2048x8192xf32, #tpu.memory_space<hbm>> -> memref<1x8192xf32, #tpu.memory_space<hbm>>
      %dma_start3A_217 = tpu.memref_squeeze %dma_start3A_216 : memref<1x8192xf32, #tpu.memory_space<hbm>> -> memref<8192xf32, #tpu.memory_space<hbm>>
      tpu.enqueue_dma source(%arg6 : memref<8192xf32, #tpu.memory_space<vmem>>) target(%dma_start3A_217 : memref<8192xf32, #tpu.memory_space<hbm>>) target_semaphore(%dma_start3A_214 : memref<!tpu.dma_semaphore, #tpu.memory_space<semaphore_mem>>)
      %add3A_218 = arith.constant 1 : i32
      %add3A_219 = arith.addi %add3A_92, %add3A_218 : i32
      %add3A_220 = arith.constant 1 : i32
      %add3A_221 = arith.addi %add3A_219, %add3A_220 : i32
      %lt3A_222 = arith.constant 64 : i32
      %lt3A_223 = arith.cmpi slt, %add3A_221, %lt3A_222 : i32
      %convert_element_type3A_224 = arith.extui %lt3A_223 : i1 to i32
      %cond3A_225 = arith.constant 0 : i32
      %cond3A_226 = arith.cmpi ne, %convert_element_type3A_224, %cond3A_225 : i32
      scf.if %cond3A_226 {
        %add3A_366 = arith.constant 1 : i32
        %add3A_367 = arith.addi %add3A_219, %add3A_366 : i32
        %add3A_368 = arith.addi %mul3A_2, %add3A_367 : i32
        %dma_start3A_369 = arith.constant 0 : i32
        %dma_start3A_370 = arith.constant 0 : i32
        %dma_start3A_371 = tpu.memref_slice %arg2[%add3A_368, %dma_start3A_370] : memref<2048x8192xf32, #tpu.memory_space<hbm>> -> memref<1x8192xf32, #tpu.memory_space<hbm>>
        %dma_start3A_372 = tpu.memref_squeeze %dma_start3A_371 : memref<1x8192xf32, #tpu.memory_space<hbm>> -> memref<8192xf32, #tpu.memory_space<hbm>>
        %dma_start3A_373 = tpu.memref_slice %arg14[%dma_start3A_369] : memref<2x!tpu.dma_semaphore, #tpu.memory_space<semaphore_mem>> -> memref<1x!tpu.dma_semaphore, #tpu.memory_space<semaphore_mem>>
        %dma_start3A_374 = tpu.memref_squeeze %dma_start3A_373 : memref<1x!tpu.dma_semaphore, #tpu.memory_space<semaphore_mem>> -> memref<!tpu.dma_semaphore, #tpu.memory_space<semaphore_mem>>
        %dma_start3A_375 = arith.constant 0 : i32
        %dma_start3A_376 = tpu.memref_slice %arg2[%add3A_368, %dma_start3A_375] : memref<2048x8192xf32, #tpu.memory_space<hbm>> -> memref<1x8192xf32, #tpu.memory_space<hbm>>
        %dma_start3A_377 = tpu.memref_squeeze %dma_start3A_376 : memref<1x8192xf32, #tpu.memory_space<hbm>> -> memref<8192xf32, #tpu.memory_space<hbm>>
        tpu.enqueue_dma source(%dma_start3A_377 : memref<8192xf32, #tpu.memory_space<hbm>>) target(%arg4 : memref<8192xf32, #tpu.memory_space<vmem>>) target_semaphore(%dma_start3A_374 : memref<!tpu.dma_semaphore, #tpu.memory_space<semaphore_mem>>)
      } else {
      }
      %add3A_227 = arith.addi %mul3A_2, %add3A_219 : i32
      %dma_wait3A_228 = arith.constant 1 : i32
      %dma_wait3A_229 = arith.constant 0 : i32
      %dma_wait3A_230 = tpu.memref_slice %arg2[%add3A_227, %dma_wait3A_229] : memref<2048x8192xf32, #tpu.memory_space<hbm>> -> memref<1x8192xf32, #tpu.memory_space<hbm>>
      %dma_wait3A_231 = tpu.memref_squeeze %dma_wait3A_230 : memref<1x8192xf32, #tpu.memory_space<hbm>> -> memref<8192xf32, #tpu.memory_space<hbm>>
      %dma_wait3A_232 = tpu.memref_slice %arg14[%dma_wait3A_228] : memref<2x!tpu.dma_semaphore, #tpu.memory_space<semaphore_mem>> -> memref<1x!tpu.dma_semaphore, #tpu.memory_space<semaphore_mem>>
      %dma_wait3A_233 = tpu.memref_squeeze %dma_wait3A_232 : memref<1x!tpu.dma_semaphore, #tpu.memory_space<semaphore_mem>> -> memref<!tpu.dma_semaphore, #tpu.memory_space<semaphore_mem>>
      %dma_wait3A_234 = arith.constant 0 : i32
      %dma_wait3A_235 = tpu.memref_slice %arg2[%add3A_227, %dma_wait3A_234] : memref<2048x8192xf32, #tpu.memory_space<hbm>> -> memref<1x8192xf32, #tpu.memory_space<hbm>>
      %dma_wait3A_236 = tpu.memref_squeeze %dma_wait3A_235 : memref<1x8192xf32, #tpu.memory_space<hbm>> -> memref<8192xf32, #tpu.memory_space<hbm>>
      tpu.wait_dma2 semaphore(%dma_wait3A_233 : memref<!tpu.dma_semaphore, #tpu.memory_space<semaphore_mem>>) src(%dma_wait3A_236 : memref<8192xf32, #tpu.memory_space<hbm>>) dst(%arg5 : memref<8192xf32, #tpu.memory_space<vmem>>)
      %ge3A_237 = arith.constant 2 : i32
      %ge3A_238 = arith.cmpi sge, %add3A_219, %ge3A_237 : i32
      %convert_element_type3A_239 = arith.extui %ge3A_238 : i1 to i32
      %cond3A_240 = arith.constant 0 : i32
      %cond3A_241 = arith.cmpi ne, %convert_element_type3A_239, %cond3A_240 : i32
      scf.if %cond3A_241 {
        %sub3A_366 = arith.constant 2 : i32
        %sub3A_367 = arith.subi %add3A_219, %sub3A_366 : i32
        %add3A_368 = arith.addi %mul3A_2, %sub3A_367 : i32
        %dma_wait3A_369 = arith.constant 1 : i32
        %dma_wait3A_370 = arith.constant 0 : i32
        %dma_wait3A_371 = tpu.memref_slice %arg3[%add3A_368, %dma_wait3A_370] : memref<2048x8192xf32, #tpu.memory_space<hbm>> -> memref<1x8192xf32, #tpu.memory_space<hbm>>
        %dma_wait3A_372 = tpu.memref_squeeze %dma_wait3A_371 : memref<1x8192xf32, #tpu.memory_space<hbm>> -> memref<8192xf32, #tpu.memory_space<hbm>>
        %dma_wait3A_373 = tpu.memref_slice %arg15[%dma_wait3A_369] : memref<2x!tpu.dma_semaphore, #tpu.memory_space<semaphore_mem>> -> memref<1x!tpu.dma_semaphore, #tpu.memory_space<semaphore_mem>>
        %dma_wait3A_374 = tpu.memref_squeeze %dma_wait3A_373 : memref<1x!tpu.dma_semaphore, #tpu.memory_space<semaphore_mem>> -> memref<!tpu.dma_semaphore, #tpu.memory_space<semaphore_mem>>
        %dma_wait3A_375 = arith.constant 0 : i32
        %dma_wait3A_376 = tpu.memref_slice %arg3[%add3A_368, %dma_wait3A_375] : memref<2048x8192xf32, #tpu.memory_space<hbm>> -> memref<1x8192xf32, #tpu.memory_space<hbm>>
        %dma_wait3A_377 = tpu.memref_squeeze %dma_wait3A_376 : memref<1x8192xf32, #tpu.memory_space<hbm>> -> memref<8192xf32, #tpu.memory_space<hbm>>
        tpu.wait_dma2 semaphore(%dma_wait3A_374 : memref<!tpu.dma_semaphore, #tpu.memory_space<semaphore_mem>>) src(%arg7 : memref<8192xf32, #tpu.memory_space<vmem>>) dst(%dma_wait3A_377 : memref<8192xf32, #tpu.memory_space<hbm>>)
      } else {
      }
      %broadcast_in_dim3A_242 = arith.constant -1.000000e+30 : f32
      %broadcast_in_dim3A_243 = vector.broadcast %broadcast_in_dim3A_242 : f32 to vector<16xf32>
      %parallel_loop3A_244 = arith.constant 0 : i32
      %parallel_loop3A_245 = arith.constant 128 : i32
      %parallel_loop3A_246 = arith.constant 1 : i32
      %parallel_loop3A_247 = scf.for %parallel_loop3A_366 = %parallel_loop3A_244 to %parallel_loop3A_245 step %parallel_loop3A_246 iter_args(%parallel_loop3A_367 = %broadcast_in_dim3A_243) -> (vector<16xf32>)  : i32 {
        %parallel_loop3A_368 = arith.constant 16 : i32
        %parallel_loop3A_369 = arith.muli %parallel_loop3A_366, %parallel_loop3A_368 : i32
        %parallel_loop3A_370 = arith.index_cast %parallel_loop3A_369 : i32 to index
        %parallel_loop3A_371 = tpu.vector_load %arg5[%parallel_loop3A_370] {strides = array<i32>} : memref<8192xf32, #tpu.memory_space<vmem>>, vector<16xf32>,
        %parallel_loop3A_372 = arith.maximumf %parallel_loop3A_367, %parallel_loop3A_371 : vector<16xf32>
        scf.yield %parallel_loop3A_372 : vector<16xf32>
      } {sc.loop_unroll_factor = 8 : i64, sc.parallel_access}
      %reduce_max3A_248 = arith.constant true
      %reduce_max3A_249 = vector.broadcast %reduce_max3A_248 : i1 to vector<16xi1>
      %reduce_max3A_250 = tpu.scan <max>, %parallel_loop3A_247 masked %reduce_max3A_249 : vector<16xf32>, vector<16xi1> -> vector<16xf32>
      %reduce_max3A_251 = vector.extract %reduce_max3A_250[15] : f32 from vector<16xf32>
      %sub3A_252 = arith.constant 1.000000e+00 : f32
      %sub3A_253 = arith.subf %reduce_max3A_251, %sub3A_252 : f32
      %broadcast_in_dim3A_254 = vector.broadcast %sub3A_253 : f32 to vector<16xf32>
      %scan3A_255 = arith.constant 0 : i32
      %scan3A_256 = arith.constant 32 : i32
      %scan3A_257 = arith.addi %scan3A_255, %scan3A_256 : i32
      %scan3A_258 = arith.constant 1 : i32
      scf.for %scan3A_366 = %scan3A_255 to %scan3A_257 step %scan3A_258  : i32 {
        %mul3A_367 = arith.constant 1 : i32
        %mul3A_368 = arith.muli %scan3A_366, %mul3A_367 : i32
        %add3A_369 = arith.constant 0 : i32
        %add3A_370 = arith.addi %add3A_369, %mul3A_368 : i32
        %mul3A_371 = arith.constant 16 : i32
        %mul3A_372 = arith.muli %add3A_370, %mul3A_371 : i32
        %add3A_373 = arith.constant 0 : i32
        %add3A_374 = arith.addi %mul3A_372, %add3A_373 : i32
        %mul3A_375 = arith.constant 16 : i32
        %mul3A_376 = arith.muli %add3A_374, %mul3A_375 : i32
        %get3A = arith.index_cast %mul3A_376 : i32 to index
        %get3A_377 = tpu.vector_load %arg5[%get3A] {strides = array<i32>} : memref<8192xf32, #tpu.memory_space<vmem>>, vector<16xf32>,
        %mul3A_378 = arith.constant 16 : i32
        %mul3A_379 = arith.muli %add3A_374, %mul3A_378 : i32
        %swap3A_380 = arith.index_cast %mul3A_379 : i32 to index
        %swap3A_381 = tpu.vector_load %arg7[%swap3A_380] {strides = array<i32>} : memref<8192xf32, #tpu.memory_space<vmem>>, vector<16xf32>,
        tpu.vector_store %arg7[%swap3A_380], %broadcast_in_dim3A_3 {strides = array<i32>} : memref<8192xf32, #tpu.memory_space<vmem>>, vector<16xf32>,
        %gt3A = arith.cmpf ogt, %get3A_377, %broadcast_in_dim3A_254 : vector<16xf32>
        %all_reduce_population_count3A = tpu.all_reduce %gt3A {dim = 0 : i64, kind = #tpu.reduction_kind<sum>} : vector<16xi1> -> vector<16xi32>
        %select_n3A_382 = arith.select %eq3A_7, %all_reduce_population_count3A, %broadcast_in_dim3A_5 : vector<16xi1>, vector<16xi32>
        %mul3A_383 = arith.constant 16 : i32
        %mul3A_384 = arith.muli %add3A_370, %mul3A_383 : i32
        %add3A_385 = arith.constant 1 : i32
        %add3A_386 = arith.addi %mul3A_384, %add3A_385 : i32
        %mul3A_387 = arith.constant 16 : i32
        %mul3A_388 = arith.muli %add3A_386, %mul3A_387 : i32
        %get3A_389 = arith.index_cast %mul3A_388 : i32 to index
        %get3A_390 = tpu.vector_load %arg5[%get3A_389] {strides = array<i32>} : memref<8192xf32, #tpu.memory_space<vmem>>, vector<16xf32>,
        %mul3A_391 = arith.constant 16 : i32
        %mul3A_392 = arith.muli %add3A_386, %mul3A_391 : i32
        %swap3A_393 = arith.index_cast %mul3A_392 : i32 to index
        %swap3A_394 = tpu.vector_load %arg7[%swap3A_393] {strides = array<i32>} : memref<8192xf32, #tpu.memory_space<vmem>>, vector<16xf32>,
        tpu.vector_store %arg7[%swap3A_393], %broadcast_in_dim3A_3 {strides = array<i32>} : memref<8192xf32, #tpu.memory_space<vmem>>, vector<16xf32>,
        %gt3A_395 = arith.cmpf ogt, %get3A_390, %broadcast_in_dim3A_254 : vector<16xf32>
        %all_reduce_population_count3A_396 = tpu.all_reduce %gt3A_395 {dim = 0 : i64, kind = #tpu.reduction_kind<sum>} : vector<16xi1> -> vector<16xi32>
        %select_n3A_397 = arith.select %eq3A_10, %all_reduce_population_count3A_396, %select_n3A_382 : vector<16xi1>, vector<16xi32>
        %mul3A_398 = arith.constant 16 : i32
        %mul3A_399 = arith.muli %add3A_370, %mul3A_398 : i32
        %add3A_400 = arith.constant 2 : i32
        %add3A_401 = arith.addi %mul3A_399, %add3A_400 : i32
        %mul3A_402 = arith.constant 16 : i32
        %mul3A_403 = arith.muli %add3A_401, %mul3A_402 : i32
        %get3A_404 = arith.index_cast %mul3A_403 : i32 to index
        %get3A_405 = tpu.vector_load %arg5[%get3A_404] {strides = array<i32>} : memref<8192xf32, #tpu.memory_space<vmem>>, vector<16xf32>,
        %mul3A_406 = arith.constant 16 : i32
        %mul3A_407 = arith.muli %add3A_401, %mul3A_406 : i32
        %swap3A_408 = arith.index_cast %mul3A_407 : i32 to index
        %swap3A_409 = tpu.vector_load %arg7[%swap3A_408] {strides = array<i32>} : memref<8192xf32, #tpu.memory_space<vmem>>, vector<16xf32>,
        tpu.vector_store %arg7[%swap3A_408], %broadcast_in_dim3A_3 {strides = array<i32>} : memref<8192xf32, #tpu.memory_space<vmem>>, vector<16xf32>,
        %gt3A_410 = arith.cmpf ogt, %get3A_405, %broadcast_in_dim3A_254 : vector<16xf32>
        %all_reduce_population_count3A_411 = tpu.all_reduce %gt3A_410 {dim = 0 : i64, kind = #tpu.reduction_kind<sum>} : vector<16xi1> -> vector<16xi32>
        %select_n3A_412 = arith.select %eq3A_13, %all_reduce_population_count3A_411, %select_n3A_397 : vector<16xi1>, vector<16xi32>
        %mul3A_413 = arith.constant 16 : i32
        %mul3A_414 = arith.muli %add3A_370, %mul3A_413 : i32
        %add3A_415 = arith.constant 3 : i32
        %add3A_416 = arith.addi %mul3A_414, %add3A_415 : i32
        %mul3A_417 = arith.constant 16 : i32
        %mul3A_418 = arith.muli %add3A_416, %mul3A_417 : i32
        %get3A_419 = arith.index_cast %mul3A_418 : i32 to index
        %get3A_420 = tpu.vector_load %arg5[%get3A_419] {strides = array<i32>} : memref<8192xf32, #tpu.memory_space<vmem>>, vector<16xf32>,
        %mul3A_421 = arith.constant 16 : i32
        %mul3A_422 = arith.muli %add3A_416, %mul3A_421 : i32
        %swap3A_423 = arith.index_cast %mul3A_422 : i32 to index
        %swap3A_424 = tpu.vector_load %arg7[%swap3A_423] {strides = array<i32>} : memref<8192xf32, #tpu.memory_space<vmem>>, vector<16xf32>,
        tpu.vector_store %arg7[%swap3A_423], %broadcast_in_dim3A_3 {strides = array<i32>} : memref<8192xf32, #tpu.memory_space<vmem>>, vector<16xf32>,
        %gt3A_425 = arith.cmpf ogt, %get3A_420, %broadcast_in_dim3A_254 : vector<16xf32>
        %all_reduce_population_count3A_426 = tpu.all_reduce %gt3A_425 {dim = 0 : i64, kind = #tpu.reduction_kind<sum>} : vector<16xi1> -> vector<16xi32>
        %select_n3A_427 = arith.select %eq3A_16, %all_reduce_population_count3A_426, %select_n3A_412 : vector<16xi1>, vector<16xi32>
        %mul3A_428 = arith.constant 16 : i32
        %mul3A_429 = arith.muli %add3A_370, %mul3A_428 : i32
        %add3A_430 = arith.constant 4 : i32
        %add3A_431 = arith.addi %mul3A_429, %add3A_430 : i32
        %mul3A_432 = arith.constant 16 : i32
        %mul3A_433 = arith.muli %add3A_431, %mul3A_432 : i32
        %get3A_434 = arith.index_cast %mul3A_433 : i32 to index
        %get3A_435 = tpu.vector_load %arg5[%get3A_434] {strides = array<i32>} : memref<8192xf32, #tpu.memory_space<vmem>>, vector<16xf32>,
        %mul3A_436 = arith.constant 16 : i32
        %mul3A_437 = arith.muli %add3A_431, %mul3A_436 : i32
        %swap3A_438 = arith.index_cast %mul3A_437 : i32 to index
        %swap3A_439 = tpu.vector_load %arg7[%swap3A_438] {strides = array<i32>} : memref<8192xf32, #tpu.memory_space<vmem>>, vector<16xf32>,
        tpu.vector_store %arg7[%swap3A_438], %broadcast_in_dim3A_3 {strides = array<i32>} : memref<8192xf32, #tpu.memory_space<vmem>>, vector<16xf32>,
        %gt3A_440 = arith.cmpf ogt, %get3A_435, %broadcast_in_dim3A_254 : vector<16xf32>
        %all_reduce_population_count3A_441 = tpu.all_reduce %gt3A_440 {dim = 0 : i64, kind = #tpu.reduction_kind<sum>} : vector<16xi1> -> vector<16xi32>
        %select_n3A_442 = arith.select %eq3A_19, %all_reduce_population_count3A_441, %select_n3A_427 : vector<16xi1>, vector<16xi32>
        %mul3A_443 = arith.constant 16 : i32
        %mul3A_444 = arith.muli %add3A_370, %mul3A_443 : i32
        %add3A_445 = arith.constant 5 : i32
        %add3A_446 = arith.addi %mul3A_444, %add3A_445 : i32
        %mul3A_447 = arith.constant 16 : i32
        %mul3A_448 = arith.muli %add3A_446, %mul3A_447 : i32
        %get3A_449 = arith.index_cast %mul3A_448 : i32 to index
        %get3A_450 = tpu.vector_load %arg5[%get3A_449] {strides = array<i32>} : memref<8192xf32, #tpu.memory_space<vmem>>, vector<16xf32>,
        %mul3A_451 = arith.constant 16 : i32
        %mul3A_452 = arith.muli %add3A_446, %mul3A_451 : i32
        %swap3A_453 = arith.index_cast %mul3A_452 : i32 to index
        %swap3A_454 = tpu.vector_load %arg7[%swap3A_453] {strides = array<i32>} : memref<8192xf32, #tpu.memory_space<vmem>>, vector<16xf32>,
        tpu.vector_store %arg7[%swap3A_453], %broadcast_in_dim3A_3 {strides = array<i32>} : memref<8192xf32, #tpu.memory_space<vmem>>, vector<16xf32>,
        %gt3A_455 = arith.cmpf ogt, %get3A_450, %broadcast_in_dim3A_254 : vector<16xf32>
        %all_reduce_population_count3A_456 = tpu.all_reduce %gt3A_455 {dim = 0 : i64, kind = #tpu.reduction_kind<sum>} : vector<16xi1> -> vector<16xi32>
        %select_n3A_457 = arith.select %eq3A_22, %all_reduce_population_count3A_456, %select_n3A_442 : vector<16xi1>, vector<16xi32>
        %mul3A_458 = arith.constant 16 : i32
        %mul3A_459 = arith.muli %add3A_370, %mul3A_458 : i32
        %add3A_460 = arith.constant 6 : i32
        %add3A_461 = arith.addi %mul3A_459, %add3A_460 : i32
        %mul3A_462 = arith.constant 16 : i32
        %mul3A_463 = arith.muli %add3A_461, %mul3A_462 : i32
        %get3A_464 = arith.index_cast %mul3A_463 : i32 to index
        %get3A_465 = tpu.vector_load %arg5[%get3A_464] {strides = array<i32>} : memref<8192xf32, #tpu.memory_space<vmem>>, vector<16xf32>,
        %mul3A_466 = arith.constant 16 : i32
        %mul3A_467 = arith.muli %add3A_461, %mul3A_466 : i32
        %swap3A_468 = arith.index_cast %mul3A_467 : i32 to index
        %swap3A_469 = tpu.vector_load %arg7[%swap3A_468] {strides = array<i32>} : memref<8192xf32, #tpu.memory_space<vmem>>, vector<16xf32>,
        tpu.vector_store %arg7[%swap3A_468], %broadcast_in_dim3A_3 {strides = array<i32>} : memref<8192xf32, #tpu.memory_space<vmem>>, vector<16xf32>,
        %gt3A_470 = arith.cmpf ogt, %get3A_465, %broadcast_in_dim3A_254 : vector<16xf32>
        %all_reduce_population_count3A_471 = tpu.all_reduce %gt3A_470 {dim = 0 : i64, kind = #tpu.reduction_kind<sum>} : vector<16xi1> -> vector<16xi32>
        %select_n3A_472 = arith.select %eq3A_25, %all_reduce_population_count3A_471, %select_n3A_457 : vector<16xi1>, vector<16xi32>
        %mul3A_473 = arith.constant 16 : i32
        %mul3A_474 = arith.muli %add3A_370, %mul3A_473 : i32
        %add3A_475 = arith.constant 7 : i32
        %add3A_476 = arith.addi %mul3A_474, %add3A_475 : i32
        %mul3A_477 = arith.constant 16 : i32
        %mul3A_478 = arith.muli %add3A_476, %mul3A_477 : i32
        %get3A_479 = arith.index_cast %mul3A_478 : i32 to index
        %get3A_480 = tpu.vector_load %arg5[%get3A_479] {strides = array<i32>} : memref<8192xf32, #tpu.memory_space<vmem>>, vector<16xf32>,
        %mul3A_481 = arith.constant 16 : i32
        %mul3A_482 = arith.muli %add3A_476, %mul3A_481 : i32
        %swap3A_483 = arith.index_cast %mul3A_482 : i32 to index
        %swap3A_484 = tpu.vector_load %arg7[%swap3A_483] {strides = array<i32>} : memref<8192xf32, #tpu.memory_space<vmem>>, vector<16xf32>,
        tpu.vector_store %arg7[%swap3A_483], %broadcast_in_dim3A_3 {strides = array<i32>} : memref<8192xf32, #tpu.memory_space<vmem>>, vector<16xf32>,
        %gt3A_485 = arith.cmpf ogt, %get3A_480, %broadcast_in_dim3A_254 : vector<16xf32>
        %all_reduce_population_count3A_486 = tpu.all_reduce %gt3A_485 {dim = 0 : i64, kind = #tpu.reduction_kind<sum>} : vector<16xi1> -> vector<16xi32>
        %select_n3A_487 = arith.select %eq3A_28, %all_reduce_population_count3A_486, %select_n3A_472 : vector<16xi1>, vector<16xi32>
        %mul3A_488 = arith.constant 16 : i32
        %mul3A_489 = arith.muli %add3A_370, %mul3A_488 : i32
        %add3A_490 = arith.constant 8 : i32
        %add3A_491 = arith.addi %mul3A_489, %add3A_490 : i32
        %mul3A_492 = arith.constant 16 : i32
        %mul3A_493 = arith.muli %add3A_491, %mul3A_492 : i32
        %get3A_494 = arith.index_cast %mul3A_493 : i32 to index
        %get3A_495 = tpu.vector_load %arg5[%get3A_494] {strides = array<i32>} : memref<8192xf32, #tpu.memory_space<vmem>>, vector<16xf32>,
        %mul3A_496 = arith.constant 16 : i32
        %mul3A_497 = arith.muli %add3A_491, %mul3A_496 : i32
        %swap3A_498 = arith.index_cast %mul3A_497 : i32 to index
        %swap3A_499 = tpu.vector_load %arg7[%swap3A_498] {strides = array<i32>} : memref<8192xf32, #tpu.memory_space<vmem>>, vector<16xf32>,
        tpu.vector_store %arg7[%swap3A_498], %broadcast_in_dim3A_3 {strides = array<i32>} : memref<8192xf32, #tpu.memory_space<vmem>>, vector<16xf32>,
        %gt3A_500 = arith.cmpf ogt, %get3A_495, %broadcast_in_dim3A_254 : vector<16xf32>
        %all_reduce_population_count3A_501 = tpu.all_reduce %gt3A_500 {dim = 0 : i64, kind = #tpu.reduction_kind<sum>} : vector<16xi1> -> vector<16xi32>
        %select_n3A_502 = arith.select %eq3A_31, %all_reduce_population_count3A_501, %select_n3A_487 : vector<16xi1>, vector<16xi32>
        %mul3A_503 = arith.constant 16 : i32
        %mul3A_504 = arith.muli %add3A_370, %mul3A_503 : i32
        %add3A_505 = arith.constant 9 : i32
        %add3A_506 = arith.addi %mul3A_504, %add3A_505 : i32
        %mul3A_507 = arith.constant 16 : i32
        %mul3A_508 = arith.muli %add3A_506, %mul3A_507 : i32
        %get3A_509 = arith.index_cast %mul3A_508 : i32 to index
        %get3A_510 = tpu.vector_load %arg5[%get3A_509] {strides = array<i32>} : memref<8192xf32, #tpu.memory_space<vmem>>, vector<16xf32>,
        %mul3A_511 = arith.constant 16 : i32
        %mul3A_512 = arith.muli %add3A_506, %mul3A_511 : i32
        %swap3A_513 = arith.index_cast %mul3A_512 : i32 to index
        %swap3A_514 = tpu.vector_load %arg7[%swap3A_513] {strides = array<i32>} : memref<8192xf32, #tpu.memory_space<vmem>>, vector<16xf32>,
        tpu.vector_store %arg7[%swap3A_513], %broadcast_in_dim3A_3 {strides = array<i32>} : memref<8192xf32, #tpu.memory_space<vmem>>, vector<16xf32>,
        %gt3A_515 = arith.cmpf ogt, %get3A_510, %broadcast_in_dim3A_254 : vector<16xf32>
        %all_reduce_population_count3A_516 = tpu.all_reduce %gt3A_515 {dim = 0 : i64, kind = #tpu.reduction_kind<sum>} : vector<16xi1> -> vector<16xi32>
        %select_n3A_517 = arith.select %eq3A_34, %all_reduce_population_count3A_516, %select_n3A_502 : vector<16xi1>, vector<16xi32>
        %mul3A_518 = arith.constant 16 : i32
        %mul3A_519 = arith.muli %add3A_370, %mul3A_518 : i32
        %add3A_520 = arith.constant 10 : i32
        %add3A_521 = arith.addi %mul3A_519, %add3A_520 : i32
        %mul3A_522 = arith.constant 16 : i32
        %mul3A_523 = arith.muli %add3A_521, %mul3A_522 : i32
        %get3A_524 = arith.index_cast %mul3A_523 : i32 to index
        %get3A_525 = tpu.vector_load %arg5[%get3A_524] {strides = array<i32>} : memref<8192xf32, #tpu.memory_space<vmem>>, vector<16xf32>,
        %mul3A_526 = arith.constant 16 : i32
        %mul3A_527 = arith.muli %add3A_521, %mul3A_526 : i32
        %swap3A_528 = arith.index_cast %mul3A_527 : i32 to index
        %swap3A_529 = tpu.vector_load %arg7[%swap3A_528] {strides = array<i32>} : memref<8192xf32, #tpu.memory_space<vmem>>, vector<16xf32>,
        tpu.vector_store %arg7[%swap3A_528], %broadcast_in_dim3A_3 {strides = array<i32>} : memref<8192xf32, #tpu.memory_space<vmem>>, vector<16xf32>,
        %gt3A_530 = arith.cmpf ogt, %get3A_525, %broadcast_in_dim3A_254 : vector<16xf32>
        %all_reduce_population_count3A_531 = tpu.all_reduce %gt3A_530 {dim = 0 : i64, kind = #tpu.reduction_kind<sum>} : vector<16xi1> -> vector<16xi32>
        %select_n3A_532 = arith.select %eq3A_37, %all_reduce_population_count3A_531, %select_n3A_517 : vector<16xi1>, vector<16xi32>
        %mul3A_533 = arith.constant 16 : i32
        %mul3A_534 = arith.muli %add3A_370, %mul3A_533 : i32
        %add3A_535 = arith.constant 11 : i32
        %add3A_536 = arith.addi %mul3A_534, %add3A_535 : i32
        %mul3A_537 = arith.constant 16 : i32
        %mul3A_538 = arith.muli %add3A_536, %mul3A_537 : i32
        %get3A_539 = arith.index_cast %mul3A_538 : i32 to index
        %get3A_540 = tpu.vector_load %arg5[%get3A_539] {strides = array<i32>} : memref<8192xf32, #tpu.memory_space<vmem>>, vector<16xf32>,
        %mul3A_541 = arith.constant 16 : i32
        %mul3A_542 = arith.muli %add3A_536, %mul3A_541 : i32
        %swap3A_543 = arith.index_cast %mul3A_542 : i32 to index
        %swap3A_544 = tpu.vector_load %arg7[%swap3A_543] {strides = array<i32>} : memref<8192xf32, #tpu.memory_space<vmem>>, vector<16xf32>,
        tpu.vector_store %arg7[%swap3A_543], %broadcast_in_dim3A_3 {strides = array<i32>} : memref<8192xf32, #tpu.memory_space<vmem>>, vector<16xf32>,
        %gt3A_545 = arith.cmpf ogt, %get3A_540, %broadcast_in_dim3A_254 : vector<16xf32>
        %all_reduce_population_count3A_546 = tpu.all_reduce %gt3A_545 {dim = 0 : i64, kind = #tpu.reduction_kind<sum>} : vector<16xi1> -> vector<16xi32>
        %select_n3A_547 = arith.select %eq3A_40, %all_reduce_population_count3A_546, %select_n3A_532 : vector<16xi1>, vector<16xi32>
        %mul3A_548 = arith.constant 16 : i32
        %mul3A_549 = arith.muli %add3A_370, %mul3A_548 : i32
        %add3A_550 = arith.constant 12 : i32
        %add3A_551 = arith.addi %mul3A_549, %add3A_550 : i32
        %mul3A_552 = arith.constant 16 : i32
        %mul3A_553 = arith.muli %add3A_551, %mul3A_552 : i32
        %get3A_554 = arith.index_cast %mul3A_553 : i32 to index
        %get3A_555 = tpu.vector_load %arg5[%get3A_554] {strides = array<i32>} : memref<8192xf32, #tpu.memory_space<vmem>>, vector<16xf32>,
        %mul3A_556 = arith.constant 16 : i32
        %mul3A_557 = arith.muli %add3A_551, %mul3A_556 : i32
        %swap3A_558 = arith.index_cast %mul3A_557 : i32 to index
        %swap3A_559 = tpu.vector_load %arg7[%swap3A_558] {strides = array<i32>} : memref<8192xf32, #tpu.memory_space<vmem>>, vector<16xf32>,
        tpu.vector_store %arg7[%swap3A_558], %broadcast_in_dim3A_3 {strides = array<i32>} : memref<8192xf32, #tpu.memory_space<vmem>>, vector<16xf32>,
        %gt3A_560 = arith.cmpf ogt, %get3A_555, %broadcast_in_dim3A_254 : vector<16xf32>
        %all_reduce_population_count3A_561 = tpu.all_reduce %gt3A_560 {dim = 0 : i64, kind = #tpu.reduction_kind<sum>} : vector<16xi1> -> vector<16xi32>
        %select_n3A_562 = arith.select %eq3A_43, %all_reduce_population_count3A_561, %select_n3A_547 : vector<16xi1>, vector<16xi32>
        %mul3A_563 = arith.constant 16 : i32
        %mul3A_564 = arith.muli %add3A_370, %mul3A_563 : i32
        %add3A_565 = arith.constant 13 : i32
        %add3A_566 = arith.addi %mul3A_564, %add3A_565 : i32
        %mul3A_567 = arith.constant 16 : i32
        %mul3A_568 = arith.muli %add3A_566, %mul3A_567 : i32
        %get3A_569 = arith.index_cast %mul3A_568 : i32 to index
        %get3A_570 = tpu.vector_load %arg5[%get3A_569] {strides = array<i32>} : memref<8192xf32, #tpu.memory_space<vmem>>, vector<16xf32>,
        %mul3A_571 = arith.constant 16 : i32
        %mul3A_572 = arith.muli %add3A_566, %mul3A_571 : i32
        %swap3A_573 = arith.index_cast %mul3A_572 : i32 to index
        %swap3A_574 = tpu.vector_load %arg7[%swap3A_573] {strides = array<i32>} : memref<8192xf32, #tpu.memory_space<vmem>>, vector<16xf32>,
        tpu.vector_store %arg7[%swap3A_573], %broadcast_in_dim3A_3 {strides = array<i32>} : memref<8192xf32, #tpu.memory_space<vmem>>, vector<16xf32>,
        %gt3A_575 = arith.cmpf ogt, %get3A_570, %broadcast_in_dim3A_254 : vector<16xf32>
        %all_reduce_population_count3A_576 = tpu.all_reduce %gt3A_575 {dim = 0 : i64, kind = #tpu.reduction_kind<sum>} : vector<16xi1> -> vector<16xi32>
        %select_n3A_577 = arith.select %eq3A_46, %all_reduce_population_count3A_576, %select_n3A_562 : vector<16xi1>, vector<16xi32>
        %mul3A_578 = arith.constant 16 : i32
        %mul3A_579 = arith.muli %add3A_370, %mul3A_578 : i32
        %add3A_580 = arith.constant 14 : i32
        %add3A_581 = arith.addi %mul3A_579, %add3A_580 : i32
        %mul3A_582 = arith.constant 16 : i32
        %mul3A_583 = arith.muli %add3A_581, %mul3A_582 : i32
        %get3A_584 = arith.index_cast %mul3A_583 : i32 to index
        %get3A_585 = tpu.vector_load %arg5[%get3A_584] {strides = array<i32>} : memref<8192xf32, #tpu.memory_space<vmem>>, vector<16xf32>,
        %mul3A_586 = arith.constant 16 : i32
        %mul3A_587 = arith.muli %add3A_581, %mul3A_586 : i32
        %swap3A_588 = arith.index_cast %mul3A_587 : i32 to index
        %swap3A_589 = tpu.vector_load %arg7[%swap3A_588] {strides = array<i32>} : memref<8192xf32, #tpu.memory_space<vmem>>, vector<16xf32>,
        tpu.vector_store %arg7[%swap3A_588], %broadcast_in_dim3A_3 {strides = array<i32>} : memref<8192xf32, #tpu.memory_space<vmem>>, vector<16xf32>,
        %gt3A_590 = arith.cmpf ogt, %get3A_585, %broadcast_in_dim3A_254 : vector<16xf32>
        %all_reduce_population_count3A_591 = tpu.all_reduce %gt3A_590 {dim = 0 : i64, kind = #tpu.reduction_kind<sum>} : vector<16xi1> -> vector<16xi32>
        %select_n3A_592 = arith.select %eq3A_49, %all_reduce_population_count3A_591, %select_n3A_577 : vector<16xi1>, vector<16xi32>
        %mul3A_593 = arith.constant 16 : i32
        %mul3A_594 = arith.muli %add3A_370, %mul3A_593 : i32
        %add3A_595 = arith.constant 15 : i32
        %add3A_596 = arith.addi %mul3A_594, %add3A_595 : i32
        %mul3A_597 = arith.constant 16 : i32
        %mul3A_598 = arith.muli %add3A_596, %mul3A_597 : i32
        %get3A_599 = arith.index_cast %mul3A_598 : i32 to index
        %get3A_600 = tpu.vector_load %arg5[%get3A_599] {strides = array<i32>} : memref<8192xf32, #tpu.memory_space<vmem>>, vector<16xf32>,
        %mul3A_601 = arith.constant 16 : i32
        %mul3A_602 = arith.muli %add3A_596, %mul3A_601 : i32
        %swap3A_603 = arith.index_cast %mul3A_602 : i32 to index
        %swap3A_604 = tpu.vector_load %arg7[%swap3A_603] {strides = array<i32>} : memref<8192xf32, #tpu.memory_space<vmem>>, vector<16xf32>,
        tpu.vector_store %arg7[%swap3A_603], %broadcast_in_dim3A_3 {strides = array<i32>} : memref<8192xf32, #tpu.memory_space<vmem>>, vector<16xf32>,
        %gt3A_605 = arith.cmpf ogt, %get3A_600, %broadcast_in_dim3A_254 : vector<16xf32>
        %all_reduce_population_count3A_606 = tpu.all_reduce %gt3A_605 {dim = 0 : i64, kind = #tpu.reduction_kind<sum>} : vector<16xi1> -> vector<16xi32>
        %select_n3A_607 = arith.select %eq3A_52, %all_reduce_population_count3A_606, %select_n3A_592 : vector<16xi1>, vector<16xi32>
        %mul3A_608 = arith.constant 16 : i32
        %mul3A_609 = arith.muli %add3A_370, %mul3A_608 : i32
        %swap3A_610 = arith.index_cast %mul3A_609 : i32 to index
        %swap3A_611 = tpu.vector_load %arg8[%swap3A_610] {strides = array<i32>} : memref<528xi32, #tpu.memory_space<vmem>>, vector<16xi32>,
        tpu.vector_store %arg8[%swap3A_610], %select_n3A_607 {strides = array<i32>} : memref<528xi32, #tpu.memory_space<vmem>>, vector<16xi32>,
      }
      %scan3A_259 = arith.constant 32 : i32
      %parallel_loop3A_260 = arith.constant 0 : i32
      %parallel_loop3A_261 = arith.constant 32 : i32
      %parallel_loop3A_262 = arith.constant 1 : i32
      scf.for %parallel_loop3A_366 = %parallel_loop3A_260 to %parallel_loop3A_261 step %parallel_loop3A_262  : i32 {
        %parallel_loop3A_367 = arith.constant 16 : i32
        %parallel_loop3A_368 = arith.muli %parallel_loop3A_366, %parallel_loop3A_367 : i32
        %parallel_loop3A_369 = arith.index_cast %parallel_loop3A_368 : i32 to index
        %parallel_loop3A_370 = tpu.vector_load %arg8[%parallel_loop3A_369] {strides = array<i32>} : memref<528xi32, #tpu.memory_space<vmem>>, vector<16xi32>,
        %parallel_loop3A_371 = arith.constant true
        %parallel_loop3A_372 = vector.broadcast %parallel_loop3A_371 : i1 to vector<16xi1>
        %parallel_loop3A_373 = tpu.scan <sum>, %parallel_loop3A_370 masked %parallel_loop3A_372 : vector<16xi32>, vector<16xi1> -> vector<16xi32>
        %parallel_loop3A_374 = arith.constant 16 : i32
        %parallel_loop3A_375 = arith.muli %parallel_loop3A_366, %parallel_loop3A_374 : i32
        %parallel_loop3A_376 = arith.index_cast %parallel_loop3A_375 : i32 to index
        %parallel_loop3A_377 = tpu.vector_load %arg9[%parallel_loop3A_376] {strides = array<i32>} : memref<528xi32, #tpu.memory_space<vmem>>, vector<16xi32>,
        tpu.vector_store %arg9[%parallel_loop3A_376], %parallel_loop3A_373 {strides = array<i32>} : memref<528xi32, #tpu.memory_space<vmem>>, vector<16xi32>,
      } {sc.loop_unroll_factor = 2 : i64, sc.parallel_access}
      %mul3A_263 = arith.constant 16 : i32
      %mul3A_264 = vector.broadcast %mul3A_263 : i32 to vector<16xi32>
      %mul3A_265 = arith.muli %iota3A, %mul3A_264 : vector<16xi32>
      %add3A_266 = arith.constant 15 : i32
      %add3A_267 = vector.broadcast %add3A_266 : i32 to vector<16xi32>
      %add3A_268 = arith.addi %mul3A_265, %add3A_267 : vector<16xi32>
      %gather3A_269 = tpu.vector_load_idx %arg9[%add3A_268] : memref<528xi32, #tpu.memory_space<vmem>>[vector<16xi32>], vector<16xi32>,
      %mul3A_270 = arith.constant 16 : i32
      %mul3A_271 = vector.broadcast %mul3A_270 : i32 to vector<16xi32>
      %mul3A_272 = arith.muli %iota3A, %mul3A_271 : vector<16xi32>
      %add3A_273 = arith.constant 271 : i32
      %add3A_274 = vector.broadcast %add3A_273 : i32 to vector<16xi32>
      %add3A_275 = arith.addi %mul3A_272, %add3A_274 : vector<16xi32>
      %gather3A_276 = tpu.vector_load_idx %arg9[%add3A_275] : memref<528xi32, #tpu.memory_space<vmem>>[vector<16xi32>], vector<16xi32>,
      %broadcast_in_dim3A_277 = arith.constant true
      %broadcast_in_dim3A_278 = vector.broadcast %broadcast_in_dim3A_277 : i1 to vector<16xi1>
      %masked_cumsum3A_279 = tpu.scan <sum>, %gather3A_269 masked %broadcast_in_dim3A_278 : vector<16xi32>, vector<16xi1> -> vector<16xi32>
      %broadcast_in_dim3A_280 = arith.constant true
      %broadcast_in_dim3A_281 = vector.broadcast %broadcast_in_dim3A_280 : i1 to vector<16xi1>
      %masked_cumsum3A_282 = tpu.scan <sum>, %gather3A_276 masked %broadcast_in_dim3A_281 : vector<16xi32>, vector<16xi1> -> vector<16xi32>
      %slice3A_283 = vector.extract_strided_slice %masked_cumsum3A_279 {offsets = [15], sizes = [1], strides = [1]} : vector<16xi32> to vector<1xi32>
      %squeeze3A_284 = vector.extract %slice3A_283[0] : i32 from vector<1xi32>
      %broadcast_in_dim3A_285 = vector.broadcast %squeeze3A_284 : i32 to vector<16xi32>
      %add3A_286 = arith.addi %masked_cumsum3A_282, %broadcast_in_dim3A_285 : vector<16xi32>
      %sub3A_287 = arith.subi %masked_cumsum3A_279, %gather3A_269 : vector<16xi32>
      %swap3A_288 = arith.constant 0 : index
      %swap3A_289 = tpu.vector_load %arg10[%swap3A_288] {strides = array<i32>} : memref<48xi32, #tpu.memory_space<vmem>>, vector<16xi32>,
      tpu.vector_store %arg10[%swap3A_288], %sub3A_287 {strides = array<i32>} : memref<48xi32, #tpu.memory_space<vmem>>, vector<16xi32>,
      %sub3A_290 = arith.subi %add3A_286, %gather3A_276 : vector<16xi32>
      %swap3A_291 = arith.constant 16 : index
      %swap3A_292 = tpu.vector_load %arg10[%swap3A_291] {strides = array<i32>} : memref<48xi32, #tpu.memory_space<vmem>>, vector<16xi32>,
      tpu.vector_store %arg10[%swap3A_291], %sub3A_290 {strides = array<i32>} : memref<48xi32, #tpu.memory_space<vmem>>, vector<16xi32>,
      %slice3A_293 = vector.extract_strided_slice %add3A_286 {offsets = [15], sizes = [1], strides = [1]} : vector<16xi32> to vector<1xi32>
      %squeeze3A_294 = vector.extract %slice3A_293[0] : i32 from vector<1xi32>
      %min3A_295 = arith.constant 2048 : i32
      %min3A_296 = arith.minsi %squeeze3A_294, %min3A_295 : i32
      %parallel_loop3A_297 = arith.constant 0 : i32
      %parallel_loop3A_298 = arith.constant 32 : i32
      %parallel_loop3A_299 = arith.constant 1 : i32
      %parallel_loop3A_300 = scf.for %parallel_loop3A_366 = %parallel_loop3A_297 to %parallel_loop3A_298 step %parallel_loop3A_299 iter_args(%parallel_loop3A_367 = %broadcast_in_dim3A_5) -> (vector<16xi32>)  : i32 {
        %parallel_loop3A_368 = arith.constant 16 : i32
        %parallel_loop3A_369 = arith.muli %parallel_loop3A_366, %parallel_loop3A_368 : i32
        %parallel_loop3A_370 = arith.index_cast %parallel_loop3A_369 : i32 to index
        %parallel_loop3A_371 = tpu.vector_load %arg8[%parallel_loop3A_370] {strides = array<i32>} : memref<528xi32, #tpu.memory_space<vmem>>, vector<16xi32>,
        %parallel_loop3A_372 = arith.constant 0 : i32
        %parallel_loop3A_373 = vector.broadcast %parallel_loop3A_372 : i32 to vector<16xi32>
        %parallel_loop3A_374 = arith.cmpi sgt, %parallel_loop3A_371, %parallel_loop3A_373 : vector<16xi32>
        %parallel_loop3A_375 = arith.constant 1 : i32
        %parallel_loop3A_376 = arith.constant 0 : i32
        %parallel_loop3A_377 = vector.broadcast %parallel_loop3A_375 : i32 to vector<16xi32>
        %parallel_loop3A_378 = vector.broadcast %parallel_loop3A_376 : i32 to vector<16xi32>
        %parallel_loop3A_379 = arith.select %parallel_loop3A_374, %parallel_loop3A_377, %parallel_loop3A_378 : vector<16xi1>, vector<16xi32>
        %parallel_loop3A_380 = arith.constant true
        %parallel_loop3A_381 = vector.broadcast %parallel_loop3A_380 : i1 to vector<16xi1>
        %parallel_loop3A_382 = tpu.scan <sum>, %parallel_loop3A_379 masked %parallel_loop3A_381 : vector<16xi32>, vector<16xi1> -> vector<16xi32>
        %parallel_loop3A_383 = arith.addi %parallel_loop3A_367, %parallel_loop3A_382 : vector<16xi32>
        %parallel_loop3A_384 = arith.constant 1 : i32
        %parallel_loop3A_385 = vector.broadcast %parallel_loop3A_384 : i32 to vector<16xi32>
        %parallel_loop3A_386 = arith.subi %parallel_loop3A_383, %parallel_loop3A_385 : vector<16xi32>
        %parallel_loop3A_387 = arith.constant 16 : i32
        %parallel_loop3A_388 = arith.muli %parallel_loop3A_366, %parallel_loop3A_387 : i32
        %parallel_loop3A_389 = vector.broadcast %parallel_loop3A_388 : i32 to vector<16xi32>
        %parallel_loop3A_390 = arith.addi %parallel_loop3A_389, %iota3A : vector<16xi32>
        tpu.vector_store_idx %arg11[%parallel_loop3A_386], %parallel_loop3A_390 masked %parallel_loop3A_374 : memref<528xi32, #tpu.memory_space<vmem>>[vector<16xi32>], vector<16xi32>, vector<16xi1>
        %parallel_loop3A_391 = tpu.all_reduce %parallel_loop3A_374 {dim = 0 : i64, kind = #tpu.reduction_kind<sum>} : vector<16xi1> -> vector<16xi32>
        %parallel_loop3A_392 = arith.addi %parallel_loop3A_367, %parallel_loop3A_391 : vector<16xi32>
        scf.yield %parallel_loop3A_392 : vector<16xi32>
      } {sc.loop_unroll_factor = 2 : i64, sc.parallel_access}
      %slice3A_301 = vector.extract_strided_slice %parallel_loop3A_300 {offsets = [0], sizes = [1], strides = [1]} : vector<16xi32> to vector<1xi32>
      %squeeze3A_302 = vector.extract %slice3A_301[0] : i32 from vector<1xi32>
      %parallel_loop3A_303 = arith.constant 0 : i32
      %parallel_loop3A_304 = arith.constant 1 : i32
      %parallel_loop3A_305 = scf.for %parallel_loop3A_366 = %parallel_loop3A_303 to %squeeze3A_302 step %parallel_loop3A_304 iter_args(%parallel_loop3A_367 = %broadcast_in_dim3A_3) -> (vector<16xf32>)  : i32 {
        %parallel_loop3A_368 = arith.index_cast %parallel_loop3A_366 : i32 to index
        %parallel_loop3A_369 = tpu.vector_load %arg11[%parallel_loop3A_368] {strides = array<i32>} : memref<528xi32, #tpu.memory_space<vmem>>, vector<16xi32>,
        %parallel_loop3A_370 = vector.extract_strided_slice %parallel_loop3A_369 {offsets = [0], sizes = [1], strides = [1]} : vector<16xi32> to vector<1xi32>
        %parallel_loop3A_371 = vector.extract %parallel_loop3A_370[0] : i32 from vector<1xi32>
        %parallel_loop3A_372 = arith.constant 16 : i32
        %parallel_loop3A_373 = arith.divsi %parallel_loop3A_371, %parallel_loop3A_372 : i32
        %parallel_loop3A_374 = arith.constant 0 : i32
        %parallel_loop3A_375 = arith.cmpi sgt, %parallel_loop3A_371, %parallel_loop3A_374 : i32
        %parallel_loop3A_376 = arith.extui %parallel_loop3A_375 : i1 to i32
        %parallel_loop3A_377 = arith.constant 0 : i32
        %parallel_loop3A_378 = arith.cmpi slt, %parallel_loop3A_371, %parallel_loop3A_377 : i32
        %parallel_loop3A_379 = arith.extui %parallel_loop3A_378 : i1 to i32
        %parallel_loop3A_380 = arith.subi %parallel_loop3A_376, %parallel_loop3A_379 : i32
        %parallel_loop3A_381 = arith.constant 0 : i32
        %parallel_loop3A_382 = arith.cmpi sgt, %parallel_loop3A_372, %parallel_loop3A_381 : i32
        %parallel_loop3A_383 = arith.extui %parallel_loop3A_382 : i1 to i32
        %parallel_loop3A_384 = arith.constant 0 : i32
        %parallel_loop3A_385 = arith.cmpi slt, %parallel_loop3A_372, %parallel_loop3A_384 : i32
        %parallel_loop3A_386 = arith.extui %parallel_loop3A_385 : i1 to i32
        %parallel_loop3A_387 = arith.subi %parallel_loop3A_383, %parallel_loop3A_386 : i32
        %parallel_loop3A_388 = arith.cmpi ne, %parallel_loop3A_380, %parallel_loop3A_387 : i32
        %parallel_loop3A_389 = arith.remsi %parallel_loop3A_371, %parallel_loop3A_372 : i32
        %parallel_loop3A_390 = arith.constant 0 : i32
        %parallel_loop3A_391 = arith.cmpi ne, %parallel_loop3A_389, %parallel_loop3A_390 : i32
        %parallel_loop3A_392 = arith.andi %parallel_loop3A_388, %parallel_loop3A_391 : i1
        %parallel_loop3A_393 = arith.constant 1 : i32
        %parallel_loop3A_394 = arith.subi %parallel_loop3A_373, %parallel_loop3A_393 : i32
        %parallel_loop3A_395 = arith.select %parallel_loop3A_392, %parallel_loop3A_394, %parallel_loop3A_373 : i32
        %parallel_loop3A_396 = arith.index_cast %parallel_loop3A_395 : i32 to index
        %parallel_loop3A_397 = tpu.vector_load %arg10[%parallel_loop3A_396] {strides = array<i32>} : memref<48xi32, #tpu.memory_space<vmem>>, vector<16xi32>,
        %parallel_loop3A_398 = vector.extract_strided_slice %parallel_loop3A_397 {offsets = [0], sizes = [1], strides = [1]} : vector<16xi32> to vector<1xi32>
        %parallel_loop3A_399 = vector.extract %parallel_loop3A_398[0] : i32 from vector<1xi32>
        %parallel_loop3A_400 = arith.index_cast %parallel_loop3A_371 : i32 to index
        %parallel_loop3A_401 = tpu.vector_load %arg9[%parallel_loop3A_400] {strides = array<i32>} : memref<528xi32, #tpu.memory_space<vmem>>, vector<16xi32>,
        %parallel_loop3A_402 = vector.extract_strided_slice %parallel_loop3A_401 {offsets = [0], sizes = [1], strides = [1]} : vector<16xi32> to vector<1xi32>
        %parallel_loop3A_403 = vector.extract %parallel_loop3A_402[0] : i32 from vector<1xi32>
        %parallel_loop3A_404 = arith.index_cast %parallel_loop3A_371 : i32 to index
        %parallel_loop3A_405 = tpu.vector_load %arg8[%parallel_loop3A_404] {strides = array<i32>} : memref<528xi32, #tpu.memory_space<vmem>>, vector<16xi32>,
        %parallel_loop3A_406 = vector.extract_strided_slice %parallel_loop3A_405 {offsets = [0], sizes = [1], strides = [1]} : vector<16xi32> to vector<1xi32>
        %parallel_loop3A_407 = vector.extract %parallel_loop3A_406[0] : i32 from vector<1xi32>
        %parallel_loop3A_408 = arith.addi %parallel_loop3A_399, %parallel_loop3A_403 : i32
        %parallel_loop3A_409 = arith.subi %parallel_loop3A_408, %parallel_loop3A_407 : i32
        %parallel_loop3A_410 = arith.constant 2048 : i32
        %parallel_loop3A_411 = arith.minsi %parallel_loop3A_409, %parallel_loop3A_410 : i32
        %parallel_loop3A_412 = arith.constant 16 : i32
        %parallel_loop3A_413 = arith.muli %parallel_loop3A_371, %parallel_loop3A_412 : i32
        %parallel_loop3A_414 = arith.index_cast %parallel_loop3A_413 : i32 to index
        %parallel_loop3A_415 = tpu.vector_load %arg5[%parallel_loop3A_414] {strides = array<i32>} : memref<8192xf32, #tpu.memory_space<vmem>>, vector<16xf32>,
        %parallel_loop3A_416 = arith.cmpf ogt, %parallel_loop3A_415, %broadcast_in_dim3A_254 : vector<16xf32>
        %parallel_loop3A_417 = arith.index_cast %parallel_loop3A_411 : i32 to index
        %parallel_loop3A_418 = tpu.vector_load %arg12[%parallel_loop3A_417] masked %parallel_loop3A_416 {strides = array<i32>} : memref<2064xf32, #tpu.memory_space<vmem>>, vector<16xf32>, vector<16xi1>
        tpu.vector_store %arg12[%parallel_loop3A_417], %parallel_loop3A_415 masked %parallel_loop3A_416 {strides = array<i32>} : memref<2064xf32, #tpu.memory_space<vmem>>, vector<16xf32>, vector<16xi1>
        %parallel_loop3A_419 = arith.constant 16 : i32
        %parallel_loop3A_420 = arith.muli %parallel_loop3A_371, %parallel_loop3A_419 : i32
        %parallel_loop3A_421 = vector.broadcast %parallel_loop3A_420 : i32 to vector<16xi32>
        %parallel_loop3A_422 = arith.addi %parallel_loop3A_421, %iota3A : vector<16xi32>
        %parallel_loop3A_423 = arith.index_cast %parallel_loop3A_411 : i32 to index
        %parallel_loop3A_424 = tpu.vector_load %arg13[%parallel_loop3A_423] masked %parallel_loop3A_416 {strides = array<i32>} : memref<2064xi32, #tpu.memory_space<vmem>>, vector<16xi32>, vector<16xi1>
        tpu.vector_store %arg13[%parallel_loop3A_423], %parallel_loop3A_422 masked %parallel_loop3A_416 {strides = array<i32>} : memref<2064xi32, #tpu.memory_space<vmem>>, vector<16xi32>, vector<16xi1>
        %parallel_loop3A_425 = arith.constant 0.000000e+00 : f32
        %parallel_loop3A_426 = vector.broadcast %parallel_loop3A_425 : f32 to vector<16xf32>
        %parallel_loop3A_427 = arith.select %parallel_loop3A_416, %parallel_loop3A_415, %parallel_loop3A_426 : vector<16xi1>, vector<16xf32>
        %parallel_loop3A_428 = arith.addf %parallel_loop3A_367, %parallel_loop3A_427 : vector<16xf32>
        scf.yield %parallel_loop3A_428 : vector<16xf32>
      } {sc.loop_unroll_factor = 4 : i64, sc.parallel_access}
      %broadcast_in_dim3A_306 = arith.constant -1.000000e+30 : f32
      %broadcast_in_dim3A_307 = vector.broadcast %broadcast_in_dim3A_306 : f32 to vector<16xf32>
      %swap3A_308 = arith.index_cast %min3A_296 : i32 to index
      %swap3A_309 = tpu.vector_load %arg12[%swap3A_308] {strides = array<i32>} : memref<2064xf32, #tpu.memory_space<vmem>>, vector<16xf32>,
      tpu.vector_store %arg12[%swap3A_308], %broadcast_in_dim3A_307 {strides = array<i32>} : memref<2064xf32, #tpu.memory_space<vmem>>, vector<16xf32>,
      %add3A_310 = arith.constant 16 : i32
      %add3A_311 = arith.addi %min3A_296, %add3A_310 : i32
      %sub3A_312 = arith.constant 1 : i32
      %sub3A_313 = arith.subi %add3A_311, %sub3A_312 : i32
      %jit3A_314 = arith.constant 16 : i32
      %div3A_315 = arith.divsi %sub3A_313, %jit3A_314 : i32
      %sign3A_316 = arith.constant 0 : i32
      %sign3A_317 = arith.cmpi sgt, %sub3A_313, %sign3A_316 : i32
      %sign3A_318 = arith.extui %sign3A_317 : i1 to i32
      %sign3A_319 = arith.constant 0 : i32
      %sign3A_320 = arith.cmpi slt, %sub3A_313, %sign3A_319 : i32
      %sign3A_321 = arith.extui %sign3A_320 : i1 to i32
      %sign3A_322 = arith.subi %sign3A_318, %sign3A_321 : i32
      %sign3A_323 = arith.constant 0 : i32
      %sign3A_324 = arith.cmpi sgt, %jit3A_314, %sign3A_323 : i32
      %sign3A_325 = arith.extui %sign3A_324 : i1 to i32
      %sign3A_326 = arith.constant 0 : i32
      %sign3A_327 = arith.cmpi slt, %jit3A_314, %sign3A_326 : i32
      %sign3A_328 = arith.extui %sign3A_327 : i1 to i32
      %sign3A_329 = arith.subi %sign3A_325, %sign3A_328 : i32
      %ne3A_330 = arith.cmpi ne, %sign3A_322, %sign3A_329 : i32
      %rem3A_331 = arith.remsi %sub3A_313, %jit3A_314 : i32
      %ne3A_332 = arith.constant 0 : i32
      %ne3A_333 = arith.cmpi ne, %rem3A_331, %ne3A_332 : i32
      %and3A_334 = arith.andi %ne3A_330, %ne3A_333 : i1
      %sub3A_335 = arith.constant 1 : i32
      %sub3A_336 = arith.subi %div3A_315, %sub3A_335 : i32
      %select_n3A_337 = arith.select %and3A_334, %sub3A_336, %div3A_315 : i32
      %reduce_sum3A_338 = arith.constant true
      %reduce_sum3A_339 = vector.broadcast %reduce_sum3A_338 : i1 to vector<16xi1>
      %reduce_sum3A_340 = tpu.scan <sum>, %parallel_loop3A_305 masked %reduce_sum3A_339 : vector<16xf32>, vector<16xi1> -> vector<16xf32>
      %reduce_sum3A_341 = vector.extract %reduce_sum3A_340[15] : f32 from vector<16xf32>
      %broadcast_in_dim3A_342 = vector.broadcast %reduce_sum3A_341 : f32 to vector<16xf32>
      %sub3A_343 = arith.constant 1.000000e+00 : f32
      %sub3A_344 = vector.broadcast %sub3A_343 : f32 to vector<16xf32>
      %sub3A_345 = arith.subf %broadcast_in_dim3A_342, %sub3A_344 : vector<16xf32>
      %max3A_346 = arith.constant 1 : i32
      %max3A_347 = arith.maxsi %min3A_296, %max3A_346 : i32
      %convert_element_type3A_348 = arith.sitofp %max3A_347 : i32 to f32
      %broadcast_in_dim3A_349 = vector.broadcast %convert_element_type3A_348 : f32 to vector<16xf32>
      %div3A_350 = arith.divf %sub3A_345, %broadcast_in_dim3A_349 : vector<16xf32>
      %while3A_351 = arith.constant 0 : i32
      %while3A_352 = arith.constant true
      %while3A_353:3 = scf.while (%while3A_366 = %while3A_351, %while3A_367 = %div3A_350, %while3A_368 = %while3A_352) : (i32, vector<16xf32>, i1) -> (i32, vector<16xf32>, i1) {
        %lt3A_369 = arith.constant 300 : i32
        %lt3A_370 = arith.cmpi slt, %while3A_366, %lt3A_369 : i32
        %and3A_371 = arith.andi %while3A_368, %lt3A_370 : i1
        scf.condition(%and3A_371) %while3A_366, %while3A_367, %while3A_368 : i32, vector<16xf32>, i1
      } do {
      ^bb0(%while3A_366: i32, %while3A_367: vector<16xf32>, %while3A_368: i1):
        %parallel_loop3A_369 = arith.constant 0 : i32
        %parallel_loop3A_370 = arith.constant 1 : i32
        %parallel_loop3A_371:2 = scf.for %parallel_loop3A_395 = %parallel_loop3A_369 to %select_n3A_337 step %parallel_loop3A_370 iter_args(%parallel_loop3A_396 = %broadcast_in_dim3A_3, %parallel_loop3A_397 = %broadcast_in_dim3A_5) -> (vector<16xf32>, vector<16xi32>)  : i32 {
          %parallel_loop3A_398 = arith.constant 16 : i32
          %parallel_loop3A_399 = arith.muli %parallel_loop3A_395, %parallel_loop3A_398 : i32
          %parallel_loop3A_400 = arith.index_cast %parallel_loop3A_399 : i32 to index
          %parallel_loop3A_401 = tpu.vector_load %arg12[%parallel_loop3A_400] {strides = array<i32>} : memref<2064xf32, #tpu.memory_space<vmem>>, vector<16xf32>,
          %parallel_loop3A_402 = arith.cmpf ogt, %parallel_loop3A_401, %while3A_367 : vector<16xf32>
          %parallel_loop3A_403 = arith.constant 0.000000e+00 : f32
          %parallel_loop3A_404 = vector.broadcast %parallel_loop3A_403 : f32 to vector<16xf32>
          %parallel_loop3A_405 = arith.select %parallel_loop3A_402, %parallel_loop3A_401, %parallel_loop3A_404 : vector<16xi1>, vector<16xf32>
          %parallel_loop3A_406 = arith.addf %parallel_loop3A_396, %parallel_loop3A_405 : vector<16xf32>
          %parallel_loop3A_407 = arith.constant 1 : i32
          %parallel_loop3A_408 = arith.constant 0 : i32
          %parallel_loop3A_409 = vector.broadcast %parallel_loop3A_407 : i32 to vector<16xi32>
          %parallel_loop3A_410 = vector.broadcast %parallel_loop3A_408 : i32 to vector<16xi32>
          %parallel_loop3A_411 = arith.select %parallel_loop3A_402, %parallel_loop3A_409, %parallel_loop3A_410 : vector<16xi1>, vector<16xi32>
          %parallel_loop3A_412 = arith.addi %parallel_loop3A_397, %parallel_loop3A_411 : vector<16xi32>
          scf.yield %parallel_loop3A_406, %parallel_loop3A_412 : vector<16xf32>, vector<16xi32>
        } {sc.loop_unroll_factor = 2 : i64, sc.parallel_access}
        %reduce_sum3A_372 = arith.constant true
        %reduce_sum3A_373 = vector.broadcast %reduce_sum3A_372 : i1 to vector<16xi1>
        %reduce_sum3A_374 = tpu.scan <sum>, %parallel_loop3A_371#1 masked %reduce_sum3A_373 : vector<16xi32>, vector<16xi1> -> vector<16xi32>
        %reduce_sum3A_375 = vector.extract %reduce_sum3A_374[15] : i32 from vector<16xi32>
        %max3A_376 = arith.constant 1 : i32
        %max3A_377 = arith.maxsi %reduce_sum3A_375, %max3A_376 : i32
        %convert_element_type3A_378 = arith.sitofp %max3A_377 : i32 to f32
        %reduce_sum3A_379 = arith.constant true
        %reduce_sum3A_380 = vector.broadcast %reduce_sum3A_379 : i1 to vector<16xi1>
        %reduce_sum3A_381 = tpu.scan <sum>, %parallel_loop3A_371#0 masked %reduce_sum3A_380 : vector<16xf32>, vector<16xi1> -> vector<16xf32>
        %reduce_sum3A_382 = vector.extract %reduce_sum3A_381[15] : f32 from vector<16xf32>
        %broadcast_in_dim3A_383 = vector.broadcast %reduce_sum3A_382 : f32 to vector<16xf32>
        %sub3A_384 = arith.constant 1.000000e+00 : f32
        %sub3A_385 = vector.broadcast %sub3A_384 : f32 to vector<16xf32>
        %sub3A_386 = arith.subf %broadcast_in_dim3A_383, %sub3A_385 : vector<16xf32>
        %broadcast_in_dim3A_387 = vector.broadcast %convert_element_type3A_378 : f32 to vector<16xf32>
        %div3A_388 = arith.divf %sub3A_386, %broadcast_in_dim3A_387 : vector<16xf32>
        %ne3A_389 = arith.cmpf one, %div3A_388, %while3A_367 : vector<16xf32>
        %all_reduce_population_count3A = tpu.all_reduce %ne3A_389 {dim = 0 : i64, kind = #tpu.reduction_kind<sum>} : vector<16xi1> -> vector<16xi32>
        %slice3A_390 = vector.extract_strided_slice %all_reduce_population_count3A {offsets = [0], sizes = [1], strides = [1]} : vector<16xi32> to vector<1xi32>
        %squeeze3A_391 = vector.extract %slice3A_390[0] : i32 from vector<1xi32>
        %gt3A = arith.constant 0 : i32
        %gt3A_392 = arith.cmpi sgt, %squeeze3A_391, %gt3A : i32
        %add3A_393 = arith.constant 1 : i32
        %add3A_394 = arith.addi %while3A_366, %add3A_393 : i32
        scf.yield %add3A_394, %div3A_388, %gt3A_392 : i32, vector<16xf32>, i1
      }
      %parallel_loop3A_354 = arith.constant 0 : i32
      %parallel_loop3A_355 = arith.constant 1 : i32
      scf.for %parallel_loop3A_366 = %parallel_loop3A_354 to %select_n3A_337 step %parallel_loop3A_355  : i32 {
        %parallel_loop3A_367 = arith.constant 16 : i32
        %parallel_loop3A_368 = arith.muli %parallel_loop3A_366, %parallel_loop3A_367 : i32
        %parallel_loop3A_369 = vector.broadcast %parallel_loop3A_368 : i32 to vector<16xi32>
        %parallel_loop3A_370 = arith.addi %parallel_loop3A_369, %iota3A : vector<16xi32>
        %parallel_loop3A_371 = vector.broadcast %min3A_296 : i32 to vector<16xi32>
        %parallel_loop3A_372 = arith.cmpi slt, %parallel_loop3A_370, %parallel_loop3A_371 : vector<16xi32>
        %parallel_loop3A_373 = arith.constant 16 : i32
        %parallel_loop3A_374 = arith.muli %parallel_loop3A_366, %parallel_loop3A_373 : i32
        %parallel_loop3A_375 = arith.index_cast %parallel_loop3A_374 : i32 to index
        %parallel_loop3A_376 = tpu.vector_load %arg13[%parallel_loop3A_375] {strides = array<i32>} : memref<2064xi32, #tpu.memory_space<vmem>>, vector<16xi32>,
        %parallel_loop3A_377 = arith.constant 0 : i32
        %parallel_loop3A_378 = vector.broadcast %parallel_loop3A_377 : i32 to vector<16xi32>
        %parallel_loop3A_379 = arith.select %parallel_loop3A_372, %parallel_loop3A_376, %parallel_loop3A_378 : vector<16xi1>, vector<16xi32>
        %parallel_loop3A_380 = arith.constant 16 : i32
        %parallel_loop3A_381 = arith.muli %parallel_loop3A_366, %parallel_loop3A_380 : i32
        %parallel_loop3A_382 = arith.index_cast %parallel_loop3A_381 : i32 to index
        %parallel_loop3A_383 = tpu.vector_load %arg12[%parallel_loop3A_382] {strides = array<i32>} : memref<2064xf32, #tpu.memory_space<vmem>>, vector<16xf32>,
        %parallel_loop3A_384 = arith.subf %parallel_loop3A_383, %while3A_353#1 : vector<16xf32>
        %parallel_loop3A_385 = arith.constant 0.000000e+00 : f32
        %parallel_loop3A_386 = vector.broadcast %parallel_loop3A_385 : f32 to vector<16xf32>
        %parallel_loop3A_387 = arith.maximumf %parallel_loop3A_384, %parallel_loop3A_386 : vector<16xf32>
        tpu.vector_store_idx %arg7[%parallel_loop3A_379], %parallel_loop3A_387 masked %parallel_loop3A_372 : memref<8192xf32, #tpu.memory_space<vmem>>[vector<16xi32>], vector<16xf32>, vector<16xi1>
      } {sc.loop_unroll_factor = 2 : i64, sc.parallel_access}
      %add3A_356 = arith.addi %mul3A_2, %add3A_219 : i32
      %dma_start3A_357 = arith.constant 1 : i32
      %dma_start3A_358 = arith.constant 0 : i32
      %dma_start3A_359 = tpu.memref_slice %arg3[%add3A_356, %dma_start3A_358] : memref<2048x8192xf32, #tpu.memory_space<hbm>> -> memref<1x8192xf32, #tpu.memory_space<hbm>>
      %dma_start3A_360 = tpu.memref_squeeze %dma_start3A_359 : memref<1x8192xf32, #tpu.memory_space<hbm>> -> memref<8192xf32, #tpu.memory_space<hbm>>
      %dma_start3A_361 = tpu.memref_slice %arg15[%dma_start3A_357] : memref<2x!tpu.dma_semaphore, #tpu.memory_space<semaphore_mem>> -> memref<1x!tpu.dma_semaphore, #tpu.memory_space<semaphore_mem>>
      %dma_start3A_362 = tpu.memref_squeeze %dma_start3A_361 : memref<1x!tpu.dma_semaphore, #tpu.memory_space<semaphore_mem>> -> memref<!tpu.dma_semaphore, #tpu.memory_space<semaphore_mem>>
      %dma_start3A_363 = arith.constant 0 : i32
      %dma_start3A_364 = tpu.memref_slice %arg3[%add3A_356, %dma_start3A_363] : memref<2048x8192xf32, #tpu.memory_space<hbm>> -> memref<1x8192xf32, #tpu.memory_space<hbm>>
      %dma_start3A_365 = tpu.memref_squeeze %dma_start3A_364 : memref<1x8192xf32, #tpu.memory_space<hbm>> -> memref<8192xf32, #tpu.memory_space<hbm>>
      tpu.enqueue_dma source(%arg7 : memref<8192xf32, #tpu.memory_space<vmem>>) target(%dma_start3A_365 : memref<8192xf32, #tpu.memory_space<hbm>>) target_semaphore(%dma_start3A_362 : memref<!tpu.dma_semaphore, #tpu.memory_space<semaphore_mem>>)
    }
    %scan3A_66 = arith.constant 32 : i32
    %add3A_67 = arith.constant 62 : i32
    %add3A_68 = arith.addi %mul3A_2, %add3A_67 : i32
    %dma_wait3A = arith.constant 0 : i32
    %dma_wait3A_69 = arith.constant 0 : i32
    %dma_wait3A_70 = tpu.memref_slice %arg3[%add3A_68, %dma_wait3A_69] : memref<2048x8192xf32, #tpu.memory_space<hbm>> -> memref<1x8192xf32, #tpu.memory_space<hbm>>
    %dma_wait3A_71 = tpu.memref_squeeze %dma_wait3A_70 : memref<1x8192xf32, #tpu.memory_space<hbm>> -> memref<8192xf32, #tpu.memory_space<hbm>>
    %dma_wait3A_72 = tpu.memref_slice %arg15[%dma_wait3A] : memref<2x!tpu.dma_semaphore, #tpu.memory_space<semaphore_mem>> -> memref<1x!tpu.dma_semaphore, #tpu.memory_space<semaphore_mem>>
    %dma_wait3A_73 = tpu.memref_squeeze %dma_wait3A_72 : memref<1x!tpu.dma_semaphore, #tpu.memory_space<semaphore_mem>> -> memref<!tpu.dma_semaphore, #tpu.memory_space<semaphore_mem>>
    %dma_wait3A_74 = arith.constant 0 : i32
    %dma_wait3A_75 = tpu.memref_slice %arg3[%add3A_68, %dma_wait3A_74] : memref<2048x8192xf32, #tpu.memory_space<hbm>> -> memref<1x8192xf32, #tpu.memory_space<hbm>>
    %dma_wait3A_76 = tpu.memref_squeeze %dma_wait3A_75 : memref<1x8192xf32, #tpu.memory_space<hbm>> -> memref<8192xf32, #tpu.memory_space<hbm>>
    tpu.wait_dma2 semaphore(%dma_wait3A_73 : memref<!tpu.dma_semaphore, #tpu.memory_space<semaphore_mem>>) src(%arg6 : memref<8192xf32, #tpu.memory_space<vmem>>) dst(%dma_wait3A_76 : memref<8192xf32, #tpu.memory_space<hbm>>)
    %add3A_77 = arith.constant 63 : i32
    %add3A_78 = arith.addi %mul3A_2, %add3A_77 : i32
    %dma_wait3A_79 = arith.constant 1 : i32
    %dma_wait3A_80 = arith.constant 0 : i32
    %dma_wait3A_81 = tpu.memref_slice %arg3[%add3A_78, %dma_wait3A_80] : memref<2048x8192xf32, #tpu.memory_space<hbm>> -> memref<1x8192xf32, #tpu.memory_space<hbm>>
    %dma_wait3A_82 = tpu.memref_squeeze %dma_wait3A_81 : memref<1x8192xf32, #tpu.memory_space<hbm>> -> memref<8192xf32, #tpu.memory_space<hbm>>
    %dma_wait3A_83 = tpu.memref_slice %arg15[%dma_wait3A_79] : memref<2x!tpu.dma_semaphore, #tpu.memory_space<semaphore_mem>> -> memref<1x!tpu.dma_semaphore, #tpu.memory_space<semaphore_mem>>
    %dma_wait3A_84 = tpu.memref_squeeze %dma_wait3A_83 : memref<1x!tpu.dma_semaphore, #tpu.memory_space<semaphore_mem>> -> memref<!tpu.dma_semaphore, #tpu.memory_space<semaphore_mem>>
    %dma_wait3A_85 = arith.constant 0 : i32
    %dma_wait3A_86 = tpu.memref_slice %arg3[%add3A_78, %dma_wait3A_85] : memref<2048x8192xf32, #tpu.memory_space<hbm>> -> memref<1x8192xf32, #tpu.memory_space<hbm>>
    %dma_wait3A_87 = tpu.memref_squeeze %dma_wait3A_86 : memref<1x8192xf32, #tpu.memory_space<hbm>> -> memref<8192xf32, #tpu.memory_space<hbm>>
    tpu.wait_dma2 semaphore(%dma_wait3A_84 : memref<!tpu.dma_semaphore, #tpu.memory_space<semaphore_mem>>) src(%arg7 : memref<8192xf32, #tpu.memory_space<vmem>>) dst(%dma_wait3A_87 : memref<8192xf32, #tpu.memory_space<hbm>>)
    return
  }
}

</mosaic_0001>

<sc_bundles>
// kernel: _sparsemax_sc.3.cloned.1.call-start
scs
__scs_entry_jumppad:
0x0: {  	(pc) =	sbr.rel $0x88, $3  }
0x1: {  	(tag) =	ssettag $0x0;
	lr =	simm.s32 $0x1  }
0x2: {  	[smem:$0x3FA0] =	sst lr;
	_ =	strace $0xD0000000  }
0x3: {  	_ = 	snop  }
0x4: {  	_ = 	snop  }
0x5: {  	_ = 	snop  }
0x6: {  	_ = 	snop  }
0x7: {  	_ = 	snop  }
__scs_overlays_trampoline_lowered:
0x8: {  	[smem:$0x3FAF] =	sst s0  }
0x9: {  	[smem:$0x3FB0] =	sst s1  }
0xa: {  	[smem:$0x3FB1] =	sst s2  }
0xb: {  	[smem:$0x3FB2] =	sst s3  }
0xc: {  	[smem:$0x3FB3] =	sst s4  }
0xd: {  	[smem:$0x3FB4] =	sst s5  }
0xe: {  	[smem:$0x3FB5] =	sst s6  }
0xf: {  	[smem:$0x3FB6] =	sst s7  }
0x10: {  	[smem:$0x3FB7] =	sst s8  }
0x11: {  	[smem:$0x3FB8] =	sst s9;
	s0 =	simm.s32 @!p0 $0x0  }
0x12: {  	s1 =	sld [smem:$0x3F9E];
	s0 =	simm.s32 @p0 $0x1  }
0x13: {  	[smem:$0x3FB9] =	sst s0;
	s0 =	simm.s32 @!p1 $0x0  }
0x14: {  	s2 =	sld [smem:$0x3F9D];
	s0 =	simm.s32 @p1 $0x1  }
0x15: {  	[smem:$0x3FBA] =	sst s0;
	s0 =	simm.s32 @!p2 $0x0  }
0x16: {  	s3 =	sld [smem:$0x3FDB];
	s0 =	simm.s32 @p2 $0x1  }
0x17: {  	s4 =	simm.s32 $0x1BF5;
	[smem:$0x3FBC] =	sst s0  }
0x18: {  	s0 =	sld [smem:$0x3F9F];
	_ =	swait.ge [sflag:s4], $0x0  }
0x19: {  	s7 =	sld [smem:$0x3FA0]  }
0x1a: {  	s8 =	sadd.s32 $0xFFFFE003, lr  }
0x1b: {  	s9 =	sadd.s32 $0xFFFFFEF7, lr;
	s5 =	simm.s32 $0xFFFFFFFF;
	p2 =	slt.u32 s8, $0xFFFFF086  }
0x1c: {  	p1 =	slt.u32 s9, $0xF7A;
	s5 =	simm.s32 @!p2 $0x0  }
0x1d: {  	s5 =	simm.s32 @p1 $0x1;
	p0 =	seq.s32 s7, s2  }
0x1e: {  	s7 =	smul.u32 @!p0 $0xF7A, s2;
	p2 =	seq.s32 @!p0 s5, $0x0  }
0x1f: {  	s9 =	smul.u32 $0xF7A, s1;
	s8 =	simm.s32 @!p0 $0x1BF5;
	p2 =	por !p2, p0  }
0x20: {  	[sflag:s8] =	ssyncset.s32 @!p0 $0xFFFFF086;
	s6 =	sadd.s32 @!p0 s3, s7;
	s7 =	simm.s32 @!p0 $0x108  }
0x21: {  	s3 =	sadd.s32 s3, s9;
	s6 =	sadd.s32 @!p0 $0x88, s6;
	s7 =	simm.s32 @p2 $0x1082  }
0x22: {  	[simem:s7], [sflag:s8] =	dma.local @!p0 [hbm:s6], $0xF7A  }
0x23: {  	s9 =	sor.u32 $0xD0000000, s2;
	s6 =	simm.s32 $0x108;
	_ =	swait.ge @!p0 [sflag:s8], $0x0  }
0x24: {  	s3 =	sadd.s32 $0x88, s3;
	s6 =	simm.s32 @!p1 $0x1082;
	[sflag:s4] =	ssyncset.s32 $0xFFFFF086  }
0x25: {  	[simem:s6], [sflag:s4] =	dma.local [hbm:s3], $0xF7A  }
0x26: {  	[smem:$0x3FA0] =	sst s1;
	(tag) =	ssettag s2;
	_ =	strace s9  }
0x27: {  	s1 =	sld [smem:$0x3FB0]  }
0x28: {  	s2 =	sld [smem:$0x3FB1]  }
0x29: {  	s4 =	sld [smem:$0x3FB3]  }
0x2a: {  	p0 =	seq.s32 s5, $0x0;
	s5 =	sld [smem:$0x3FB4]  }
0x2b: {  	s6 =	sld [smem:$0x3FB5]  }
0x2c: {  	s7 =	sld [smem:$0x3FB6]  }
0x2d: {  	s3 =	simm.s32 $0x108;
	s8 =	sld [smem:$0x3FB7]  }
0x2e: {  	s3 =	simm.s32 @!p0 $0x1082;
	s9 =	sld [smem:$0x3FB8]  }
0x2f: {  	lr =	sadd.s32 s0, s3;
	s0 =	sld [smem:$0x3FAF]  }
0x30: {  	s3 =	sld [smem:$0x3FB2]  }
0x31: {  	[smem:$0x3FBB] =	sst s10  }
0x32: {  	s10 =	sld [smem:$0x3FB9];
	_ =	sdelay $0x3  }
0x33: {  	p0 =	seq.s32 s10, $0x1;
	s10 =	sld [smem:$0x3FBB];
	_ =	sdelay $0x3  }
0x34: {  	[smem:$0x3FBB] =	sst s10  }
0x35: {  	s10 =	sld [smem:$0x3FBA];
	_ =	sdelay $0x3  }
0x36: {  	p1 =	seq.s32 s10, $0x1;
	s10 =	sld [smem:$0x3FBB];
	_ =	sdelay $0x3  }
0x37: {  	[smem:$0x3FBB] =	sst s10  }
0x38: {  	s10 =	sld [smem:$0x3FBC]  }
0x39: {  	_ = 	snop;
	(pc) =	sbr.ind lr, $3  }
0x3a: {  	_ = 	snop  }
0x3b: {  	_ = 	snop  }
0x3c: {  	p2 =	seq.s32 s10, $0x1;
	s10 =	sld [smem:$0x3FBB]  }
0x3d: {  	_ =	shalt  }
0x3e: {  	_ =	shalt  }
0x3f: {  	_ =	shalt  }
0x40: {  	_ =	shalt  }
0x41: {  	_ =	shalt  }
0x42: {  	_ =	shalt  }
0x43: {  	_ =	shalt  }
0x44: {  	_ =	shalt  }
0x45: {  	_ =	shalt  }
0x46: {  	_ =	shalt  }
0x47: {  	_ =	shalt  }
0x48: {  	_ =	shalt  }
0x49: {  	_ =	shalt  }
0x4a: {  	_ =	shalt  }
0x4b: {  	_ =	shalt  }
0x4c: {  	_ =	shalt  }
0x4d: {  	_ =	shalt  }
0x4e: {  	_ =	shalt  }
0x4f: {  	_ =	shalt  }
0x50: {  	_ =	shalt  }
0x51: {  	_ =	shalt  }
0x52: {  	_ =	shalt  }
0x53: {  	_ =	shalt  }
0x54: {  	_ =	shalt  }
0x55: {  	_ =	shalt  }
0x56: {  	_ =	shalt  }
0x57: {  	_ =	shalt  }
0x58: {  	_ =	shalt  }
0x59: {  	_ =	shalt  }
0x5a: {  	_ =	shalt  }
0x5b: {  	_ =	shalt  }
0x5c: {  	_ =	shalt  }
0x5d: {  	_ =	shalt  }
0x5e: {  	_ =	shalt  }
0x5f: {  	_ =	shalt  }
0x60: {  	_ =	shalt  }
0x61: {  	_ =	shalt  }
0x62: {  	_ =	shalt  }
0x63: {  	_ =	shalt  }
0x64: {  	_ =	shalt  }
0x65: {  	_ =	shalt  }
0x66: {  	_ =	shalt  }
0x67: {  	_ =	shalt  }
0x68: {  	_ =	shalt  }
0x69: {  	_ =	shalt  }
0x6a: {  	_ =	shalt  }
0x6b: {  	_ =	shalt  }
0x6c: {  	_ =	shalt  }
0x6d: {  	_ =	shalt  }
0x6e: {  	_ =	shalt  }
0x6f: {  	_ =	shalt  }
0x70: {  	_ =	shalt  }
0x71: {  	_ =	shalt  }
0x72: {  	_ =	shalt  }
0x73: {  	_ =	shalt  }
0x74: {  	_ =	shalt  }
0x75: {  	_ =	shalt  }
0x76: {  	_ =	shalt  }
0x77: {  	_ =	shalt  }
0x78: {  	_ =	shalt  }
0x79: {  	_ =	shalt  }
0x7a: {  	_ =	shalt  }
0x7b: {  	_ =	shalt  }
0x7c: {  	_ =	shalt  }
0x7d: {  	_ =	shalt  }
0x7e: {  	_ =	shalt  }
0x7f: {  	_ =	shalt  }
0x80: {  	_ =	shalt  }
0x81: {  	_ =	shalt  }
0x82: {  	_ =	shalt  }
0x83: {  	_ =	shalt  }
0x84: {  	_ =	shalt  }
0x85: {  	_ =	shalt  }
0x86: {  	_ =	shalt  }
0x87: {  	_ =	shalt  }
.Lfunc_end0:
.L_simem_size_0:
called_computation_lowered:
.L_overlay_start_0:
0x88: {  	s2 =	sld [smem:$0x3FD9]  }
0x89: {  	s3 =	sld [smem:$0x3FFE];
	_ =	sdelay $0x1  }
0x8a: {  	s1 =	srdreg.scid  }
0x8b: {  	s0 =	sand.u32 $0x1, s1  }
0x8c: {  	s18 =	sshll.u32 s0, $0xA;
	s2 =	sadd.s32 s3, s2  }
0x8d: {  	s2 =	sadd.s32 s2, s18  }
0x8e: {  	[smem:$0x3FC7] =	sst s2  }
0x8f: {  	_ = 	snop  }
0x90: {  	s2 =	sld [smem:$0x3FC9]  }
0x91: {  	s19 =	sld [smem:$0x3FD0];
	(tm) =	ssettm $0x1  }
0x92: {  	s4 =	sld [smem:$0x3FFB];
	_ =	sdelay $0x3  }
0x93: {  	_ =	strace s4  }
0x94: {  	s4 =	sld [smem:$0x3FFC];
	_ =	sdelay $0x3  }
0x95: {  	_ =	strace s4  }
0x96: {  	s4 =	sld [smem:$0x3FFD];
	_ =	sdelay $0x3  }
0x97: {  	_ =	strace s4  }
0x98: {  	_ =	strace $0x8FFFFFFF  }
0x99: {  	s20 =	sld [smem:$0x3FDB];
	_ =	sdelay $0x1  }
0x9a: {  	s5 =	simm.s32 $_scs_section_size  }
0x9b: {  	s6 =	simm.s32 $_size__tile_overlayer_lowered;
	s7 =	simm.s32 $_tile_overlayer_lowered  }
0x9c: {  	s23 =	simm.s32 $0x1BFF;
	s22 =	sshll.u32 s7, $0x1;
	s4 =	sadd.s32 s5, s20  }
0x9d: {  	s8 =	simm.s32 $0x0;
	s21 =	sshll.u32 s6, $0x1;
	s6 =	sadd.s32 s22, s4  }
0x9e: {  	[timem:s8], [sflag:s23] =	dma.local [hbm:s6], s21  }
0x9f: {  	_ =	swait.ge [sflag:s23], s21  }
0xa0: {  	s5 =	ssub.s32 $0x0, s21;
	[sflag:s23] =	ssyncset.done $0x0  }
0xa1: {  	[sflag:s23] =	ssyncadd.s32 s5;
	_ =	sdelay $0x1  }
0xa2: {  	s24 =	simm.s32 $0x1B8B  }
0xa3: {  	_ =	swait.ge [sflag:s24], $0x1  }
0xa4: {  	[sflag:s24] =	ssyncset.done $0x0  }
0xa5: {  	s25 =	simm.s32 $0x1B8E;
	[sflag:s24] =	ssyncadd.s32 $0xFFFFFFFF  }
0xa6: {  	s26 =	simm.s32 $execute0_lowered;
	[smem:$0x3FD2] =	sst s25  }
0xa7: {  	s5 =	sshll.u32 s26, $0x1;
	_ =	strace $0x80000046;
	[dreg:$0x1] =	wrdreg $0xFFFFFFFF  }
0xa8: {  	s28 =	simm.s32 $_size_execute0_lowered;
	s4 =	sadd.s32 s4, s5;
	[dreg:$0x0] =	wrdreg $0x0  }
0xa9: {  	s5 =	sshll.u32 s28, $0x1;
	[dreg:$0x2] =	wrdreg s4  }
0xaa: {  	[dreg:$0x3] =	wrdreg s5  }
0xab: {  	[dreg:$0x4] =	wrdreg $0xC0  }
0xac: {  	_ =	task [dreg:s8], $0x5FFFF  }
0xad: {  	[dreg:$0x1] =	wrdreg $0xFFFFFFFF  }
0xae: {  	[dreg:$0x0] =	wrdreg $0x60  }
0xaf: {  	[dreg:$0x2] =	wrdreg s2  }
0xb0: {  	[dreg:$0x3] =	wrdreg s19  }
0xb1: {  	[dreg:$0x4] =	wrdreg $0x9  }
0xb2: {  	_ =	task.clear_ibuf [dreg:s8], $0x5FFFF;
	_ =	strace $0x90000046  }
0xb3: {  	s29 =	simm.s32 $0x9;
	_ =	strace $0x80000048  }
0xb4: {  	_ =	swait.ge [sflag:s29], $0x1  }
0xb5: {  	[sflag:s29] =	ssyncadd.s32 $0xFFFFFFFF  }
0xb6: {  	_ =	strace $0x90000048  }
0xb7: {  	_ =	sfence  }
0xb8: {  	s30 =	sld [smem:$0x0];
	_ =	sdelay $0x2  }
0xb9: {  	s31 =	sshll.u32 s1, $0xD;
	s1 =	sshrl.u32 s1, $0x2  }
0xba: {  	s3 =	sand.u32 $0x4000, s31;
	s1 =	sadd.s32 s1, s30  }
0xbb: {  	s0 =	sor.u32 s3, s0;
	s1 =	sshll.u32 s1, $0x11  }
0xbc: {  	s0 =	sor.u32 s1, s0  }
0xbd: {  	s0 =	sadd.s32 $0x8F2B, s0  }
0xbe: {  	[sflag:s0] =	ssyncadd.remote.s32 $0x1  }
0xbf: {  	_ =	sfence.sel $0xFFFF  }
0xc0: {  	[dreg:$0x0] =	wrdreg $0xFFFFFFFF;
	(pc) =	sbr.abs _section_cstart, $3  }
0xc1: {  	[dreg:$0x1] =	wrdreg $0xFFFFFFFF  }
0xc2: {  	_ =	task.clear_ibuf [dreg:s8], $0x2FFFF;
	_ =	strace $0x9FFFFFFF  }
0xc3: {  	(tm) =	ssettm $0x7FFFFFFF  }
tec
execute0_lowered:
.L_overlay_start_1:
0x0: {  	(tag) =	ssettag $0x1  }
0x1: {  	s0 =	srdreg.scid  }
0x2: {  	s2 =	stileid.u32;
	s5 =	simm.s32 $0x0;
	s0 =	sand.u32 $0x1, s0  }
0x3: {  	s2 =	sshll.u32 s2, $0x7;
	s1 =	ssub.s32 $0x2, s0;
	s0 =	sshll.u32 s0, $0x6  }
0x4: {  	vm5 =	vmmov $0x1;
	v6 =	vimm.s32 $0x0;
	[smem:$0x7FF] =	sst s5;
	s2 =	sor.u32 s0, s2  }
0x5: {  	v6 =	vsel vm5, $0xFFFFFFFF, v6;
	[dreg:$0x3] =	wrdreg s2  }
0x6: {  	s4 =	rddreg [dreg:$0x0];
	vm6 =	vmmov $0x3;
	_ =	strace $0x80000047;
	[tilespmem:$0x1FF40] =	vst v6;
	v6 =	vimm.s32 $0x0  }
0x7: {  	v6 =	vsel vm6, $0xFFFFFFFF, v6  }
0x8: {  	vm13 =	vmmov $0x7;
	[tilespmem:$0x1FF50] =	vst v6;
	v6 =	vimm.s32 $0x0  }
0x9: {  	v6 =	vsel vm13, $0xFFFFFFFF, v6  }
0xa: {  	vm2 =	vmmov $0xf;
	[tilespmem:$0x1FF60] =	vst v6;
	v6 =	vimm.s32 $0x0  }
0xb: {  	v6 =	vsel vm2, $0xFFFFFFFF, v6  }
0xc: {  	vm3 =	vmmov $0x1f;
	[tilespmem:$0x1FF70] =	vst v6;
	v6 =	vimm.s32 $0x0  }
0xd: {  	v6 =	vsel vm3, $0xFFFFFFFF, v6  }
0xe: {  	vm4 =	vmmov $0x3f;
	[tilespmem:$0x1FF80] =	vst v6;
	v6 =	vimm.s32 $0x0  }
0xf: {  	v6 =	vsel vm4, $0xFFFFFFFF, v6  }
0x10: {  	vm7 =	vmmov $0xff;
	[tilespmem:$0x1FF90] =	vst v6;
	v6 =	vimm.s32 $0x0  }
0x11: {  	v6 =	vsel vm7, $0xFFFFFFFF, v6  }
0x12: {  	vm14 =	vmmov $0x3ff;
	[tilespmem:$0x1FFA0] =	vst v6;
	v6 =	vimm.s32 $0x0  }
0x13: {  	vm0 =	vmmov $0x7f;
	v6 =	vsel vm14, $0xFFFFFFFF, v6  }
0x14: {  	v1 =	vimm.s32 $0x0;
	vm9 =	vmmov $0x7ff;
	[tilespmem:$0x1FFB0] =	vst v6;
	v6 =	vimm.s32 $0x0  }
0x15: {  	v2 =	vimm.s32 $0x0;
	vm10 =	vmmov $0x1fff;
	v6 =	vsel vm9, $0xFFFFFFFF, v6  }
0x16: {  	vm11 =	vmmov $0x3fff;
	v1 =	vsel vm0, $0xFFFFFFFF, v1;
	[tilespmem:$0x1FFC0] =	vst v6;
	v6 =	vimm.s32 $0x0  }
0x17: {  	vm12 =	vmmov $0x7fff;
	vm0 =	vmmov $0x1ff;
	[tilespmem:$0x1FF10] =	vst v1;
	v6 =	vsel vm10, $0xFFFFFFFF, v6  }
.Ltmp0:
0x18: {  	s29 =	simm.s32 $0x80;
	v2 =	vsel vm0, $0xFFFFFFFF, v2;
	vm0 =	vmmov $0xfff;
	[tilespmem:$0x1FFD0] =	vst v6;
	v6 =	vimm.s32 $0x0;
	(pc) =	sbr.rel .LBB2_1-.Ltmp0, $4  }
0x19: {  	s30 =	simm.s32 $0x400;
	s3 =	sshrl.u32 s1, $0x1;
	s31 =	sshll.u32 s2, $0xA;
	v1 =	vlaneseq.u32;
	[tilespmem:$0x1FF20] =	vst v2;
	v2 =	vimm.s32 $0x0;
	v6 =	vsel vm11, $0xFFFFFFFF, v6  }
0x1a: {  	s13 =	simm.s32 $0x8580;
	s28 =	ssub.s32 s1, s3;
	s1 =	sadd.s32 s4, s31;
	v3 =	vmul.u32 $0x10, v1;
	v2 =	vsel vm0, $0xFFFFFFFF, v2;
	[tilespmem:$0x1FFE0] =	vst v6;
	v6 =	vimm.s32 $0x0  }
0x1b: {  	v0 =	vimm.f32 $0.0e+00;
	s14 =	simm.s32 $0x4000;
	v4 =	vimm.s32 $0x0;
	s0 =	smax.u32 s28, $0x1;
	[dreg:$0x4] =	wrdreg s1;
	[tilespmem:$0x1FF30] =	vst v2;
	v6 =	vsel vm12, $0xFFFFFFFF, v6  }
0x1c: {  	v5 =	vimm.f32 $-1.000000020e+30;
	s17 =	simm.s32 $0x6000;
	s2 =	simm.s32 $0x0;
	[dreg:$0x5] =	wrdreg s0;
	v2 =	vor.u32 $0xF, v3;
	v3 =	vor.u32 $0x10F, v3;
	[tilespmem:$0x1FFF0] =	vst v6  }
.LBB2_85:
0x1d: {  	s0 =	simm.s32 $0x3  }
0x1e: {  	_ =	swait.ge [sflag:s0], $0x2000  }
0x1f: {  	[sflag:s0] =	ssyncset.done $0x0  }
0x20: {  	s1 =	simm.s32 $0x4;
	[sflag:s0] =	ssyncadd.s32 $0xFFFFE000  }
0x21: {  	_ =	swait.ge [sflag:s1], $0x2000  }
0x22: {  	s2 =	rddreg [dreg:$0x6]  }
0x23: {  	s31 =	rddreg [dreg:$0x5];
	s2 =	sadd.s32 $0x1, s2  }
0x24: {  	p0 =	sne.s32 s2, s31  }
.Ltmp1:
0x25: {  	_ = 	snop;
	(pc) =	sbr.rel @!p0 .LBB2_86-.Ltmp1, $3  }
0x26: {  	_ =	sdelay $0x1  }
0x27: {  	[sflag:s1] =	ssyncset.done $0x0  }
0x28: {  	[sflag:s1] =	ssyncadd.s32 $0xFFFFE000  }
.LBB2_1:
.Ltmp2:
0x29: {  	(pc) =	sbr.rel .LBB2_2-.Ltmp2, $4  }
0x2a: {  	_ = 	snop  }
0x2b: {  	[dreg:$0x6] =	wrdreg s2  }
0x2c: {  	s0 =	simm.s32 $0x0;
	s1 =	rddreg [dreg:$0x4];
	s20 =	simm.s32 $0x0  }
0x2d: {  	[tilespmem:s0], [sflag:$0x1] =	stream.strided.gather [hbm4b:s1+s29], $0x2000, s30, s29, $0x38;
	[tilespmem:$0x9900] =	vst v63  }
.LBB2_64:
0x2e: {  	_ = 	snop  }
.LBB2_83:
0x2f: {  	_ = 	snop  }
0x30: {  	vm2 =	vlt.s32 v16, v7  }
0x31: {  	vm3 =	vlt.s32 v14, v7;
	v7 =	vnsel vm2, $0x0, v9  }
0x32: {  	v63 =	vnsel vm3, $0x0, v15  }
0x33: {  	v10 =	vsub.f32 v10, v6  }
0x34: {  	[tilespmem:v11+s17+$0x0] =	vst.idx.msk @p1 vm0, v18;
	v8 =	vsub.f32 v8, v6  }
0x35: {  	[tilespmem:v12+s17+$0x0] =	vst.idx.msk @p1 vm1, v17;
	v10 =	vmax.f32 v10, $0.0e+00  }
0x36: {  	v8 =	vmax.f32 v8, $0.0e+00;
	[tilespmem:v7+s17+$0x0] =	vst.idx.msk vm2, v10  }
0x37: {  	[tilespmem:v63+s17+$0x0] =	vst.idx.msk vm3, v8  }
0x38: {  	v7 =	vld [tilespmem:$0x1FF70];
	_ =	sdelay $0x4  }
0x39: {  	vm2 =	vnez.u8 v7;
	v7 =	vld [tilespmem:$0x1FF80];
	_ =	sdelay $0x4  }
0x3a: {  	vm4 =	vmmov vm3;
	vm3 =	vnez.u8 v7;
	v7 =	vld [tilespmem:$0x1FF90];
	_ =	sdelay $0x4  }
0x3b: {  	vm4 =	vnez.u8 v7  }
.LBB2_84:
0x3c: {  	s0 =	sshll.u32 @!p0 s0, $0x4  }
0x3d: {  	v7 =	vld @!p0 [tilespmem:s0+$0x9080];
	_ =	sdelay $0x1  }
0x3e: {  	v8 =	vlaneseq.u32 @!p0;
	v9 =	vld @!p0 [tilespmem:s0+$0x8800]  }
0x3f: {  	v8 =	vor.u32 @!p0 s0, v8  }
0x40: {  	vm0 =	vlt.s32 @!p0 v8, s22  }
0x41: {  	v7 =	vnsel @!p0 vm0, $0x0, v7;
	_ =	sdelay $0x1  }
0x42: {  	v6 =	vsub.f32 @!p0 v9, v6;
	_ =	sdelay $0x1  }
0x43: {  	s20 =	sadd.s32 $0x1, s20;
	s0 =	simm.s32 @!p0 $0x6000;
	v6 =	vmax.f32 @!p0 v6, $0.0e+00  }
0x44: {  	[tilespmem:v7+s0+$0x0] =	vst.idx.msk @!p0 vm0, v6;
	p0 =	sne.s32 s20, $0x20  }
.Ltmp3:
0x45: {  	_ = 	snop;
	(pc) =	sbr.rel @!p0 .LBB2_85-.Ltmp3, $4  }
0x46: {  	s31 =	rddreg [dreg:$0x1]  }
0x47: {  	s1 =	rddreg [dreg:$0x7]  }
0x48: {  	s0 =	sadd.s32 s31, s1  }
0x49: {  	[hbm4b:s0+s29] =	stream.strided.scatter [tilespmem:s17], [sflag:$0x4], $0x2000, s30, s29, $0x38;
	[tilespmem:$0x9900] =	vst v63  }
.LBB2_2:
0x4a: {  	s23 =	sshll.u32 s20, $0x1;
	s0 =	rddreg [dreg:$0x3]  }
0x4b: {  	s0 =	sadd.s32 s0, s23  }
0x4c: {  	s1 =	sshll.u32 s20, $0x5;
	s0 =	sshll.u32 s0, $0xA  }
0x4d: {  	s6 =	sand.u32 $0x60, s1;
	s24 =	sand.u32 $0x1FE000, s0  }
0x4e: {  	s0 =	sor.u32 s24, s6  }
0x4f: {  	s25 =	rddreg [dreg:$0x0];
	s26 =	simm.s32 $0x2000;
	s22 =	sor.u32 $0x10, s0  }
0x50: {  	s28 =	simm.s32 $0x1;
	[dreg:$0x7] =	wrdreg s22;
	s0 =	sadd.s32 s25, s22  }
0x51: {  	[tilespmem:s26], [sflag:$0x2] =	stream.strided.gather [hbm4b:s0+s29], $0x2000, s30, s29, $0x38;
	[tilespmem:$0x9900] =	vst v63  }
0x52: {  	_ =	swait.ge [sflag:s28], $0x2000  }
0x53: {  	p4 =	seq.s32 s20, $0x0;
	[sflag:s28] =	ssyncset.done $0x0  }
0x54: {  	s0 =	simm.s32 @!p4 $0x3;
	[sflag:s28] =	ssyncadd.s32 $0xFFFFE000  }
0x55: {  	_ =	swait.ge @!p4 [sflag:s0], $0x2000  }
0x56: {  	[sflag:s0] =	ssyncset.done @!p4 $0x0  }
0x57: {  	s31 =	simm.s32 $0x40;
	[sflag:s0] =	ssyncadd.s32 @!p4 $0xFFFFE000  }
0x58: {  	v8 =	vld [tilespmem:s31+$0xFFFFFFC0]  }
0x59: {  	v9 =	vld [tilespmem:s31+$0xFFFFFFD0]  }
0x5a: {  	v10 =	vld [tilespmem:s31+$0xFFFFFFE0]  }
0x5b: {  	v6 =	vld [tilespmem:s31+$0xFFFFFFF0]  }
0x5c: {  	v11 =	vimm.f32 $-1.000000020e+30;
	v7 =	vld [tilespmem:s31+$0x0]  }
0x5d: {  	v11 =	vmax.f32 v11, v8;
	v8 =	vld [tilespmem:s31+$0x10]  }
0x5e: {  	v11 =	vmax.f32 v11, v9;
	v9 =	vld [tilespmem:s31+$0x20]  }
0x5f: {  	s1 =	simm.s32 $0xC0;
	s0 =	simm.s32 $0x0;
	v11 =	vmax.f32 v11, v10;
	v10 =	vld [tilespmem:s31+$0x30]  }
.LBB2_3:
0x60: {  	v12 =	vld [tilespmem:s1+$0xFFFFFFC0];
	s0 =	sadd.s32 $0x8, s0;
	v6 =	vmax.f32 v11, v6  }
0x61: {  	v11 =	vld [tilespmem:s1+$0xFFFFFFD0];
	p0 =	slt.u32 s0, $0x78;
	v6 =	vmax.f32 v6, v7  }
0x62: {  	v13 =	vld [tilespmem:s1+$0xFFFFFFE0];
	v7 =	vmax.f32 v6, v8  }
.Ltmp4:
0x63: {  	v6 =	vld [tilespmem:s1+$0xFFFFFFF0];
	v8 =	vmax.f32 v7, v9;
	(pc) =	sbr.rel @p0 .LBB2_3-.Ltmp4, $4  }
0x64: {  	v7 =	vld [tilespmem:s1+$0x0];
	v8 =	vmax.f32 v8, v10  }
0x65: {  	v9 =	vmax.f32 v8, v12;
	v8 =	vld [tilespmem:s1+$0x10]  }
0x66: {  	v10 =	vmax.f32 v9, v11;
	v9 =	vld [tilespmem:s1+$0x20]  }
0x67: {  	v11 =	vmax.f32 v10, v13;
	v10 =	vld [tilespmem:s1+$0x30];
	s1 =	sadd.s32 $0x80, s1  }
0x68: {  	v6 =	vmax.f32 v11, v6  }
0x69: {  	v6 =	vmax.f32 v6, v7  }
0x6a: {  	v6 =	vmax.f32 v6, v8  }
0x6b: {  	v6 =	vmax.f32 v6, v9  }
0x6c: {  	v6 =	vmax.f32 v6, v10  }
0x6d: {  	(xrf0) =	vmax.scan.msk.f32 $0xffff, v6;
	_ =	sdelay $0x5  }
0x6e: {  	v6, _, _ =	vpop (xrf0)  }
0x6f: {  	(v2sf) =	vpush v6, $0xF;
	_ =	sdelay $0xb  }
0x70: {  	s1 =	simm.s32 $0x0  }
0x71: {  	v7 =	vld [tilespmem:s1+$0x0]  }
0x72: {  	v37 =	vld [tilespmem:s1+$0x20]  }
0x73: {  	v8 =	vld [tilespmem:s1+$0x10];
	s0 =	spop (v2sf)  }
0x74: {  	v38 =	vld [tilespmem:s1+$0x30];
	s0 =	sadd.f32 $-1.000000000e+00, s0  }
0x75: {  	v39 =	vld [tilespmem:s1+$0x40]  }
0x76: {  	v12 =	vld [tilespmem:s1+$0x50];
	v6 =	vmov s0  }
0x77: {  	vm0 =	vgt.f32 v7, v6;
	v7 =	vld [tilespmem:s1+$0x60]  }
0x78: {  	v40 =	vld [tilespmem:s1+$0x70];
	vm1 =	vgt.f32 v8, v6;
	v8 =	vmpcnt.ones.xlane vm0;
	vm0 =	vgt.f32 v37, v6  }
0x79: {  	v41 =	vld [tilespmem:s1+$0x80];
	v14 =	vmpcnt.ones.xlane vm0;
	vm0 =	vgt.f32 v38, v6  }
0x7a: {  	v43 =	vld [tilespmem:s1+$0x90];
	v42 =	vmpcnt.ones.xlane vm0;
	vm0 =	vgt.f32 v39, v6  }
0x7b: {  	v45 =	vld [tilespmem:s1+$0xA0];
	v44 =	vmpcnt.ones.xlane vm0;
	vm0 =	vgt.f32 v12, v6  }
0x7c: {  	v46 =	vmpcnt.ones.xlane vm0;
	vm0 =	vgt.f32 v7, v6;
	v7 =	vld [tilespmem:s1+$0xB0]  }
0x7d: {  	v13 =	vmpcnt.ones.xlane vm1;
	v47 =	vmpcnt.ones.xlane vm0;
	vm0 =	vgt.f32 v40, v6  }
0x7e: {  	v15 =	vld [tilespmem:$0x1FF10];
	v49 =	vmpcnt.ones.xlane vm0;
	vm0 =	vgt.f32 v41, v6  }
0x7f: {  	v55 =	vld [tilespmem:$0x1FFA0];
	v8 =	vsel vm5, v8, v13;
	v51 =	vmpcnt.ones.xlane vm0;
	vm0 =	vgt.f32 v43, v6  }
0x80: {  	v57 =	vld [tilespmem:$0x1FFB0];
	v8 =	vsel vm6, v8, v14;
	v53 =	vmpcnt.ones.xlane vm0;
	vm0 =	vgt.f32 v45, v6  }
0x81: {  	v8 =	vsel vm13, v8, v42;
	v56 =	vmpcnt.ones.xlane vm0;
	vm0 =	vgt.f32 v7, v6;
	v7 =	vld [tilespmem:$0x1FF20]  }
0x82: {  	v59 =	vld [tilespmem:$0x1FFC0];
	v8 =	vsel vm2, v8, v44  }
0x83: {  	v48 =	vld [tilespmem:s1+$0xC0];
	v8 =	vsel vm3, v8, v46  }
0x84: {  	v60 =	vld [tilespmem:$0x1FF30];
	vm1 =	vnez.u8 v15;
	v8 =	vsel vm4, v8, v47  }
0x85: {  	v50 =	vld [tilespmem:s1+$0xD0];
	vm8 =	vmmov vm1;
	v8 =	vsel vm1, v8, v49;
	vm1 =	vnez.u8 v55  }
0x86: {  	v52 =	vld [tilespmem:s1+$0xE0];
	vm9 =	vmmov vm1;
	v8 =	vsel vm1, v8, v51;
	vm1 =	vnez.u8 v7  }
0x87: {  	v54 =	vld [tilespmem:s1+$0xF0];
	vm10 =	vmmov vm1;
	v7 =	vsel vm1, v8, v53  }
0x88: {  	v63 =	vld [tilespmem:$0x1FFD0];
	v8 =	vmpcnt.ones.xlane vm0;
	vm0 =	vgt.f32 v48, v6;
	vm1 =	vnez.u8 v57  }
0x89: {  	vm11 =	vmmov vm1;
	v7 =	vsel vm1, v7, v56;
	vm1 =	vnez.u8 v59  }
0x8a: {  	[tilespmem:s1+$0x4000] =	vst v0;
	v58 =	vmpcnt.ones.xlane vm0;
	vm0 =	vgt.f32 v50, v6;
	vm12 =	vmmov vm1  }
0x8b: {  	[tilespmem:s1+$0x4010] =	vst v0;
	v7 =	vsel vm1, v7, v8;
	v8 =	vmpcnt.ones.xlane vm0;
	vm0 =	vgt.f32 v52, v6  }
0x8c: {  	[tilespmem:s1+$0x4020] =	vst v0;
	vm1 =	vnez.u8 v60;
	v61 =	vmpcnt.ones.xlane vm0;
	vm0 =	vgt.f32 v54, v6  }
0x8d: {  	[tilespmem:s1+$0x4030] =	vst v0;
	v7 =	vsel vm1, v7, v58;
	v62 =	vmpcnt.ones.xlane vm0;
	vm0 =	vnez.u8 v63  }
0x8e: {  	[tilespmem:s1+$0x4040] =	vst v0;
	v7 =	vsel vm0, v7, v8;
	v8 =	vld [tilespmem:$0x1FFE0]  }
0x8f: {  	[tilespmem:s1+$0x4050] =	vst v0  }
0x90: {  	[tilespmem:s1+$0x4060] =	vst v0  }
0x91: {  	[tilespmem:s1+$0x4070] =	vst v0  }
0x92: {  	[tilespmem:s1+$0x4080] =	vst v0  }
0x93: {  	[tilespmem:s1+$0x4090] =	vst v0;
	vm7 =	vmmov vm0;
	vm0 =	vnez.u8 v8;
	v8 =	vld [tilespmem:$0x1FFF0]  }
0x94: {  	[tilespmem:s1+$0x40A0] =	vst v0  }
0x95: {  	[tilespmem:s1+$0x40B0] =	vst v0  }
0x96: {  	[tilespmem:s1+$0x40C0] =	vst v0  }
0x97: {  	[tilespmem:s1+$0x40D0] =	vst v0  }
0x98: {  	[tilespmem:s1+$0x40E0] =	vst v0;
	v7 =	vsel vm0, v7, v61;
	vm15 =	vnez.u8 v8  }
0x99: {  	[tilespmem:s1+$0x40F0] =	vst v0;
	s0 =	simm.s32 $0x8000;
	v7 =	vsel vm15, v7, v62  }
0x9a: {  	s1 =	simm.s32 $0x100;
	[tilespmem:s0+$0x0] =	vst v7  }
0x9b: {  	s2 =	simm.s32 $0x800;
	vm14 =	vmmov vm1;
	v7 =	vld [tilespmem:s1+$0x0]  }
.LBB2_5:
0x9c: {  	v8 =	vld [tilespmem:s1+$0x10]  }
0x9d: {  	v9 =	vld [tilespmem:s1+$0x20]  }
0x9e: {  	v10 =	vld [tilespmem:s1+$0x30]  }
0x9f: {  	v11 =	vld [tilespmem:s1+$0x40]  }
0xa0: {  	v12 =	vld [tilespmem:s1+$0x50]  }
0xa1: {  	vm0 =	vgt.f32 v7, v6;
	v7 =	vld [tilespmem:s1+$0x60];
	vm1 =	vgt.f32 v8, v6  }
0xa2: {  	v46 =	vld [tilespmem:s1+$0x70];
	v8 =	vmpcnt.ones.xlane vm0;
	vm0 =	vgt.f32 v9, v6;
	v13 =	vmpcnt.ones.xlane vm1  }
0xa3: {  	[tilespmem:s1+$0x4000] =	vst v0;
	v47 =	vld [tilespmem:s1+$0x80];
	v14 =	vmpcnt.ones.xlane vm0;
	vm0 =	vgt.f32 v10, v6  }
0xa4: {  	[tilespmem:s1+$0x4010] =	vst v0;
	v49 =	vld [tilespmem:s1+$0x90];
	v48 =	vmpcnt.ones.xlane vm0;
	vm0 =	vgt.f32 v11, v6;
	v8 =	vsel vm5, v8, v13  }
0xa5: {  	[tilespmem:s1+$0x4020] =	vst v0;
	v51 =	vld [tilespmem:s1+$0xA0];
	v50 =	vmpcnt.ones.xlane vm0;
	vm0 =	vgt.f32 v12, v6;
	v8 =	vsel vm6, v8, v14  }
0xa6: {  	[tilespmem:s1+$0x4030] =	vst v0;
	v52 =	vmpcnt.ones.xlane vm0;
	vm0 =	vgt.f32 v7, v6;
	v7 =	vld [tilespmem:s1+$0xB0];
	v8 =	vsel vm13, v8, v48  }
0xa7: {  	[tilespmem:s1+$0x4040] =	vst v0;
	v54 =	vld [tilespmem:s1+$0xC0];
	v53 =	vmpcnt.ones.xlane vm0;
	vm0 =	vgt.f32 v46, v6;
	v8 =	vsel vm2, v8, v50  }
0xa8: {  	[tilespmem:s1+$0x4050] =	vst v0;
	v56 =	vld [tilespmem:s1+$0xD0];
	v55 =	vmpcnt.ones.xlane vm0;
	vm0 =	vgt.f32 v47, v6;
	v8 =	vsel vm3, v8, v52  }
0xa9: {  	[tilespmem:s1+$0x4060] =	vst v0;
	v58 =	vld [tilespmem:s1+$0xE0];
	v57 =	vmpcnt.ones.xlane vm0;
	vm0 =	vgt.f32 v49, v6;
	v8 =	vsel vm4, v8, v53  }
0xaa: {  	[tilespmem:s1+$0x4070] =	vst v0;
	v60 =	vld [tilespmem:s1+$0xF0];
	v59 =	vmpcnt.ones.xlane vm0;
	vm0 =	vgt.f32 v51, v6;
	v8 =	vsel vm8, v8, v55  }
0xab: {  	[tilespmem:s1+$0x4080] =	vst v0;
	v63 =	vld [tilespmem:$0x1FFE0];
	v61 =	vmpcnt.ones.xlane vm0;
	vm0 =	vgt.f32 v7, v6;
	v8 =	vsel vm9, v8, v57  }
0xac: {  	[tilespmem:s1+$0x4090] =	vst v0;
	v7 =	vsel vm10, v8, v59;
	v8 =	vmpcnt.ones.xlane vm0;
	vm0 =	vgt.f32 v54, v6  }
0xad: {  	[tilespmem:s1+$0x40A0] =	vst v0;
	v7 =	vsel vm11, v7, v61;
	v9 =	vmpcnt.ones.xlane vm0;
	vm0 =	vgt.f32 v56, v6  }
0xae: {  	[tilespmem:s1+$0x40B0] =	vst v0;
	v7 =	vsel vm12, v7, v8;
	v8 =	vmpcnt.ones.xlane vm0;
	vm0 =	vgt.f32 v58, v6  }
0xaf: {  	p1 =	sne.s32 s2, $0x7C00;
	[tilespmem:s1+$0x40C0] =	vst v0;
	v7 =	vsel vm14, v7, v9;
	v62 =	vmpcnt.ones.xlane vm0;
	vm0 =	vgt.f32 v60, v6  }
.Ltmp5:
0xb0: {  	[tilespmem:s1+$0x40D0] =	vst v0;
	v7 =	vsel vm7, v7, v8;
	v8 =	vmpcnt.ones.xlane vm0;
	vm0 =	vnez.u8 v63;
	(pc) =	sbr.rel @p1 .LBB2_5-.Ltmp5, $4  }
0xb1: {  	[tilespmem:s1+$0x40E0] =	vst v0;
	v7 =	vsel vm0, v7, v62  }
0xb2: {  	[tilespmem:s1+$0x40F0] =	vst v0;
	s0 =	sadd.s32 $0x10, s0;
	v7 =	vsel vm15, v7, v8  }
0xb3: {  	s1 =	sshra.s32 s2, $0x2;
	[tilespmem:s0+$0x0] =	vst v7  }
0xb4: {  	s2 =	sadd.s32 $0x400, s2;
	v7 =	vld [tilespmem:s1+$0x0]  }
0xb5: {  	v8 =	vld [tilespmem:s1+$0x10]  }
0xb6: {  	v9 =	vld [tilespmem:s1+$0x20]  }
0xb7: {  	v10 =	vld [tilespmem:s1+$0x30]  }
0xb8: {  	v11 =	vld [tilespmem:s1+$0x40]  }
0xb9: {  	v12 =	vld [tilespmem:s1+$0x50]  }
0xba: {  	v13 =	vld [tilespmem:s1+$0x60];
	vm0 =	vgt.f32 v7, v6;
	vm1 =	vgt.f32 v8, v6  }
0xbb: {  	v14 =	vld [tilespmem:s1+$0x70];
	v7 =	vmpcnt.ones.xlane vm0;
	vm0 =	vgt.f32 v9, v6;
	v8 =	vmpcnt.ones.xlane vm1  }
0xbc: {  	v15 =	vld [tilespmem:s1+$0x80];
	v18 =	vmpcnt.ones.xlane vm0;
	vm0 =	vgt.f32 v10, v6  }
0xbd: {  	v16 =	vld [tilespmem:s1+$0x90];
	v7 =	vsel vm5, v7, v8;
	v8 =	vmpcnt.ones.xlane vm0;
	vm5 =	vgt.f32 v11, v6  }
0xbe: {  	v17 =	vld [tilespmem:s1+$0xA0];
	v7 =	vsel vm6, v7, v18;
	v11 =	vmpcnt.ones.xlane vm5;
	vm5 =	vgt.f32 v12, v6  }
0xbf: {  	v9 =	vld [tilespmem:s1+$0xB0];
	vm6 =	vgt.f32 v13, v6;
	v7 =	vsel vm13, v7, v8;
	v8 =	vmpcnt.ones.xlane vm5  }
0xc0: {  	v10 =	vld [tilespmem:s1+$0xC0];
	vm13 =	vgt.f32 v14, v6;
	v7 =	vsel vm2, v7, v11;
	v11 =	vmpcnt.ones.xlane vm6  }
0xc1: {  	[tilespmem:s1+$0x4000] =	vst v0;
	v61 =	vld [tilespmem:s1+$0xD0];
	vm5 =	vgt.f32 v15, v6;
	v7 =	vsel vm3, v7, v8;
	v8 =	vmpcnt.ones.xlane vm13  }
0xc2: {  	[tilespmem:s1+$0x4010] =	vst v0;
	vm6 =	vgt.f32 v16, v6;
	v7 =	vsel vm4, v7, v11;
	v11 =	vmpcnt.ones.xlane vm5  }
0xc3: {  	[tilespmem:s1+$0x4020] =	vst v0;
	v7 =	vsel vm8, v7, v8;
	v8 =	vmpcnt.ones.xlane vm6;
	vm8 =	vgt.f32 v17, v6  }
0xc4: {  	[tilespmem:s1+$0x4030] =	vst v0;
	v7 =	vsel vm9, v7, v11;
	v11 =	vmpcnt.ones.xlane vm8;
	vm9 =	vgt.f32 v9, v6  }
0xc5: {  	[tilespmem:s1+$0x4040] =	vst v0;
	v7 =	vsel vm10, v7, v8;
	v8 =	vmpcnt.ones.xlane vm9;
	vm10 =	vgt.f32 v10, v6  }
0xc6: {  	[tilespmem:s1+$0x4050] =	vst v0;
	v7 =	vsel vm11, v7, v11;
	v9 =	vmpcnt.ones.xlane vm10;
	vm11 =	vgt.f32 v61, v6  }
0xc7: {  	[tilespmem:s1+$0x4060] =	vst v0;
	v62 =	vld [tilespmem:s1+$0xE0];
	v7 =	vsel vm12, v7, v8;
	v8 =	vmpcnt.ones.xlane vm11  }
0xc8: {  	[tilespmem:s1+$0x4070] =	vst v0;
	v63 =	vld [tilespmem:s1+$0xF0];
	v7 =	vsel vm14, v7, v9  }
0xc9: {  	[tilespmem:s1+$0x4080] =	vst v0;
	v7 =	vsel vm7, v7, v8;
	v8 =	vld [tilespmem:$0x1FFE0]  }
0xca: {  	[tilespmem:s1+$0x4090] =	vst v0  }
0xcb: {  	[tilespmem:s1+$0x40A0] =	vst v0  }
0xcc: {  	[tilespmem:s1+$0x40B0] =	vst v0;
	vm12 =	vgt.f32 v62, v6  }
0xcd: {  	[tilespmem:s1+$0x40C0] =	vst v0;
	vm13 =	vgt.f32 v63, v6;
	v9 =	vmpcnt.ones.xlane vm12  }
0xce: {  	[tilespmem:s1+$0x40D0] =	vst v0;
	v10 =	vmpcnt.ones.xlane vm13;
	vm14 =	vnez.u8 v8  }
0xcf: {  	[tilespmem:s1+$0x40E0] =	vst v0;
	v7 =	vsel vm14, v7, v9  }
0xd0: {  	[tilespmem:s1+$0x40F0] =	vst v0;
	s0 =	sadd.s32 $0x10, s0;
	v7 =	vsel vm15, v7, v10  }
0xd1: {  	s28 =	simm.s32 $0x8010;
	[tilespmem:s0+$0x0] =	vst v7  }
0xd2: {  	v7 =	vld [tilespmem:s28+$0xFFFFFFF0]  }
0xd3: {  	v8 =	vld [tilespmem:s28+$0x0];
	_ =	sdelay $0x3  }
0xd4: {  	s31 =	simm.s32 $0x8030;
	(xrf0) =	vadd.scan.msk.s32 $0xffff, v7  }
0xd5: {  	v7 =	vld [tilespmem:s31+$0xFFFFFFF0];
	(xrf0) =	vadd.scan.msk.s32 $0xffff, v8  }
0xd6: {  	v8 =	vld [tilespmem:s31+$0x0];
	_ =	sdelay $0x3  }
0xd7: {  	s1 =	simm.s32 $0x8050;
	s0 =	simm.s32 $0x8290;
	(xrf0) =	vadd.scan.msk.s32 $0xffff, v7;
	v9, _, _ =	vpop (xrf0)  }
0xd8: {  	s2 =	simm.s32 $0x4;
	v7 =	vld [tilespmem:s1+$0xFFFFFFF0];
	(xrf0) =	vadd.scan.msk.s32 $0xffff, v8;
	[tilespmem:s0+$0xFFFFFFF0] =	vst v9;
	v8, _, _ =	vpop (xrf0)  }
.LBB2_7:
0xd9: {  	s2 =	sadd.s32 $0x2, s2  }
0xda: {  	v9 =	vld [tilespmem:s1+$0x0];
	[tilespmem:s0+$0x0] =	vst v8;
	s0 =	sadd.s32 $0x20, s0;
	p0 =	slt.u32 s2, $0x1E  }
.Ltmp6:
0xdb: {  	(pc) =	sbr.rel @p0 .LBB2_7-.Ltmp6, $3  }
0xdc: {  	_ =	sdelay $0x1  }
0xdd: {  	s1 =	sadd.s32 $0x20, s1;
	(xrf0) =	vadd.scan.msk.s32 $0xffff, v7;
	v8, _, _ =	vpop (xrf0)  }
0xde: {  	v7 =	vld [tilespmem:s1+$0xFFFFFFF0];
	(xrf0) =	vadd.scan.msk.s32 $0xffff, v9;
	[tilespmem:s0+$0xFFFFFFF0] =	vst v8;
	v8, _, _ =	vpop (xrf0)  }
0xdf: {  	v9 =	vld [tilespmem:s1+$0x0];
	_ =	sdelay $0x3  }
0xe0: {  	(xrf0) =	vadd.scan.msk.s32 $0xffff, v7  }
0xe1: {  	(xrf0) =	vadd.scan.msk.s32 $0xffff, v9;
	_ =	sdelay $0x2  }
0xe2: {  	[tilespmem:s0+$0x0] =	vst v8;
	s22 =	sadd.s32 $0x20, s0;
	v7, _, _ =	vpop (xrf0)  }
0xe3: {  	[tilespmem:s22+$0xFFFFFFF0] =	vst v7;
	v7, _, _ =	vpop (xrf0)  }
0xe4: {  	s0 =	sadd.s32 $0x20, s22;
	[tilespmem:s22+$0x0] =	vst v7;
	v7, _, _ =	vpop (xrf0)  }
0xe5: {  	[tilespmem:s0+$0xFFFFFFF0] =	vst v7;
	v7, _, _ =	vpop (xrf0)  }
0xe6: {  	s25 =	simm.s32 $0x8280;
	[tilespmem:s0+$0x0] =	vst v7  }
0xe7: {  	v8 =	vld.idx.msk [tilespmem:v2+s25+$0x0], $0xffff;
	_ =	sdelay $0x1  }
0xe8: {  	v9 =	vld.idx.msk [tilespmem:v3+s25+$0x0], $0xffff;
	_ =	sdelay $0x2  }
0xe9: {  	(xrf0) =	vadd.scan.msk.s32 $0xffff, v8;
	_ =	sdelay $0x1  }
0xea: {  	(xrf0) =	vadd.scan.msk.s32 $0xffff, v9;
	_ =	sdelay $0x3  }
0xeb: {  	v10, _, _ =	vpop (xrf0)  }
0xec: {  	v7 =	vbroadcast v10, $0xF  }
0xed: {  	v11, _, _ =	vpop (xrf0)  }
0xee: {  	v8 =	vsub.s32 v10, v8;
	v7 =	vadd.s32 v7, v11  }
0xef: {  	[tilespmem:$0x8500] =	vst v8;
	v8 =	vsub.s32 v7, v9  }
0xf0: {  	s26 =	simm.s32 $0x8010;
	[tilespmem:$0x8510] =	vst v8  }
0xf1: {  	v8 =	vld [tilespmem:s26+$0x0];
	_ =	sdelay $0x1  }
0xf2: {  	v9 =	vld [tilespmem:s26+$0xFFFFFFF0];
	_ =	sdelay $0x1  }
0xf3: {  	s28 =	simm.s32 $0x8030  }
0xf4: {  	vm0 =	vgt.s32 v8, $0x0;
	v8 =	vld [tilespmem:s28+$0x0];
	_ =	sdelay $0x1  }
0xf5: {  	s31 =	simm.s32 $0x8050;
	v10 =	vld [tilespmem:s28+$0xFFFFFFF0];
	vm1 =	vgt.s32 v9, $0x0;
	v9 =	vsel vm0, $0x1, v4  }
0xf6: {  	v12 =	vld [tilespmem:s31+$0x0];
	v11 =	vsel vm1, $0x1, v4;
	(xrf0) =	vadd.scan.msk.s32 $0xffff, v9  }
0xf7: {  	v13 =	vld [tilespmem:s31+$0xFFFFFFF0];
	(xrf0) =	vadd.scan.msk.s32 $0xffff, v11  }
0xf8: {  	v11 =	vmpcnt.ones.xlane vm1;
	vm3 =	vgt.s32 v8, $0x0  }
0xf9: {  	v9 =	vimm.s32 $0x0;
	v8 =	vsel vm3, $0x1, v4  }
0xfa: {  	vm2 =	vgt.s32 v10, $0x0;
	vm0 =	vmmov vm0;
	(xrf0) =	vadd.scan.msk.s32 $0xffff, v8;
	v8 =	vadd.s32 v9, v11  }
0xfb: {  	vm5 =	vgt.s32 v12, $0x0;
	v14 =	vsel vm2, $0x1, v4;
	v10 =	vmpcnt.ones.xlane vm0  }
0xfc: {  	vm4 =	vgt.s32 v13, $0x0;
	v15 =	vmpcnt.ones.xlane vm2;
	vm2 =	vmmov vm2;
	v11, _, _ =	vpop (xrf0);
	(xrf0) =	vadd.scan.msk.s32 $0xffff, v14  }
0xfd: {  	vm1 =	vmmov vm1;
	v14 =	vadd.s32 v11, v8;
	v11 =	vadd.s32 v8, v10;
	v8, _, _ =	vpop (xrf0)  }
0xfe: {  	v18 =	vsel vm4, $0x1, v4;
	vm1 =	vmmov vm1;
	v8 =	vadd.s32 v8, v9  }
0xff: {  	vm0 =	vmmov vm0;
	vm3 =	vmmov vm3;
	v10 =	vadd.s32 $0xFFFFFFFF, v8  }
0x100: {  	s1 =	simm.s32 $0x8070;
	s0 =	simm.s32 $0x10;
	v12 =	vsel vm5, $0x1, v4;
	v17 =	vmpcnt.ones.xlane vm3;
	v8 =	vadd.s32 $0xFFFFFFFF, v14  }
0x101: {  	s3 =	simm.s32 $0x0;
	v13 =	vmpcnt.ones.xlane vm4;
	(xrf0) =	vadd.scan.msk.s32 $0xffff, v12;
	v12 =	vadd.s32 v11, v15;
	v9 =	vor.u32 s0, v1;
	v14 =	vld [tilespmem:s1+$0x0];
	v15, _, _ =	vpop (xrf0)  }
0x102: {  	s2 =	simm.s32 $0x6;
	v16 =	vld [tilespmem:s1+$0xFFFFFFF0];
	(xrf0) =	vadd.scan.msk.s32 $0xffff, v18;
	v15 =	vadd.s32 v15, v12;
	v12 =	vadd.s32 v12, v17;
	v18, _, _ =	vpop (xrf0);
	v17 =	vor.u32 s3, v1  }
.LBB2_9:
0x103: {  	s2 =	sadd.s32 $0x2, s2  }
0x104: {  	v18 =	vadd.s32 v18, v11;
	[tilespmem:v10+s13+$0x0] =	vst.idx.msk vm1, v17;
	s0 =	sadd.s32 $0x20, s0;
	v11 =	vmovc v12;
	vm1 =	vmmov vm2;
	vm2 =	vmmov vm4;
	p0 =	slt.u32 s2, $0x1E  }
.Ltmp7:
0x105: {  	v10 =	vadd.s32 $0xFFFFFFFF, v18;
	[tilespmem:v8+s13+$0x0] =	vst.idx.msk vm0, v9;
	v8 =	vadd.s32 $0xFFFFFFFF, v15;
	vm0 =	vmmov vm3;
	(pc) =	sbr.rel @p0 .LBB2_9-.Ltmp7, $4  }
0x106: {  	s1 =	sadd.s32 $0x20, s1;
	v9 =	vor.u32 s0, v1;
	vm3 =	vmmov vm5;
	vm5 =	vgt.s32 v14, $0x0  }
0x107: {  	v17 =	vmpcnt.ones.xlane vm3;
	v14 =	vld [tilespmem:s1+$0x0];
	vm4 =	vgt.s32 v16, $0x0;
	v19 =	vsel vm5, $0x1, v4  }
0x108: {  	v12 =	vadd.s32 v12, v13;
	s3 =	sadd.s32 $0xFFFFFFF0, s0;
	v16 =	vld [tilespmem:s1+$0xFFFFFFF0];
	v20 =	vsel vm4, $0x1, v4;
	(xrf0) =	vadd.scan.msk.s32 $0xffff, v19;
	v13 =	vmpcnt.ones.xlane vm4;
	v15, _, _ =	vpop (xrf0)  }
0x109: {  	(xrf0) =	vadd.scan.msk.s32 $0xffff, v20;
	v15 =	vadd.s32 v15, v12;
	v12 =	vadd.s32 v12, v17;
	v18, _, _ =	vpop (xrf0);
	v17 =	vor.u32 s3, v1  }
0x10a: {  	_ =	sdelay $0x1  }
0x10b: {  	vm6 =	vmmov vm5  }
0x10c: {  	v51 =	vmpcnt.ones.xlane vm6;
	vm15 =	vgt.s32 v14, $0x0;
	vm13 =	vgt.s32 v16, $0x0  }
0x10d: {  	v13 =	vadd.s32 v12, v13;
	vm7 =	vmmov vm15;
	v16 =	vmpcnt.ones.xlane vm13  }
0x10e: {  	v14 =	vadd.s32 v13, v51;
	v19 =	vmpcnt.ones.xlane vm7  }
0x10f: {  	v16 =	vadd.s32 v14, v16  }
0x110: {  	(v2sf) =	vpush v7, $0xF;
	v7 =	vadd.s32 v16, v19  }
0x111: {  	(v2sf) =	vpush v7, $0x0;
	_ =	sdelay $0x9  }
0x112: {  	v7 =	vsel vm15, $0x1, v4  }
0x113: {  	v52 =	vsel vm13, $0x1, v4;
	(xrf0) =	vadd.scan.msk.s32 $0xffff, v7  }
0x114: {  	(xrf0) =	vadd.scan.msk.s32 $0xffff, v52  }
0x115: {  	vm2 =	vmmov vm2;
	v7 =	vadd.s32 v18, v11  }
0x116: {  	v7 =	vadd.s32 $0xFFFFFFFF, v7;
	s25 =	spop (v2sf)  }
0x117: {  	vm4 =	vmmov vm4;
	vm3 =	vmmov vm3;
	v53, _, _ =	vpop (xrf0);
	s26 =	spop (v2sf)  }
0x118: {  	s0 =	sadd.s32 $0x20, s0;
	v15 =	vadd.s32 $0xFFFFFFFF, v15;
	vm6 =	vmmov vm6;
	v54, _, _ =	vpop (xrf0);
	v11 =	vadd.s32 v53, v13;
	s2 =	sshra.s32 s26, $0x1F  }
0x119: {  	s1 =	sadd.s32 $0xFFFFFFF0, s0;
	vm4 =	vmmov vm4;
	v56 =	vadd.s32 v54, v12;
	v58 =	vadd.s32 $0xFFFFFFFF, v11;
	v57, _, _ =	vpop (xrf0);
	s2 =	sshrl.u32 s2, $0x1E  }
0x11a: {  	[tilespmem:v8+s13+$0x0] =	vst.idx.msk vm0, v9;
	v55 =	vor.u32 s1, v1;
	v12 =	vadd.s32 $0xFFFFFFFF, v56;
	v19, _, _ =	vpop (xrf0);
	v8 =	vadd.s32 v57, v16;
	s2 =	sadd.s32 s2, s26  }
0x11b: {  	vm5 =	vmmov vm13;
	[tilespmem:v7+s13+$0x0] =	vst.idx.msk vm2, v55;
	v59 =	vadd.s32 v19, v14;
	v7 =	vadd.s32 $0xFFFFFFFF, v8;
	s28 =	sand.u32 $0xFFFFFFFC, s2  }
0x11c: {  	[tilespmem:v10+s13+$0x0] =	vst.idx.msk vm1, v17;
	s19 =	sadd.s32 $0x20, s0;
	v61 =	vor.u32 s0, v1;
	v60 =	vadd.s32 $0xFFFFFFFF, v59;
	p0 =	slt.s32 s28, $0x1  }
.Ltmp8:
0x11d: {  	s21 =	sadd.s32 $0xFFFFFFF0, s19;
	v62 =	vor.u32 s19, v1;
	[tilespmem:v15+s13+$0x0] =	vst.idx.msk vm3, v61;
	(pc) =	sbr.rel @p0 .LBB2_11-.Ltmp8, $4  }
0x11e: {  	s22 =	sadd.s32 $0x20, s19;
	[tilespmem:v58+s13+$0x0] =	vst.idx.msk vm6, v62;
	v8 =	vor.u32 s21, v1  }
0x11f: {  	s31 =	sadd.s32 $0xFFFFFFF0, s22;
	v63 =	vor.u32 s22, v1;
	[tilespmem:v12+s13+$0x0] =	vst.idx.msk vm4, v8  }
0x120: {  	v8 =	vor.u32 s31, v1;
	[tilespmem:v7+s13+$0x0] =	vst.idx.msk vm7, v63  }
0x121: {  	vm14 =	vmmov vm5;
	vm15 =	vmmov vm7;
	[tilespmem:v60+s13+$0x0] =	vst.idx.msk vm5, v8  }
0x122: {  	v8 =	vld [tilespmem:$0x1FF90];
	_ =	sdelay $0x1  }
0x123: {  	s0 =	simm.s32 @!p4 $0x0  }
0x124: {  	[dreg:$0xa] =	wrdreg s6;
	s0 =	simm.s32 @p4 $0x1  }
0x125: {  	s22 =	simm.s32 $0x8582;
	[smem:$0x7FD] =	sst s0  }
0x126: {  	vm4 =	vnez.u8 v8;
	v8 =	vld [tilespmem:s22+$0x0]  }
0x127: {  	v9 =	vld [tilespmem:s22+$0x1];
	_ =	sdelay $0x1  }
0x128: {  	v10 =	vld [tilespmem:s22+$0xFFFFFFFE];
	_ =	sdelay $0x1  }
0x129: {  	v11 =	vld [tilespmem:s22+$0xFFFFFFFF];
	(v2sf) =	vpush v8, $0x0  }
0x12a: {  	(v2sf) =	vpush v9, $0x0;
	_ =	sdelay $0x1  }
0x12b: {  	(v2sf) =	vpush v10, $0x0;
	_ =	sdelay $0x1  }
0x12c: {  	(v2sf) =	vpush v11, $0x0;
	_ =	sdelay $0x9  }
0x12d: {  	p1 =	sgt.s32 s28, $0x4;
	s0 =	simm.s32 $0x8586;
	s6 =	spop (v2sf)  }
0x12e: {  	s1 =	sshra.s32 s6, $0x1F;
	s8 =	sshll.u32 s6, $0x4;
	s15 =	spop (v2sf)  }
0x12f: {  	s2 =	sand.u32 $0xF, s6;
	s16 =	sshrl.u32 s1, $0x1C;
	s31 =	sand.u32 $0xF, s15  }
.Ltmp9:
0x130: {  	s10 =	sshra.s32 s15, $0x1F;
	s7 =	spop (v2sf);
	(pc) =	sbr.rel @!p1 .LBB2_23-.Ltmp9, $4  }
0x131: {  	s1 =	sshll.u32 s15, $0x4;
	p4 =	slt.s32 s15, $0x1;
	p5 =	sne.s32 s2, $0x0  }
0x132: {  	p3 =	sne.s32 s31, $0x0;
	s19 =	spop (v2sf);
	p2 =	slt.s32 s7, $0x1  }
0x133: {  	v8 =	vld [tilespmem:s8+$0x0];
	s11 =	sshll.u32 s7, $0x4;
	s5 =	sand.u32 $0xF, s7;
	s3 =	sand.u32 $0xF, s19  }
0x134: {  	v7 =	vimm.f32 $0.0e+00;
	v9 =	vld [tilespmem:s11+$0x0];
	p0 =	slt.s32 s19, $0x1;
	s18 =	sshll.u32 s19, $0x4;
	p6 =	sne.s32 s3, $0x0  }
0x135: {  	[dreg:$0x9] =	wrdreg s24  }
0x136: {  	[dreg:$0x8] =	wrdreg s23  }
0x137: {  	v10 =	vld [tilespmem:s0+$0x0];
	_ =	sdelay $0x1  }
0x138: {  	v11 =	vld [tilespmem:s0+$0x1]  }
0x139: {  	s3 =	sshra.s32 s7, $0x1F  }
0x13a: {  	s2 =	sshra.s32 s19, $0x1F;
	p0 =	por !p0, !p6;
	p1 =	slt.s32 s6, $0x1;
	v12 =	vld [tilespmem:s0+$0xFFFFFFFE]  }
0x13b: {  	s4 =	sadd.s32 s16, s6;
	s9 =	simm.s32 $0x1;
	s12 =	sshrl.u32 s10, $0x1C;
	(v2sf) =	vpush v10, $0x0  }
0x13c: {  	v13 =	vld [tilespmem:s0+$0xFFFFFFFF];
	s0 =	sshrl.u32 s3, $0x1C;
	s2 =	sshrl.u32 s2, $0x1C;
	p0 =	por !p0, !p0  }
0x13d: {  	s3 =	simm.s32 $0x1;
	p1 =	por !p1, !p5;
	s4 =	sshra.s32 s4, $0x4;
	(v2sf) =	vpush v11, $0x0  }
0x13e: {  	v15 =	vld [tilespmem:s7+$0x8280];
	s2 =	sadd.s32 s2, s19;
	s3 =	simm.s32 @!p0 $0x0;
	p0 =	por !p1, !p1  }
0x13f: {  	p5 =	sne.s32 s5, $0x0;
	v16 =	vld [tilespmem:s19+$0x8280];
	s2 =	sshra.s32 s2, $0x4;
	s9 =	simm.s32 @!p0 $0x0;
	(v2sf) =	vpush v12, $0x0  }
0x140: {  	v18 =	vld [tilespmem:s6+$0x8280];
	p0 =	por !p2, !p5;
	s2 =	ssub.s32 s2, s3;
	s3 =	ssub.s32 s4, s9  }
0x141: {  	s0 =	sadd.s32 s0, s7;
	p0 =	por !p0, !p0;
	v14 =	vld [tilespmem:s3+$0x8500];
	s3 =	simm.s32 $0x1;
	(v2sf) =	vpush v13, $0x0  }
0x142: {  	p6 =	por !p4, !p3;
	s0 =	sshra.s32 s0, $0x4;
	s3 =	simm.s32 @!p0 $0x0;
	v12 =	vld [tilespmem:s6+$0x8000]  }
0x143: {  	v10 =	vld [tilespmem:s1+$0x0];
	p0 =	por !p6, !p6;
	s0 =	ssub.s32 s0, s3;
	s3 =	simm.s32 $0x1  }
0x144: {  	vm0 =	vgt.f32 v9, v6;
	s3 =	simm.s32 @!p0 $0x0;
	p0 =	sgt.s32 s28, $0x8;
	v13 =	vld [tilespmem:s2+$0x8500];
	s2 =	sadd.s32 s12, s15  }
0x145: {  	v17 =	vnsel vm0, $0x0, v9;
	v11 =	vld [tilespmem:s18+$0x0];
	s16 =	sshra.s32 s2, $0x4;
	s2 =	simm.s32 @!p0 $0x0  }
0x146: {  	v7 =	vadd.f32 v17, v7;
	v17 =	vld [tilespmem:s19+$0x8000];
	s2 =	simm.s32 @p0 $0x1  }
0x147: {  	(v2sf) =	vpush v12, $0x0;
	v12 =	vld [tilespmem:s0+$0x8500];
	[smem:$0x7FB] =	sst s2  }
0x148: {  	p1 =	por $0x1, $0x1;
	s24 =	sld [smem:$0x7FB]  }
0x149: {  	s4 =	simm.s32 $0x8;
	s9 =	simm.s32 @!p1 $0x0  }
0x14a: {  	s9 =	simm.s32 @p1 $0x1;
	vm1 =	vgt.f32 v11, v6;
	s0 =	ssub.s32 s16, s3;
	(v2sf) =	vpush v13, $0x0;
	s6 =	spop (v2sf)  }
0x14b: {  	s2 =	simm.s32 $0x858A;
	v13 =	vnsel vm1, $0x0, v11;
	p1 =	seq.s32 s24, $0x1;
	(v2sf) =	vpush v14, $0x0;
	s19 =	sshra.s32 s6, $0x1F  }
0x14c: {  	vm3 =	vgt.f32 v8, v6;
	v7 =	vadd.f32 v13, v7;
	v13 =	vld [tilespmem:s7+$0x8000];
	(v2sf) =	vpush v15, $0x0;
	s29 =	sshll.u32 s6, $0x4;
	s3 =	spop (v2sf);
	s21 =	sand.u32 $0xF, s6  }
0x14d: {  	v19 =	vld [tilespmem:s15+$0x8280];
	v14 =	vnsel vm3, $0x0, v8;
	(v2sf) =	vpush v16, $0x0;
	s16 =	sshrl.u32 s19, $0x1C;
	s22 =	sand.u32 $0xF, s3;
	s10 =	sshra.s32 s3, $0x1F  }
.Ltmp10:
0x14e: {  	vm4 =	vgt.f32 v10, v6;
	v7 =	vadd.f32 v14, v7;
	s7 =	spop (v2sf);
	s31 =	sshll.u32 s3, $0x4;
	(v2sf) =	vpush v18, $0x0;
	(pc) =	sbr.rel @!p1 .LBB2_25-.Ltmp10, $4  }
0x14f: {  	v15 =	vnsel vm4, $0x0, v10;
	v14 =	vld [tilespmem:s0+$0x8500];
	p4 =	slt.s32 s3, $0x1;
	p5 =	sne.s32 s21, $0x0;
	p3 =	sne.s32 s22, $0x0;
	(v2sf) =	vpush v12, $0x0  }
0x150: {  	s19 =	spop (v2sf);
	p2 =	slt.s32 s7, $0x1;
	v7 =	vadd.f32 v15, v7;
	v15 =	vld [tilespmem:s15+$0x8000];
	s30 =	sshll.u32 s7, $0x4;
	(v2sf) =	vpush v17, $0x0  }
0x151: {  	vm15 =	vmmov vm3;
	vm0 =	vmmov vm0;
	s5 =	sand.u32 $0xF, s7;
	s23 =	sand.u32 $0xF, s19;
	v12 =	vld [tilespmem:s29+$0x0];
	p0 =	slt.s32 s19, $0x1;
	(v2sf) =	vpush v13, $0x0  }
0x152: {  	vm2 =	vmmov vm1;
	vm1 =	vmmov vm4;
	s0 =	sshll.u32 s19, $0x4;
	p6 =	sne.s32 s23, $0x0;
	v13 =	vld [tilespmem:s30+$0x0];
	[smem:$0x7FC] =	sst s9;
	(v2sf) =	vpush v19, $0x0  }
.LBB2_26:
0x153: {  	s12 =	sshra.s32 s7, $0x1F;
	s21 =	sshra.s32 s19, $0x1F;
	p1 =	por !p0, !p6  }
0x154: {  	s15 =	smov.u32 s8;
	s8 =	smov.u32 s29;
	s9 =	smov.u32 s3  }
0x155: {  	v16 =	vld [tilespmem:s0+$0x0];
	(v2sf) =	vpush v14, $0x0;
	p0 =	slt.s32 s6, $0x1;
	p3 =	por !p4, !p3;
	s29 =	simm.s32 $0x1  }
0x156: {  	s16 =	sadd.s32 s16, s6;
	v14 =	vld [tilespmem:s2+$0x0];
	s12 =	sshrl.u32 s12, $0x1C;
	s3 =	sshrl.u32 s21, $0x1C;
	(v2sf) =	vpush v15, $0x0  }
0x157: {  	s10 =	sshrl.u32 s10, $0x1C;
	p1 =	por !p1, !p1;
	s3 =	sadd.s32 s3, s19;
	v15 =	vld [tilespmem:s31+$0x0]  }
0x158: {  	s29 =	simm.s32 @!p1 $0x0;
	v17 =	vld [tilespmem:s2+$0x1];
	s21 =	sshra.s32 s3, $0x4;
	s3 =	spop (v2sf)  }
0x159: {  	p0 =	por !p0, !p5;
	v18 =	vld [tilespmem:s2+$0xFFFFFFFE];
	vm3 =	vgt.f32 v13, v6;
	s21 =	ssub.s32 s21, s29;
	s29 =	spop (v2sf)  }
0x15a: {  	s23 =	simm.s32 $0x1;
	p0 =	por !p0, !p0;
	v19 =	vld [tilespmem:s2+$0xFFFFFFFF];
	v20 =	vnsel vm3, $0x0, v13;
	vm5 =	vgt.f32 v16, v6;
	s22 =	spop (v2sf)  }
0x15b: {  	s4 =	sadd.s32 $0x4, s4;
	s16 =	sshra.s32 s16, $0x4;
	vm4 =	vgt.f32 v12, v6;
	(v2sf) =	vpush v14, $0x0;
	v7 =	vadd.f32 v20, v7;
	v20 =	vld [tilespmem:s21+$0x8500];
	s21 =	spop (v2sf)  }
0x15c: {  	s10 =	sadd.s32 s10, s9;
	s23 =	simm.s32 @!p0 $0x0;
	v21 =	vnsel vm4, $0x0, v12;
	v14 =	vnsel vm5, $0x0, v16;
	s24 =	spop (v2sf)  }
0x15d: {  	s12 =	sadd.s32 s12, s7;
	s16 =	ssub.s32 s16, s23;
	(v2sf) =	vpush v17, $0x0;
	v7 =	vadd.f32 v14, v7;
	s23 =	spop (v2sf)  }
0x15e: {  	p0 =	sne.s32 s5, $0x0;
	(v2sf) =	vpush v18, $0x0;
	v17 =	vld [tilespmem:s16+$0x8500];
	s16 =	sadd.s32 s22, s23;
	s22 =	spop (v2sf)  }
0x15f: {  	s12 =	sshra.s32 s12, $0x4;
	vm6 =	vgt.f32 v15, v6;
	s23 =	sadd.s32 s29, s24;
	(v2sf) =	vpush v19, $0x0;
	v7 =	vadd.f32 v21, v7;
	s24 =	spop (v2sf)  }
0x160: {  	p0 =	por !p2, !p0;
	v14 =	vnsel vm6, $0x0, v15;
	s5 =	sadd.s32 s22, s21;
	v18 =	vld [tilespmem:s19+$0x8280];
	s21 =	spop (v2sf)  }
0x161: {  	p0 =	por !p0, !p0;
	v19 =	vld [tilespmem:s6+$0x8000];
	v7 =	vadd.f32 v14, v7;
	s5 =	ssub.s32 s5, s21;
	s21 =	simm.s32 $0x1  }
0x162: {  	p1 =	por !p3, !p3;
	s21 =	simm.s32 @!p0 $0x0;
	v21 =	vld [tilespmem:s7+$0x8280];
	p0 =	slt.s32 s5, $0x800  }
0x163: {  	v22 =	vld [tilespmem:s19+$0x8000];
	s19 =	simm.s32 $0x1  }
0x164: {  	s12 =	ssub.s32 s12, s21;
	s21 =	spop (v2sf);
	s19 =	simm.s32 @!p1 $0x0  }
0x165: {  	s10 =	sshra.s32 s10, $0x4;
	v23 =	vld [tilespmem:s12+$0x8500];
	s12 =	ssub.s32 s23, s24;
	s22 =	spop (v2sf)  }
0x166: {  	v24 =	vld [tilespmem:s6+$0x8280];
	s6 =	ssub.s32 s10, s19;
	p1 =	slt.s32 s12, $0x800;
	s10 =	spop (v2sf)  }
0x167: {  	s23 =	ssub.s32 s16, s3;
	s3 =	sadd.s32 s22, s21;
	v14 =	vld [tilespmem:s6+$0x8500];
	(v2sf) =	vpush v19, $0x0;
	s12 =	simm.s32 @!p1 $0x800  }
0x168: {  	s5 =	simm.s32 @!p0 $0x800;
	p0 =	slt.s32 s23, $0x800;
	s3 =	ssub.s32 s3, s10;
	v19 =	vld [tilespmem:s7+$0x8000];
	(v2sf) =	vpush v20, $0x0;
	[tilespmem:s12+$0x8800] =	vst.msk vm2, v11;
	v20 =	vor.u32 s18, v1;
	v11 =	vmov v16  }
0x169: {  	p1 =	slt.s32 s4, s28;
	s23 =	simm.s32 @!p0 $0x800;
	p0 =	slt.s32 s3, $0x800;
	(v2sf) =	vpush v17, $0x0;
	[tilespmem:s12+$0x9080] =	vst.msk vm2, v20;
	vm2 =	vmmov vm5  }
0x16a: {  	s7 =	smov.u32 s11;
	s11 =	smov.u32 s30;
	s3 =	simm.s32 @!p0 $0x800;
	v16 =	vld [tilespmem:s9+$0x8280];
	(v2sf) =	vpush v21, $0x0;
	[tilespmem:s5+$0x8800] =	vst.msk vm0, v9;
	v9 =	vmov v13  }
0x16b: {  	s18 =	smov.u32 s0;
	v13 =	vor.u32 s1, v1;
	s1 =	smov.u32 s31;
	s6 =	spop (v2sf);
	(v2sf) =	vpush v18, $0x0;
	[tilespmem:s3+$0x8800] =	vst.msk vm1, v10;
	v10 =	vmov v15  }
0x16c: {  	s2 =	sadd.s32 $0x4, s2;
	v15 =	vor.u32 s7, v1;
	s0 =	sshra.s32 s6, $0x1F;
	s29 =	sshll.u32 s6, $0x4;
	(v2sf) =	vpush v24, $0x0;
	[tilespmem:s3+$0x9080] =	vst.msk vm1, v13;
	vm1 =	vmmov vm6  }
0x16d: {  	s3 =	spop (v2sf)  }
0x16e: {  	s16 =	sshrl.u32 s0, $0x1C;
	s0 =	sand.u32 $0xF, s6;
	(v2sf) =	vpush v23, $0x0;
	[tilespmem:s5+$0x9080] =	vst.msk vm0, v15;
	vm0 =	vmmov vm3;
	s10 =	sshra.s32 s3, $0x1F  }
.Ltmp11:
0x16f: {  	v13 =	vor.u32 s15, v1;
	s5 =	sand.u32 $0xF, s3;
	s7 =	spop (v2sf);
	(v2sf) =	vpush v22, $0x0;
	[tilespmem:s23+$0x8800] =	vst.msk vm15, v8;
	(pc) =	sbr.rel @p1 .LBB2_26-.Ltmp11, $4  }
0x170: {  	s31 =	sshll.u32 s3, $0x4;
	v8 =	vmov v12;
	p3 =	sne.s32 s5, $0x0;
	s19 =	spop (v2sf);
	v15 =	vld [tilespmem:s9+$0x8000];
	(v2sf) =	vpush v19, $0x0;
	[tilespmem:s23+$0x9080] =	vst.msk vm15, v13;
	vm15 =	vmmov vm4  }
0x171: {  	p4 =	slt.s32 s3, $0x1;
	p2 =	slt.s32 s7, $0x1;
	s5 =	sand.u32 $0xF, s19  }
0x172: {  	p5 =	sne.s32 s0, $0x0;
	s30 =	sshll.u32 s7, $0x4;
	p6 =	sne.s32 s5, $0x0;
	v12 =	vld [tilespmem:s29+$0x0]  }
0x173: {  	p0 =	slt.s32 s19, $0x1;
	s0 =	sshll.u32 s19, $0x4;
	s5 =	sand.u32 $0xF, s7;
	v13 =	vld [tilespmem:s30+$0x0];
	(v2sf) =	vpush v16, $0x0  }
0x174: {  	v16 =	vld [tilespmem:$0x1FF90];
	_ =	sdelay $0x2  }
0x175: {  	s4 =	smov.u32 s8;
	s2 =	smov.u32 s11;
	s8 =	smov.u32 s29  }
0x176: {  	s15 =	smov.u32 s3;
	s11 =	smov.u32 s30;
	s23 =	rddreg [dreg:$0x8]  }
0x177: {  	s29 =	simm.s32 $0x80;
	s30 =	simm.s32 $0x400;
	s24 =	rddreg [dreg:$0x9];
	vm4 =	vnez.u8 v16  }
.LBB2_28:
0x178: {  	s3 =	sshra.s32 s19, $0x1F;
	p0 =	por !p0, !p6  }
0x179: {  	p1 =	slt.s32 s6, $0x1;
	s9 =	simm.s32 $0x1;
	s12 =	sadd.s32 s16, s6  }
0x17a: {  	s16 =	simm.s32 $0x1;
	p0 =	por !p0, !p0;
	p6 =	por !p1, !p5  }
0x17b: {  	s3 =	sshrl.u32 s3, $0x1C;
	s9 =	simm.s32 @!p0 $0x0;
	p0 =	por !p6, !p6  }
0x17c: {  	s21 =	sshra.s32 s12, $0x4;
	s3 =	sadd.s32 s3, s19;
	s16 =	simm.s32 @!p0 $0x0  }
0x17d: {  	s3 =	sshra.s32 s3, $0x4;
	s16 =	ssub.s32 s21, s16;
	s21 =	sld [smem:$0x7FC]  }
0x17e: {  	v16 =	vld [tilespmem:s6+$0x8000];
	s3 =	ssub.s32 s3, s9  }
0x17f: {  	s22 =	sshra.s32 s7, $0x1F;
	p1 =	sne.s32 s5, $0x0;
	v17 =	vld [tilespmem:s3+$0x8500]  }
0x180: {  	s22 =	sshrl.u32 s22, $0x1C;
	p0 =	por !p2, !p1;
	v50 =	vld [tilespmem:s16+$0x8500];
	p5 =	seq.s32 s21, $0x1  }
0x181: {  	v51 =	vld [tilespmem:s7+$0x8280];
	s5 =	simm.s32 $0x1;
	s9 =	sadd.s32 s22, s7;
	p0 =	por !p0, !p0;
	(v2sf) =	vpush @p5 v14, $0x0  }
0x182: {  	v18 =	vld [tilespmem:s19+$0x8280];
	s3 =	sshra.s32 s9, $0x4;
	s5 =	simm.s32 @!p0 $0x0;
	(v2sf) =	vpush @p5 v15, $0x0  }
0x183: {  	v19 =	vld [tilespmem:s6+$0x8280];
	s3 =	ssub.s32 s3, s5;
	(v2sf) =	vpush v16, $0x0  }
0x184: {  	s10 =	sshrl.u32 s10, $0x1C;
	p6 =	por !p4, !p3;
	v52 =	vld [tilespmem:s3+$0x8500];
	s5 =	spop @p5 (v2sf);
	(v2sf) =	vpush v17, $0x0  }
0x185: {  	v53 =	vld [tilespmem:s19+$0x8000];
	s6 =	simm.s32 $0x1;
	s12 =	sadd.s32 s10, s15;
	p0 =	por !p6, !p6;
	(v2sf) =	vpush v50, $0x0  }
0x186: {  	v54 =	vld [tilespmem:s7+$0x8000];
	s6 =	simm.s32 @!p0 $0x0;
	s3 =	sshra.s32 s12, $0x4;
	s9 =	spop @p5 (v2sf);
	(v2sf) =	vpush v51, $0x0  }
0x187: {  	v55 =	vld [tilespmem:s15+$0x8280];
	s3 =	ssub.s32 s3, s6;
	s7 =	spop @p5 (v2sf);
	(v2sf) =	vpush v18, $0x0  }
0x188: {  	v56 =	vld [tilespmem:s3+$0x8500];
	s6 =	spop @p5 (v2sf);
	(v2sf) =	vpush v19, $0x0  }
0x189: {  	v57 =	vld [tilespmem:s15+$0x8000];
	s3 =	spop @p5 (v2sf);
	(v2sf) =	vpush v52, $0x0  }
0x18a: {  	s10 =	spop @p5 (v2sf);
	(v2sf) =	vpush v53, $0x0  }
0x18b: {  	s12 =	spop @p5 (v2sf);
	(v2sf) =	vpush v54, $0x0  }
0x18c: {  	s15 =	spop @p5 (v2sf);
	(v2sf) =	vpush v55, $0x0  }
0x18d: {  	s16 =	spop @p5 (v2sf);
	(v2sf) =	vpush v56, $0x0  }
0x18e: {  	s19 =	spop @p5 (v2sf);
	(v2sf) =	vpush v57, $0x0  }
0x18f: {  	s3 =	sadd.s32 @p5 s9, s3;
	s7 =	sadd.s32 @p5 s7, s10  }
0x190: {  	s6 =	sadd.s32 @p5 s12, s6;
	s5 =	ssub.s32 @p5 s7, s5;
	s21 =	spop @p5 (v2sf)  }
0x191: {  	s9 =	ssub.s32 @p5 s3, s15;
	s6 =	ssub.s32 @p5 s6, s16;
	s22 =	spop @p5 (v2sf)  }
0x192: {  	p0 =	slt.s32 @p5 s9, $0x800;
	p1 =	slt.s32 @p5 s6, $0x800;
	s3 =	spop (v2sf)  }
0x193: {  	p0 =	por !p0, !p5;
	s12 =	sadd.s32 @p5 s21, s19;
	s16 =	spop (v2sf)  }
0x194: {  	s9 =	simm.s32 @p0 $0x800;
	s7 =	ssub.s32 @p5 s12, s22;
	s15 =	spop (v2sf)  }
0x195: {  	p0 =	por !p1, !p5;
	[tilespmem:s9+$0x8800] =	vst.msk @p5 vm2, v11;
	v11 =	vor.u32 @p5 s18, v1;
	p1 =	slt.s32 @p5 s7, $0x800;
	s12 =	spop (v2sf)  }
0x196: {  	v58 =	vld [tilespmem:s0+$0x0];
	s6 =	simm.s32 @p0 $0x800;
	[tilespmem:s9+$0x9080] =	vst.msk @p5 vm2, v11;
	p0 =	por !p1, !p5;
	s19 =	spop (v2sf)  }
0x197: {  	[tilespmem:s6+$0x8800] =	vst.msk @p5 vm0, v9;
	s7 =	simm.s32 @p0 $0x800;
	s9 =	spop (v2sf)  }
0x198: {  	v9 =	vor.u32 @p5 s1, v1;
	p1 =	slt.s32 @p5 s5, $0x800;
	[tilespmem:s7+$0x8800] =	vst.msk @p5 vm1, v10;
	s21 =	spop (v2sf)  }
0x199: {  	v11 =	vor.u32 @p5 s2, v1;
	p0 =	por !p1, !p5;
	[tilespmem:s7+$0x9080] =	vst.msk @p5 vm1, v9;
	s7 =	sadd.s32 s16, s19;
	s22 =	spop (v2sf)  }
0x19a: {  	v59 =	vld [tilespmem:s31+$0x0];
	[tilespmem:s6+$0x9080] =	vst.msk @p5 vm0, v11;
	s5 =	simm.s32 @p0 $0x800;
	s10 =	spop (v2sf);
	s1 =	ssub.s32 s7, s22  }
0x19b: {  	vm0 =	vgt.f32 v58, v6;
	[tilespmem:s5+$0x8800] =	vst.msk @p5 vm15, v8;
	v8 =	vor.u32 @p5 s4, v1;
	s16 =	sadd.s32 s21, s12;
	s18 =	spop (v2sf);
	p0 =	slt.s32 s1, $0x800  }
0x19c: {  	vm2 =	vmmov vm0;
	[tilespmem:s5+$0x9080] =	vst.msk @p5 vm15, v8;
	s2 =	ssub.s32 s16, s10;
	s19 =	spop (v2sf);
	s1 =	simm.s32 @!p0 $0x800  }
0x19d: {  	v60 =	vor.u32 s0, v1;
	vm1 =	vgt.f32 v13, v6;
	p0 =	slt.s32 s2, $0x800;
	s21 =	spop (v2sf);
	s4 =	sadd.s32 s19, s18;
	[tilespmem:s1+$0x8800] =	vst.msk vm2, v58  }
0x19e: {  	v8 =	vnsel vm1, $0x0, v13;
	vm1 =	vmmov vm1;
	s2 =	simm.s32 @!p0 $0x800;
	s0 =	ssub.s32 s4, s21;
	[tilespmem:s1+$0x9080] =	vst.msk vm2, v60  }
0x19f: {  	v62 =	vor.u32 s11, v1;
	vm3 =	vgt.f32 v59, v6;
	v7 =	vadd.f32 v8, v7;
	s22 =	sadd.s32 s15, s9;
	[tilespmem:s2+$0x8800] =	vst.msk vm1, v13;
	p0 =	slt.s32 s0, $0x800  }
0x1a0: {  	v8 =	vnsel vm0, $0x0, v58;
	vm0 =	vmmov vm3;
	s1 =	ssub.s32 s22, s3;
	[tilespmem:s2+$0x9080] =	vst.msk vm1, v62;
	s0 =	simm.s32 @!p0 $0x800  }
0x1a1: {  	v7 =	vadd.f32 v8, v7;
	v8 =	vor.u32 s31, v1;
	vm2 =	vgt.f32 v12, v6;
	p0 =	slt.s32 s1, $0x800;
	[tilespmem:s0+$0x8800] =	vst.msk vm0, v59  }
0x1a2: {  	v61 =	vnsel vm2, $0x0, v12;
	s1 =	simm.s32 @!p0 $0x800;
	[tilespmem:s0+$0x9080] =	vst.msk vm0, v8;
	vm0 =	vmmov vm2  }
0x1a3: {  	v63 =	vor.u32 s8, v1;
	v7 =	vadd.f32 v61, v7;
	[tilespmem:s1+$0x8800] =	vst.msk vm0, v12  }
0x1a4: {  	v8 =	vnsel vm3, $0x0, v59;
	[tilespmem:s1+$0x9080] =	vst.msk vm0, v63  }
0x1a5: {  	v7 =	vadd.f32 v8, v7;
	v8 =	vld [tilespmem:$0x1FF40];
	_ =	sdelay $0x4  }
0x1a6: {  	vm5 =	vnez.u8 v8;
	v8 =	vld [tilespmem:$0x1FF50];
	_ =	sdelay $0x4  }
0x1a7: {  	vm6 =	vnez.u8 v8;
	v8 =	vld [tilespmem:$0x1FF70];
	_ =	sdelay $0x4  }
0x1a8: {  	vm2 =	vnez.u8 v8;
	v8 =	vld [tilespmem:$0x1FF80]  }
.Ltmp12:
0x1a9: {  	_ = 	snop;
	(pc) =	sbr.rel .LBB2_12-.Ltmp12, $2  }
0x1aa: {  	s0 =	sld [smem:$0x7FD];
	_ =	sdelay $0x2  }
0x1ab: {  	s6 =	rddreg [dreg:$0xa];
	p4 =	seq.s32 s0, $0x1;
	vm3 =	vnez.u8 v8  }
.LBB2_11:
0x1ac: {  	v8 =	vld [tilespmem:$0x1FF40];
	_ =	sdelay $0x4  }
0x1ad: {  	vm5 =	vnez.u8 v8;
	v8 =	vld [tilespmem:$0x1FF50];
	_ =	sdelay $0x4  }
0x1ae: {  	vm6 =	vnez.u8 v8;
	v8 =	vld [tilespmem:$0x1FF70];
	_ =	sdelay $0x4  }
0x1af: {  	vm2 =	vnez.u8 v8;
	v8 =	vld [tilespmem:$0x1FF80];
	_ =	sdelay $0x4  }
0x1b0: {  	vm3 =	vnez.u8 v8;
	v8 =	vld [tilespmem:$0x1FF90];
	_ =	sdelay $0x4  }
0x1b1: {  	v7 =	vimm.f32 $0.0e+00;
	vm4 =	vnez.u8 v8  }
.LBB2_12:
0x1b2: {  	p0 =	sge.s32 s28, s26;
	v8 =	vld [tilespmem:$0x1FF60]  }
.Ltmp13:
0x1b3: {  	_ = 	snop;
	(pc) =	sbr.rel @p0 .LBB2_15-.Ltmp13, $2  }
0x1b4: {  	_ =	sdelay $0x2  }
0x1b5: {  	vm7 =	vnez.u8 v8  }
0x1b6: {  	s0 =	ssub.s32 s26, s28  }
0x1b7: {  	s1 =	sshll.u32 s26, $0x2;
	s2 =	sshll.u32 s0, $0x2  }
0x1b8: {  	s1 =	ssub.s32 s1, s2  }
0x1b9: {  	s1 =	sshra.s32 s1, $0x2  }
0x1ba: {  	s1 =	sadd.s32 $0x8580, s1  }
.LBB2_14:
0x1bb: {  	v8 =	vld [tilespmem:s1+$0x0];
	_ =	sdelay $0x4  }
0x1bc: {  	(v2sf) =	vpush v8, $0x0;
	_ =	sdelay $0xe  }
0x1bd: {  	s2 =	spop (v2sf)  }
0x1be: {  	s3 =	sand.u32 $0xF, s2  }
0x1bf: {  	s4 =	sshra.s32 s2, $0x1F;
	p0 =	slt.s32 s2, $0x1;
	p1 =	sne.s32 s3, $0x0  }
0x1c0: {  	s26 =	sshrl.u32 s4, $0x1C;
	p0 =	por !p0, !p1  }
0x1c1: {  	s4 =	simm.s32 $0x1;
	s3 =	sadd.s32 s26, s2;
	p0 =	por !p0, !p0  }
0x1c2: {  	s3 =	sshra.s32 s3, $0x4;
	s4 =	simm.s32 @!p0 $0x0  }
0x1c3: {  	s3 =	ssub.s32 s3, s4  }
0x1c4: {  	v8 =	vld [tilespmem:s3+$0x8500]  }
0x1c5: {  	v9 =	vld [tilespmem:s2+$0x8280]  }
0x1c6: {  	v10 =	vld [tilespmem:s2+$0x8000];
	_ =	sdelay $0x2  }
0x1c7: {  	(v2sf) =	vpush v8, $0x0  }
0x1c8: {  	(v2sf) =	vpush v9, $0x0  }
0x1c9: {  	(v2sf) =	vpush v10, $0x0;
	_ =	sdelay $0xc  }
0x1ca: {  	s28 =	spop (v2sf)  }
0x1cb: {  	s31 =	spop (v2sf)  }
0x1cc: {  	s2 =	sshll.u32 s2, $0x4;
	s5 =	spop (v2sf);
	s3 =	sadd.s32 s28, s31  }
0x1cd: {  	v8 =	vld [tilespmem:s2+$0x0];
	s3 =	ssub.s32 s3, s5  }
0x1ce: {  	p0 =	slt.s32 s3, $0x800  }
0x1cf: {  	s3 =	simm.s32 @!p0 $0x800;
	p0 =	sne.s32 s0, $0x1  }
.Ltmp14:
0x1d0: {  	_ = 	snop;
	(pc) =	sbr.rel @p0 .LBB2_14-.Ltmp14, $4  }
0x1d1: {  	_ = 	snop  }
0x1d2: {  	vm0 =	vgt.f32 v8, v6  }
0x1d3: {  	v63 =	vor.u32 s2, v1;
	[tilespmem:s3+$0x8800] =	vst.msk vm0, v8;
	v8 =	vnsel vm0, $0x0, v8  }
0x1d4: {  	s1 =	sadd.s32 $0x1, s1;
	s0 =	sadd.s32 $0xFFFFFFFF, s0;
	[tilespmem:s3+$0x9080] =	vst.msk vm0, v63;
	v7 =	vadd.f32 v8, v7  }
.LBB2_15:
0x1d5: {  	p0 =	slt.s32 s25, $0x800  }
0x1d6: {  	p1 =	slt.s32 s25, $0xFFFFFFF2;
	s25 =	simm.s32 @!p0 $0x800  }
0x1d7: {  	(xrf2) =	vadd.scan.msk.f32 $0xffff, v7;
	p0 =	sgt.s32 s25, $0x1;
	s0 =	smov.u32 s25  }
0x1d8: {  	s0 =	simm.s32 @!p0 $0x1  }
0x1d9: {  	s0 =	scvt.s32.f32 s0  }
0x1da: {  	s1 =	sadd.s32 $0xF, s25  }
0x1db: {  	s2 =	sand.u32 $0xF, s1;
	v6 =	vmov s0  }
0x1dc: {  	s31 =	sshra.s32 s1, $0x1F;
	p6 =	sne.s32 s2, $0x0;
	(erf) = vrcp.f32 v6  }
0x1dd: {  	p0 =	por !p1, !p6;
	s0 =	sshrl.u32 s31, $0x1C  }
0x1de: {  	p0 =	por !p0, !p0;
	s0 =	sadd.s32 s0, s1;
	s1 =	simm.s32 $0x1  }
0x1df: {  	s0 =	sshra.s32 s0, $0x4;
	s1 =	simm.s32 @!p0 $0x0  }
0x1e0: {  	s1 =	ssub.s32 s0, s1  }
0x1e1: {  	s0 =	sshrl.u32 s1, $0x1F;
	v6, _, _ =	vpop (xrf2)  }
.Ltmp15:
0x1e2: {  	s0 =	sadd.s32 s0, s1;
	v6 =	vadd.f32 $-1.000000000e+00, v6;
	(pc) =	sbr.rel .LBB2_16-.Ltmp15, $4  }
0x1e3: {  	s0 =	sand.u32 $0xFFFFFFFE, s0  }
0x1e4: {  	s1 =	ssub.s32 s1, s0;
	v6 =	vbroadcast v6, $0xF  }
0x1e5: {  	s3 =	sshll.u32 s0, $0x6;
	p1 =	slt.s32 s1, $0x1;
	v7 =	vpop (erf)  }
0x1e6: {  	[tilespmem:s25+$0x8800] =	vst v5;
	s2 =	simm.s32 $0x0;
	p2 =	slt.s32 s0, $0x1;
	s1 =	sshra.s32 @!p1 s3, $0x2;
	v7 =	vmul.f32 v6, v7  }
.LBB2_17:
0x1e7: {  	v6 =	vimm.s32 $0x0;
	v8 =	vimm.f32 $0.0e+00  }
.LBB2_18:
0x1e8: {  	v9 =	vld @!p1 [tilespmem:s1+$0x8800];
	_ =	sdelay $0x4  }
0x1e9: {  	v10 =	vimm.s32 @!p1 $0x0;
	vm0 =	vgt.f32 @!p1 v9, v7  }
0x1ea: {  	v10 =	vsel @!p1 vm0, $0x1, v10  }
0x1eb: {  	v10 =	vadd.s32 @!p1 v10, v6  }
0x1ec: {  	v6 =	vpsel p1, v6, v10  }
0x1ed: {  	(xrf0) =	vadd.scan.msk.s32 $0xffff, v6;
	_ =	sdelay $0x5  }
0x1ee: {  	v6, _, _ =	vpop (xrf0)  }
0x1ef: {  	(v2sf) =	vpush v6, $0xF;
	_ =	sdelay $0xb  }
0x1f0: {  	v9 =	vnsel @!p1 vm0, $0x0, v9  }
0x1f1: {  	v9 =	vadd.f32 @!p1 v9, v8;
	_ =	sdelay $0x1  }
0x1f2: {  	v8 =	vpsel p1, v8, v9;
	s3 =	spop (v2sf)  }
0x1f3: {  	(xrf2) =	vadd.scan.msk.f32 $0xffff, v8;
	p0 =	sgt.s32 s3, $0x1  }
0x1f4: {  	s3 =	simm.s32 @!p0 $0x1  }
0x1f5: {  	s3 =	scvt.s32.f32 s3;
	_ =	sdelay $0x1  }
0x1f6: {  	v6 =	vmov s3  }
0x1f7: {  	(erf) = vrcp.f32 v6;
	_ =	sdelay $0x4  }
0x1f8: {  	v6, _, _ =	vpop (xrf2)  }
0x1f9: {  	v6 =	vadd.f32 $-1.000000000e+00, v6;
	_ =	sdelay $0x1  }
0x1fa: {  	v6 =	vbroadcast v6, $0xF  }
0x1fb: {  	v8 =	vpop (erf)  }
0x1fc: {  	v6 =	vmul.f32 v8, v6;
	_ =	sdelay $0x1  }
0x1fd: {  	vm0 =	vlt.f32 v6, v7;
	vm1 =	vgt.f32 v6, v7  }
0x1fe: {  	vm0 =	vmor vm1, vm0  }
0x1ff: {  	v7 =	vmpcnt.ones.xlane vm0;
	_ =	sdelay $0x1  }
0x200: {  	(v2sf) =	vpush v7, $0x0;
	_ =	sdelay $0xe  }
0x201: {  	p0 =	sgt.u32 s2, $0x12A;
	s3 =	spop (v2sf)  }
0x202: {  	p3 =	sgt.s32 @!p0 s3, $0x0  }
0x203: {  	p0 =	por p0, !p3  }
.Ltmp16:
0x204: {  	_ = 	snop;
	(pc) =	sbr.rel @p0 .LBB2_19-.Ltmp16, $2  }
0x205: {  	_ =	sdelay $0x2  }
0x206: {  	s2 =	sadd.s32 $0x1, s2;
	v7 =	vmov v6  }
.LBB2_16:
.Ltmp17:
0x207: {  	(pc) =	sbr.rel @p2 .LBB2_17-.Ltmp17, $1  }
0x208: {  	_ =	sdelay $0x3  }
0x209: {  	p3 =	sgt.s32 s0, $0x2  }
.Ltmp18:
0x20a: {  	_ = 	snop;
	(pc) =	sbr.rel @!p3 .LBB2_30-.Ltmp18, $4  }
0x20b: {  	_ = 	snop  }
0x20c: {  	s3 =	simm.s32 $0x8810  }
0x20d: {  	v13 =	vld [tilespmem:s3+$0xFFFFFFF0]  }
0x20e: {  	v6 =	vimm.f32 $0.0e+00;
	v8 =	vimm.s32 $0x0;
	p0 =	por $0x0, $0x0;
	v10 =	vld [tilespmem:s3+$0x0]  }
0x20f: {  	_ = 	snop  }
0x210: {  	p3 =	sgt.s32 s0, $0x4  }
.Ltmp19:
0x211: {  	_ = 	snop;
	(pc) =	sbr.rel @!p3 .LBB2_32-.Ltmp19, $4  }
0x212: {  	vm0 =	vgt.f32 v13, v7  }
0x213: {  	s3 =	simm.s32 $0x8830;
	v11 =	vsel vm0, $0x1, v4;
	vm1 =	vgt.f32 v10, v7  }
0x214: {  	v9 =	vld [tilespmem:s3+$0xFFFFFFF0];
	v12 =	vnsel vm0, $0x0, v13;
	v8 =	vadd.s32 v11, v8;
	v13 =	vsel vm1, $0x1, v4  }
0x215: {  	s4 =	simm.s32 $0x4;
	p0 =	por $0x1, $0x1;
	v11 =	vld [tilespmem:s3+$0x0];
	v12 =	vadd.f32 v12, v6;
	v14 =	vnsel vm1, $0x0, v10;
	v8 =	vadd.s32 v13, v8  }
.LBB2_33:
0x216: {  	s4 =	sadd.s32 $0x2, s4  }
0x217: {  	v10 =	vadd.f32 v14, v12;
	p3 =	slt.s32 s4, s0  }
.Ltmp20:
0x218: {  	(pc) =	sbr.rel @p3 .LBB2_33-.Ltmp20, $4  }
0x219: {  	s3 =	sadd.s32 $0x20, s3;
	vm0 =	vgt.f32 v9, v7  }
0x21a: {  	v12 =	vnsel vm0, $0x0, v9;
	v9 =	vld [tilespmem:s3+$0xFFFFFFF0];
	v13 =	vsel vm0, $0x1, v4;
	vm0 =	vgt.f32 v11, v7;
	v14 =	vmovc v11  }
0x21b: {  	v11 =	vld [tilespmem:s3+$0x0];
	v12 =	vadd.f32 v12, v10;
	v8 =	vadd.s32 v13, v8;
	v10 =	vsel vm0, $0x1, v4  }
0x21c: {  	v14 =	vnsel vm0, $0x0, v14;
	v8 =	vadd.s32 v10, v8  }
0x21d: {  	_ =	sdelay $0x2  }
0x21e: {  	v13 =	vmov v9;
	v10 =	vmov v11  }
.LBB2_35:
0x21f: {  	v9 =	vadd.f32 @p0 v14, v12  }
.Ltmp21:
0x220: {  	vm0 =	vgt.f32 v13, v7;
	(pc) =	sbr.rel .LBB2_18-.Ltmp21, $4  }
0x221: {  	v11 =	vnsel vm0, $0x0, v13;
	v6 =	vpsel p0, v9, v6  }
0x222: {  	v9 =	vsel vm0, $0x1, v4;
	vm0 =	vgt.f32 v10, v7;
	v11 =	vadd.f32 v11, v6  }
0x223: {  	v6 =	vadd.s32 v9, v8;
	v8 =	vsel vm0, $0x1, v4;
	v9 =	vnsel vm0, $0x0, v10  }
0x224: {  	v6 =	vadd.s32 v8, v6;
	v8 =	vadd.f32 v9, v11  }
.LBB2_30:
.Ltmp22:
0x225: {  	(pc) =	sbr.rel .LBB2_35-.Ltmp22, $2  }
0x226: {  	_ =	sdelay $0x2  }
0x227: {  	_ = 	snop  }
.LBB2_32:
.Ltmp23:
0x228: {  	_ = 	snop;
	(pc) =	sbr.rel .LBB2_35-.Ltmp23, $2  }
0x229: {  	_ =	sdelay $0x2  }
0x22a: {  	v13 =	vmov v9;
	v10 =	vmov v11  }
.LBB2_19:
.Ltmp24:
0x22b: {  	(pc) =	sbr.rel @p2 .LBB2_41-.Ltmp24, $1  }
0x22c: {  	_ =	sdelay $0x3  }
0x22d: {  	p2 =	sgt.s32 s0, $0x2  }
.Ltmp25:
0x22e: {  	s3 =	simm.s32 $0x9090;
	(pc) =	sbr.rel @!p2 .LBB2_21-.Ltmp25, $4  }
0x22f: {  	v15 =	vld [tilespmem:s3+$0x0]  }
0x230: {  	s2 =	simm.s32 $0x8810;
	v9 =	vld [tilespmem:s3+$0xFFFFFFF0]  }
0x231: {  	s1 =	simm.s32 $0x10;
	s31 =	simm.s32 $0x0;
	v8 =	vld [tilespmem:s2+$0x0]  }
0x232: {  	v7 =	vmov s25;
	p0 =	por $0x0, $0x0;
	v10 =	vld [tilespmem:s2+$0xFFFFFFF0];
	v14 =	vor.u32 s1, v1;
	v16 =	vor.u32 s31, v1  }
0x233: {  	_ = 	snop  }
0x234: {  	p2 =	sgt.s32 s0, $0x4  }
.Ltmp26:
0x235: {  	vm0 =	vlt.s32 v16, v7;
	s1 =	simm.s32 $0x90B0;
	vm1 =	vlt.s32 v14, v7;
	(pc) =	sbr.rel @!p2 .LBB2_37-.Ltmp26, $4  }
0x236: {  	v13 =	vld [tilespmem:s1+$0x0];
	v12 =	vnsel vm1, $0x0, v15;
	vm1 =	vmmov vm1;
	v11 =	vnsel vm0, $0x0, v9  }
0x237: {  	s2 =	simm.s32 $0x8830;
	s3 =	simm.s32 $0x30;
	v9 =	vld [tilespmem:s1+$0xFFFFFFF0];
	v17 =	vsub.f32 v8, v6;
	v18 =	vsub.f32 v10, v6  }
0x238: {  	s5 =	simm.s32 $0x20;
	v14 =	vor.u32 s3, v1;
	v8 =	vld [tilespmem:s2+$0x0]  }
0x239: {  	s4 =	simm.s32 $0x4;
	p0 =	por $0x1, $0x1;
	v16 =	vor.u32 s5, v1;
	v10 =	vld [tilespmem:s2+$0xFFFFFFF0];
	v17 =	vmax.f32 v17, $0.0e+00;
	v18 =	vmax.f32 v18, $0.0e+00  }
.LBB2_38:
0x23a: {  	s4 =	sadd.s32 $0x2, s4  }
0x23b: {  	vm2 =	vlt.s32 v14, v7;
	s1 =	sadd.s32 $0x20, s1;
	[tilespmem:v11+s14+$0x0] =	vst.idx.msk vm0, v18;
	vm0 =	vlt.s32 v16, v7;
	p2 =	slt.s32 s4, s0  }
.Ltmp27:
0x23c: {  	v11 =	vnsel vm0, $0x0, v9;
	[tilespmem:v12+s14+$0x0] =	vst.idx.msk vm1, v17;
	v12 =	vnsel vm2, $0x0, v13;
	v13 =	vld [tilespmem:s1+$0x0];
	vm1 =	vmmov vm2;
	(pc) =	sbr.rel @p2 .LBB2_38-.Ltmp27, $4  }
0x23d: {  	s2 =	sadd.s32 $0x20, s2;
	v9 =	vld [tilespmem:s1+$0xFFFFFFF0];
	v15 =	vsub.f32 v8, v6  }
0x23e: {  	s3 =	sadd.s32 $0x20, s3;
	v8 =	vld [tilespmem:s2+$0x0];
	v17 =	vsub.f32 v10, v6  }
0x23f: {  	s5 =	sadd.s32 $0xFFFFFFF0, s3;
	v14 =	vor.u32 s3, v1;
	v10 =	vld [tilespmem:s2+$0xFFFFFFF0]  }
0x240: {  	v16 =	vor.u32 s5, v1;
	v18 =	vmax.f32 v17, $0.0e+00;
	v17 =	vmax.f32 v15, $0.0e+00  }
0x241: {  	v15 =	vmov v13  }
.LBB2_40:
0x242: {  	_ = 	snop  }
0x243: {  	vm2 =	vlt.s32 v16, v7  }
0x244: {  	vm3 =	vlt.s32 v14, v7;
	v7 =	vnsel vm2, $0x0, v9  }
0x245: {  	v63 =	vnsel vm3, $0x0, v15  }
0x246: {  	v10 =	vsub.f32 v10, v6  }
0x247: {  	[tilespmem:v11+s14+$0x0] =	vst.idx.msk @p0 vm0, v18;
	v8 =	vsub.f32 v8, v6  }
0x248: {  	[tilespmem:v12+s14+$0x0] =	vst.idx.msk @p0 vm1, v17;
	v10 =	vmax.f32 v10, $0.0e+00  }
0x249: {  	v8 =	vmax.f32 v8, $0.0e+00;
	[tilespmem:v7+s14+$0x0] =	vst.idx.msk vm2, v10  }
0x24a: {  	[tilespmem:v63+s14+$0x0] =	vst.idx.msk vm3, v8  }
0x24b: {  	v7 =	vld [tilespmem:$0x1FF70];
	_ =	sdelay $0x4  }
0x24c: {  	vm2 =	vnez.u8 v7;
	v7 =	vld [tilespmem:$0x1FF80];
	_ =	sdelay $0x4  }
0x24d: {  	vm4 =	vmmov vm3;
	vm3 =	vnez.u8 v7;
	v7 =	vld [tilespmem:$0x1FF90];
	_ =	sdelay $0x4  }
0x24e: {  	vm4 =	vnez.u8 v7  }
.LBB2_41:
0x24f: {  	s0 =	sshll.u32 @!p1 s0, $0x4  }
0x250: {  	v7 =	vld @!p1 [tilespmem:s0+$0x9080];
	_ =	sdelay $0x1  }
0x251: {  	v8 =	vlaneseq.u32 @!p1;
	v9 =	vld @!p1 [tilespmem:s0+$0x8800]  }
0x252: {  	v8 =	vor.u32 @!p1 s0, v8  }
0x253: {  	vm0 =	vlt.s32 @!p1 v8, s25  }
0x254: {  	v7 =	vnsel @!p1 vm0, $0x0, v7;
	_ =	sdelay $0x1  }
0x255: {  	p0 =	sne.s32 s20, $0x1F;
	v6 =	vsub.f32 @!p1 v9, v6  }
.Ltmp28:
0x256: {  	_ = 	snop;
	(pc) =	sbr.rel @p0 .LBB2_43-.Ltmp28, $4  }
0x257: {  	s31 =	rddreg [dreg:$0x1];
	s0 =	simm.s32 @!p1 $0x4000;
	v6 =	vmax.f32 @!p1 v6, $0.0e+00  }
0x258: {  	[tilespmem:v7+s0+$0x0] =	vst.idx.msk @!p1 vm0, v6;
	s0 =	sadd.s32 s31, s6  }
0x259: {  	s0 =	sadd.s32 s24, s0  }
0x25a: {  	[hbm4b:s0+s29] =	stream.strided.scatter [tilespmem:s14], [sflag:$0x3], $0x2000, s30, s29, $0x38;
	[tilespmem:$0x9900] =	vst v63  }
.Ltmp29:
0x25b: {  	(pc) =	sbr.rel .LBB2_44-.Ltmp29, $4  }
0x25c: {  	s0 =	simm.s32 $0x2  }
0x25d: {  	_ =	swait.ge [sflag:s0], $0x2000  }
0x25e: {  	[sflag:s0] =	ssyncset.done $0x0  }
0x25f: {  	[sflag:s0] =	ssyncadd.s32 $0xFFFFE000  }
.LBB2_43:
0x260: {  	s0 =	sadd.s32 $0x2, s23;
	s1 =	rddreg [dreg:$0x3]  }
0x261: {  	s1 =	sadd.s32 s1, s0;
	s0 =	sshll.u32 s0, $0x4  }
0x262: {  	s2 =	rddreg [dreg:$0x0];
	s1 =	sshll.u32 s1, $0xA;
	s0 =	sand.u32 $0x60, s0  }
0x263: {  	s28 =	simm.s32 $0x0;
	s1 =	sand.u32 $0x3FE000, s1;
	s0 =	sadd.s32 s2, s0  }
.Ltmp30:
0x264: {  	s31 =	simm.s32 $0x2;
	s0 =	sadd.s32 s1, s0;
	(pc) =	sbr.rel @p4 .LBB2_45-.Ltmp30, $4  }
0x265: {  	[tilespmem:s28], [sflag:$0x1] =	stream.strided.gather [hbm4b:s0+s29], $0x2000, s30, s29, $0x38;
	[tilespmem:$0x9900] =	vst v63  }
0x266: {  	_ =	swait.ge [sflag:s31], $0x2000  }
0x267: {  	[sflag:s31] =	ssyncset.done $0x0  }
0x268: {  	[sflag:s31] =	ssyncadd.s32 $0xFFFFE000  }
.LBB2_44:
0x269: {  	s0 =	simm.s32 $0x4  }
0x26a: {  	_ =	swait.ge [sflag:s0], $0x2000  }
0x26b: {  	[sflag:s0] =	ssyncset.done $0x0  }
0x26c: {  	[sflag:s0] =	ssyncadd.s32 $0xFFFFE000  }
.LBB2_45:
0x26d: {  	s1 =	simm.s32 $0x2040  }
0x26e: {  	v8 =	vld [tilespmem:s1+$0xFFFFFFC0]  }
0x26f: {  	v9 =	vld [tilespmem:s1+$0xFFFFFFD0]  }
0x270: {  	v10 =	vld [tilespmem:s1+$0xFFFFFFE0]  }
0x271: {  	v6 =	vld [tilespmem:s1+$0xFFFFFFF0]  }
0x272: {  	v11 =	vimm.f32 $-1.000000020e+30;
	v7 =	vld [tilespmem:s1+$0x0]  }
0x273: {  	v11 =	vmax.f32 v11, v8;
	v8 =	vld [tilespmem:s1+$0x10]  }
0x274: {  	v11 =	vmax.f32 v11, v9;
	v9 =	vld [tilespmem:s1+$0x20]  }
0x275: {  	s0 =	simm.s32 $0x0;
	v11 =	vmax.f32 v11, v10;
	v10 =	vld [tilespmem:s1+$0x30];
	s1 =	simm.s32 $0x20C0  }
.LBB2_46:
0x276: {  	v12 =	vld [tilespmem:s1+$0xFFFFFFC0];
	s0 =	sadd.s32 $0x8, s0;
	v6 =	vmax.f32 v11, v6  }
0x277: {  	v11 =	vld [tilespmem:s1+$0xFFFFFFD0];
	p0 =	slt.u32 s0, $0x78;
	v6 =	vmax.f32 v6, v7  }
0x278: {  	v13 =	vld [tilespmem:s1+$0xFFFFFFE0];
	v7 =	vmax.f32 v6, v8  }
.Ltmp31:
0x279: {  	v6 =	vld [tilespmem:s1+$0xFFFFFFF0];
	v8 =	vmax.f32 v7, v9;
	(pc) =	sbr.rel @p0 .LBB2_46-.Ltmp31, $4  }
0x27a: {  	v7 =	vld [tilespmem:s1+$0x0];
	v8 =	vmax.f32 v8, v10  }
0x27b: {  	v9 =	vmax.f32 v8, v12;
	v8 =	vld [tilespmem:s1+$0x10]  }
0x27c: {  	v10 =	vmax.f32 v9, v11;
	v9 =	vld [tilespmem:s1+$0x20]  }
0x27d: {  	v11 =	vmax.f32 v10, v13;
	v10 =	vld [tilespmem:s1+$0x30];
	s1 =	sadd.s32 $0x80, s1  }
0x27e: {  	v6 =	vmax.f32 v11, v6  }
0x27f: {  	v6 =	vmax.f32 v6, v7  }
0x280: {  	v6 =	vmax.f32 v6, v8  }
0x281: {  	v6 =	vmax.f32 v6, v9  }
0x282: {  	v6 =	vmax.f32 v6, v10  }
0x283: {  	(xrf0) =	vmax.scan.msk.f32 $0xffff, v6;
	_ =	sdelay $0x5  }
0x284: {  	v6, _, _ =	vpop (xrf0)  }
0x285: {  	(v2sf) =	vpush v6, $0xF;
	_ =	sdelay $0xb  }
0x286: {  	s1 =	simm.s32 $0x0  }
0x287: {  	v7 =	vld [tilespmem:s1+$0x2000]  }
0x288: {  	v37 =	vld [tilespmem:s1+$0x2020]  }
0x289: {  	v8 =	vld [tilespmem:s1+$0x2010];
	s0 =	spop (v2sf)  }
0x28a: {  	v38 =	vld [tilespmem:s1+$0x2030];
	s0 =	sadd.f32 $-1.000000000e+00, s0  }
0x28b: {  	v39 =	vld [tilespmem:s1+$0x2040]  }
0x28c: {  	v12 =	vld [tilespmem:s1+$0x2050];
	v6 =	vmov s0  }
0x28d: {  	vm0 =	vgt.f32 v7, v6;
	v7 =	vld [tilespmem:s1+$0x2060]  }
0x28e: {  	v40 =	vld [tilespmem:s1+$0x2070];
	vm1 =	vgt.f32 v8, v6;
	v8 =	vmpcnt.ones.xlane vm0;
	vm0 =	vgt.f32 v37, v6  }
0x28f: {  	v41 =	vld [tilespmem:s1+$0x2080];
	v14 =	vmpcnt.ones.xlane vm0;
	vm0 =	vgt.f32 v38, v6  }
0x290: {  	v43 =	vld [tilespmem:s1+$0x2090];
	v42 =	vmpcnt.ones.xlane vm0;
	vm0 =	vgt.f32 v39, v6  }
0x291: {  	v45 =	vld [tilespmem:s1+$0x20A0];
	v44 =	vmpcnt.ones.xlane vm0;
	vm0 =	vgt.f32 v12, v6  }
0x292: {  	v46 =	vmpcnt.ones.xlane vm0;
	vm0 =	vgt.f32 v7, v6;
	v7 =	vld [tilespmem:s1+$0x20B0]  }
0x293: {  	v13 =	vmpcnt.ones.xlane vm1;
	v47 =	vmpcnt.ones.xlane vm0;
	vm0 =	vgt.f32 v40, v6  }
0x294: {  	v15 =	vld [tilespmem:$0x1FF10];
	v49 =	vmpcnt.ones.xlane vm0;
	vm0 =	vgt.f32 v41, v6  }
0x295: {  	v55 =	vld [tilespmem:$0x1FFA0];
	v8 =	vsel vm5, v8, v13;
	v51 =	vmpcnt.ones.xlane vm0;
	vm0 =	vgt.f32 v43, v6  }
0x296: {  	v57 =	vld [tilespmem:$0x1FFB0];
	v8 =	vsel vm6, v8, v14;
	v53 =	vmpcnt.ones.xlane vm0;
	vm0 =	vgt.f32 v45, v6  }
0x297: {  	v8 =	vsel vm7, v8, v42;
	v56 =	vmpcnt.ones.xlane vm0;
	vm0 =	vgt.f32 v7, v6;
	v7 =	vld [tilespmem:$0x1FF20]  }
0x298: {  	v59 =	vld [tilespmem:$0x1FFC0];
	v8 =	vsel vm2, v8, v44  }
0x299: {  	v48 =	vld [tilespmem:s1+$0x20C0];
	v8 =	vsel vm3, v8, v46  }
0x29a: {  	v60 =	vld [tilespmem:$0x1FF30];
	vm1 =	vnez.u8 v15;
	v8 =	vsel vm4, v8, v47  }
0x29b: {  	v50 =	vld [tilespmem:s1+$0x20D0];
	vm15 =	vmmov vm1;
	v8 =	vsel vm1, v8, v49;
	vm1 =	vnez.u8 v55  }
0x29c: {  	v52 =	vld [tilespmem:s1+$0x20E0];
	vm8 =	vmmov vm1;
	v8 =	vsel vm1, v8, v51;
	vm1 =	vnez.u8 v7  }
0x29d: {  	v54 =	vld [tilespmem:s1+$0x20F0];
	v7 =	vsel vm1, v8, v53  }
0x29e: {  	v63 =	vld [tilespmem:$0x1FFD0];
	v8 =	vmpcnt.ones.xlane vm0;
	vm0 =	vgt.f32 v48, v6;
	vm1 =	vnez.u8 v57  }
0x29f: {  	vm14 =	vmmov vm1;
	v7 =	vsel vm1, v7, v56;
	vm1 =	vnez.u8 v59  }
0x2a0: {  	[tilespmem:s1+$0x6000] =	vst v0;
	v58 =	vmpcnt.ones.xlane vm0;
	vm0 =	vgt.f32 v50, v6;
	vm9 =	vmmov vm1  }
0x2a1: {  	[tilespmem:s1+$0x6010] =	vst v0;
	v7 =	vsel vm1, v7, v8;
	v8 =	vmpcnt.ones.xlane vm0;
	vm0 =	vgt.f32 v52, v6  }
0x2a2: {  	[tilespmem:s1+$0x6020] =	vst v0;
	vm1 =	vnez.u8 v60;
	v61 =	vmpcnt.ones.xlane vm0;
	vm0 =	vgt.f32 v54, v6  }
0x2a3: {  	[tilespmem:s1+$0x6030] =	vst v0;
	v7 =	vsel vm1, v7, v58;
	v62 =	vmpcnt.ones.xlane vm0;
	vm0 =	vnez.u8 v63  }
0x2a4: {  	[tilespmem:s1+$0x6040] =	vst v0;
	v7 =	vsel vm0, v7, v8;
	v8 =	vld [tilespmem:$0x1FFE0]  }
0x2a5: {  	[tilespmem:s1+$0x6050] =	vst v0  }
0x2a6: {  	[tilespmem:s1+$0x6060] =	vst v0  }
0x2a7: {  	[tilespmem:s1+$0x6070] =	vst v0  }
0x2a8: {  	[tilespmem:s1+$0x6080] =	vst v0  }
0x2a9: {  	[tilespmem:s1+$0x6090] =	vst v0;
	vm10 =	vmmov vm0;
	vm0 =	vnez.u8 v8;
	v8 =	vld [tilespmem:$0x1FFF0]  }
0x2aa: {  	[tilespmem:s1+$0x60A0] =	vst v0  }
0x2ab: {  	[tilespmem:s1+$0x60B0] =	vst v0  }
0x2ac: {  	[tilespmem:s1+$0x60C0] =	vst v0  }
0x2ad: {  	[tilespmem:s1+$0x60D0] =	vst v0  }
0x2ae: {  	[tilespmem:s1+$0x60E0] =	vst v0;
	vm11 =	vmmov vm0;
	v7 =	vsel vm0, v7, v61;
	vm0 =	vnez.u8 v8  }
0x2af: {  	[tilespmem:s1+$0x60F0] =	vst v0;
	s0 =	simm.s32 $0x8000;
	v7 =	vsel vm0, v7, v62  }
0x2b0: {  	s1 =	simm.s32 $0x100;
	[tilespmem:s0+$0x0] =	vst v7  }
0x2b1: {  	s2 =	simm.s32 $0x800;
	vm13 =	vmmov vm1;
	vm12 =	vmmov vm0;
	v7 =	vld [tilespmem:s1+$0x2000]  }
.LBB2_48:
0x2b2: {  	v8 =	vld [tilespmem:s1+$0x2010]  }
0x2b3: {  	v9 =	vld [tilespmem:s1+$0x2020]  }
0x2b4: {  	v10 =	vld [tilespmem:s1+$0x2030]  }
0x2b5: {  	v11 =	vld [tilespmem:s1+$0x2040]  }
0x2b6: {  	v12 =	vld [tilespmem:s1+$0x2050]  }
0x2b7: {  	vm0 =	vgt.f32 v7, v6;
	v7 =	vld [tilespmem:s1+$0x2060]  }
0x2b8: {  	v47 =	vld [tilespmem:s1+$0x2070];
	vm1 =	vgt.f32 v8, v6;
	v8 =	vmpcnt.ones.xlane vm0;
	vm0 =	vgt.f32 v9, v6  }
0x2b9: {  	v48 =	vld [tilespmem:s1+$0x2080];
	v14 =	vmpcnt.ones.xlane vm0;
	vm0 =	vgt.f32 v10, v6  }
0x2ba: {  	v50 =	vld [tilespmem:s1+$0x2090];
	v49 =	vmpcnt.ones.xlane vm0;
	vm0 =	vgt.f32 v11, v6  }
0x2bb: {  	v52 =	vld [tilespmem:s1+$0x20A0];
	v51 =	vmpcnt.ones.xlane vm0;
	vm0 =	vgt.f32 v12, v6  }
0x2bc: {  	v53 =	vmpcnt.ones.xlane vm0;
	vm0 =	vgt.f32 v7, v6;
	v7 =	vld [tilespmem:s1+$0x20B0]  }
0x2bd: {  	v13 =	vmpcnt.ones.xlane vm1;
	v54 =	vmpcnt.ones.xlane vm0;
	vm0 =	vgt.f32 v47, v6  }
0x2be: {  	[tilespmem:s1+$0x6000] =	vst v0;
	v56 =	vmpcnt.ones.xlane vm0;
	vm0 =	vgt.f32 v48, v6  }
0x2bf: {  	[tilespmem:s1+$0x6010] =	vst v0;
	v8 =	vsel vm5, v8, v13;
	v58 =	vmpcnt.ones.xlane vm0;
	vm0 =	vgt.f32 v50, v6  }
0x2c0: {  	[tilespmem:s1+$0x6020] =	vst v0;
	v8 =	vsel vm6, v8, v14;
	v60 =	vmpcnt.ones.xlane vm0;
	vm0 =	vgt.f32 v52, v6  }
0x2c1: {  	[tilespmem:s1+$0x6030] =	vst v0;
	v8 =	vsel vm7, v8, v49;
	v62 =	vmpcnt.ones.xlane vm0;
	vm0 =	vgt.f32 v7, v6;
	v7 =	vld [tilespmem:$0x1FF20]  }
0x2c2: {  	[tilespmem:s1+$0x6040] =	vst v0;
	v55 =	vld [tilespmem:s1+$0x20C0];
	v8 =	vsel vm2, v8, v51  }
0x2c3: {  	[tilespmem:s1+$0x6050] =	vst v0;
	v57 =	vld [tilespmem:s1+$0x20D0];
	v8 =	vsel vm3, v8, v53  }
0x2c4: {  	[tilespmem:s1+$0x6060] =	vst v0;
	v59 =	vld [tilespmem:s1+$0x20E0];
	v8 =	vsel vm4, v8, v54  }
0x2c5: {  	[tilespmem:s1+$0x6070] =	vst v0;
	v61 =	vld [tilespmem:s1+$0x20F0];
	v8 =	vsel vm15, v8, v56  }
0x2c6: {  	[tilespmem:s1+$0x6080] =	vst v0;
	v8 =	vsel vm8, v8, v58;
	vm1 =	vnez.u8 v7  }
0x2c7: {  	[tilespmem:s1+$0x6090] =	vst v0;
	v7 =	vsel vm1, v8, v60;
	v8 =	vmpcnt.ones.xlane vm0;
	vm0 =	vgt.f32 v55, v6  }
0x2c8: {  	[tilespmem:s1+$0x60A0] =	vst v0;
	v7 =	vsel vm14, v7, v62;
	v9 =	vmpcnt.ones.xlane vm0;
	vm0 =	vgt.f32 v57, v6  }
0x2c9: {  	[tilespmem:s1+$0x60B0] =	vst v0;
	v7 =	vsel vm9, v7, v8;
	v8 =	vmpcnt.ones.xlane vm0;
	vm0 =	vgt.f32 v59, v6  }
0x2ca: {  	p0 =	sne.s32 s2, $0x7C00;
	[tilespmem:s1+$0x60C0] =	vst v0;
	v7 =	vsel vm13, v7, v9;
	v63 =	vmpcnt.ones.xlane vm0;
	vm0 =	vgt.f32 v61, v6  }
.Ltmp32:
0x2cb: {  	[tilespmem:s1+$0x60D0] =	vst v0;
	v7 =	vsel vm10, v7, v8;
	v8 =	vmpcnt.ones.xlane vm0;
	(pc) =	sbr.rel @p0 .LBB2_48-.Ltmp32, $4  }
0x2cc: {  	[tilespmem:s1+$0x60E0] =	vst v0;
	v7 =	vsel vm11, v7, v63  }
0x2cd: {  	[tilespmem:s1+$0x60F0] =	vst v0;
	s0 =	sadd.s32 $0x10, s0;
	v7 =	vsel vm12, v7, v8  }
0x2ce: {  	s1 =	sshra.s32 s2, $0x2;
	[tilespmem:s0+$0x0] =	vst v7  }
0x2cf: {  	s2 =	sadd.s32 $0x400, s2;
	v7 =	vld [tilespmem:s1+$0x2000]  }
0x2d0: {  	v8 =	vld [tilespmem:s1+$0x2010]  }
0x2d1: {  	v9 =	vld [tilespmem:s1+$0x2020]  }
0x2d2: {  	v10 =	vld [tilespmem:s1+$0x2030]  }
0x2d3: {  	v11 =	vld [tilespmem:s1+$0x2040]  }
0x2d4: {  	v12 =	vld [tilespmem:s1+$0x2050]  }
0x2d5: {  	v13 =	vld [tilespmem:s1+$0x2060];
	vm0 =	vgt.f32 v7, v6;
	vm1 =	vgt.f32 v8, v6  }
0x2d6: {  	v14 =	vld [tilespmem:s1+$0x2070];
	v7 =	vmpcnt.ones.xlane vm0;
	vm0 =	vgt.f32 v9, v6;
	v8 =	vmpcnt.ones.xlane vm1  }
0x2d7: {  	v9 =	vld [tilespmem:s1+$0x20B0];
	v18 =	vmpcnt.ones.xlane vm0;
	vm0 =	vgt.f32 v10, v6  }
0x2d8: {  	v7 =	vsel vm5, v7, v8;
	v8 =	vmpcnt.ones.xlane vm0;
	vm5 =	vgt.f32 v11, v6  }
0x2d9: {  	[tilespmem:s1+$0x6000] =	vst v0;
	v15 =	vld [tilespmem:s1+$0x2080];
	v7 =	vsel vm6, v7, v18;
	v11 =	vmpcnt.ones.xlane vm5;
	vm6 =	vgt.f32 v12, v6  }
0x2da: {  	[tilespmem:s1+$0x6010] =	vst v0;
	v16 =	vld [tilespmem:s1+$0x2090];
	v7 =	vsel vm7, v7, v8;
	v8 =	vmpcnt.ones.xlane vm6  }
0x2db: {  	[tilespmem:s1+$0x6020] =	vst v0;
	v17 =	vld [tilespmem:s1+$0x20A0];
	vm5 =	vgt.f32 v14, v6;
	vm7 =	vgt.f32 v13, v6;
	v7 =	vsel vm2, v7, v11  }
0x2dc: {  	[tilespmem:s1+$0x6030] =	vst v0;
	v7 =	vsel vm3, v7, v8;
	v8 =	vmpcnt.ones.xlane vm5;
	vm5 =	vgt.f32 v9, v6;
	v9 =	vld [tilespmem:$0x1FF20]  }
0x2dd: {  	[tilespmem:s1+$0x6040] =	vst v0;
	v10 =	vld [tilespmem:s1+$0x20C0];
	v11 =	vmpcnt.ones.xlane vm7  }
0x2de: {  	[tilespmem:s1+$0x6050] =	vst v0;
	v61 =	vld [tilespmem:s1+$0x20D0];
	vm6 =	vgt.f32 v15, v6  }
0x2df: {  	[tilespmem:s1+$0x6060] =	vst v0;
	v62 =	vld [tilespmem:s1+$0x20E0];
	vm7 =	vgt.f32 v16, v6;
	v7 =	vsel vm4, v7, v11;
	v11 =	vmpcnt.ones.xlane vm6  }
0x2e0: {  	[tilespmem:s1+$0x6070] =	vst v0;
	v63 =	vld [tilespmem:s1+$0x20F0];
	vm4 =	vgt.f32 v17, v6;
	v7 =	vsel vm15, v7, v8;
	v8 =	vmpcnt.ones.xlane vm7  }
0x2e1: {  	[tilespmem:s1+$0x6080] =	vst v0;
	v7 =	vsel vm8, v7, v11;
	v11 =	vmpcnt.ones.xlane vm4;
	vm6 =	vnez.u8 v9  }
0x2e2: {  	[tilespmem:s1+$0x6090] =	vst v0;
	vm7 =	vgt.f32 v10, v6;
	v7 =	vsel vm6, v7, v8;
	v8 =	vmpcnt.ones.xlane vm5  }
0x2e3: {  	[tilespmem:s1+$0x60A0] =	vst v0;
	vm8 =	vgt.f32 v61, v6;
	v9 =	vmpcnt.ones.xlane vm7;
	v7 =	vsel vm14, v7, v11  }
0x2e4: {  	[tilespmem:s1+$0x60B0] =	vst v0;
	vm14 =	vgt.f32 v62, v6;
	v7 =	vsel vm9, v7, v8;
	v8 =	vmpcnt.ones.xlane vm8  }
0x2e5: {  	[tilespmem:s1+$0x60C0] =	vst v0;
	vm15 =	vgt.f32 v63, v6;
	v7 =	vsel vm13, v7, v9;
	v9 =	vmpcnt.ones.xlane vm14  }
0x2e6: {  	[tilespmem:s1+$0x60D0] =	vst v0;
	v10 =	vmpcnt.ones.xlane vm15;
	v7 =	vsel vm10, v7, v8  }
0x2e7: {  	[tilespmem:s1+$0x60E0] =	vst v0;
	v7 =	vsel vm11, v7, v9  }
0x2e8: {  	[tilespmem:s1+$0x60F0] =	vst v0;
	s0 =	sadd.s32 $0x10, s0;
	v7 =	vsel vm12, v7, v10  }
0x2e9: {  	s28 =	simm.s32 $0x8010;
	[tilespmem:s0+$0x0] =	vst v7  }
0x2ea: {  	v7 =	vld [tilespmem:s28+$0xFFFFFFF0]  }
0x2eb: {  	v8 =	vld [tilespmem:s28+$0x0];
	_ =	sdelay $0x3  }
0x2ec: {  	s31 =	simm.s32 $0x8030;
	(xrf0) =	vadd.scan.msk.s32 $0xffff, v7  }
0x2ed: {  	v7 =	vld [tilespmem:s31+$0xFFFFFFF0];
	(xrf0) =	vadd.scan.msk.s32 $0xffff, v8  }
0x2ee: {  	v8 =	vld [tilespmem:s31+$0x0];
	_ =	sdelay $0x3  }
0x2ef: {  	s1 =	simm.s32 $0x8050;
	s0 =	simm.s32 $0x8290;
	(xrf0) =	vadd.scan.msk.s32 $0xffff, v7;
	v9, _, _ =	vpop (xrf0)  }
0x2f0: {  	s2 =	simm.s32 $0x4;
	v7 =	vld [tilespmem:s1+$0xFFFFFFF0];
	(xrf0) =	vadd.scan.msk.s32 $0xffff, v8;
	[tilespmem:s0+$0xFFFFFFF0] =	vst v9;
	v8, _, _ =	vpop (xrf0)  }
.LBB2_50:
0x2f1: {  	s2 =	sadd.s32 $0x2, s2  }
0x2f2: {  	v9 =	vld [tilespmem:s1+$0x0];
	[tilespmem:s0+$0x0] =	vst v8;
	s0 =	sadd.s32 $0x20, s0;
	p0 =	slt.u32 s2, $0x1E  }
.Ltmp33:
0x2f3: {  	(pc) =	sbr.rel @p0 .LBB2_50-.Ltmp33, $3  }
0x2f4: {  	_ =	sdelay $0x1  }
0x2f5: {  	s1 =	sadd.s32 $0x20, s1;
	(xrf0) =	vadd.scan.msk.s32 $0xffff, v7;
	v8, _, _ =	vpop (xrf0)  }
0x2f6: {  	v7 =	vld [tilespmem:s1+$0xFFFFFFF0];
	(xrf0) =	vadd.scan.msk.s32 $0xffff, v9;
	[tilespmem:s0+$0xFFFFFFF0] =	vst v8;
	v8, _, _ =	vpop (xrf0)  }
0x2f7: {  	v9 =	vld [tilespmem:s1+$0x0];
	_ =	sdelay $0x3  }
0x2f8: {  	(xrf0) =	vadd.scan.msk.s32 $0xffff, v7  }
0x2f9: {  	(xrf0) =	vadd.scan.msk.s32 $0xffff, v9;
	_ =	sdelay $0x2  }
0x2fa: {  	[tilespmem:s0+$0x0] =	vst v8;
	s24 =	sadd.s32 $0x20, s0;
	v7, _, _ =	vpop (xrf0)  }
0x2fb: {  	[tilespmem:s24+$0xFFFFFFF0] =	vst v7;
	v7, _, _ =	vpop (xrf0)  }
0x2fc: {  	s0 =	sadd.s32 $0x20, s24;
	[tilespmem:s24+$0x0] =	vst v7;
	v7, _, _ =	vpop (xrf0)  }
0x2fd: {  	[tilespmem:s0+$0xFFFFFFF0] =	vst v7;
	v7, _, _ =	vpop (xrf0)  }
0x2fe: {  	s25 =	simm.s32 $0x8280;
	[tilespmem:s0+$0x0] =	vst v7  }
0x2ff: {  	v8 =	vld.idx.msk [tilespmem:v2+s25+$0x0], $0xffff;
	_ =	sdelay $0x1  }
0x300: {  	v9 =	vld.idx.msk [tilespmem:v3+s25+$0x0], $0xffff;
	_ =	sdelay $0x2  }
0x301: {  	(xrf0) =	vadd.scan.msk.s32 $0xffff, v8;
	_ =	sdelay $0x1  }
0x302: {  	(xrf0) =	vadd.scan.msk.s32 $0xffff, v9;
	_ =	sdelay $0x3  }
0x303: {  	v10, _, _ =	vpop (xrf0)  }
0x304: {  	v7 =	vbroadcast v10, $0xF  }
0x305: {  	v11, _, _ =	vpop (xrf0)  }
0x306: {  	v8 =	vsub.s32 v10, v8;
	v7 =	vadd.s32 v7, v11  }
0x307: {  	[tilespmem:$0x8500] =	vst v8;
	v8 =	vsub.s32 v7, v9  }
0x308: {  	s26 =	simm.s32 $0x8010;
	[tilespmem:$0x8510] =	vst v8  }
0x309: {  	v8 =	vld [tilespmem:s26+$0x0];
	_ =	sdelay $0x1  }
0x30a: {  	v9 =	vld [tilespmem:s26+$0xFFFFFFF0];
	_ =	sdelay $0x1  }
0x30b: {  	s28 =	simm.s32 $0x8030  }
0x30c: {  	vm0 =	vgt.s32 v8, $0x0;
	v8 =	vld [tilespmem:s28+$0x0];
	_ =	sdelay $0x1  }
0x30d: {  	s31 =	simm.s32 $0x8050;
	v10 =	vld [tilespmem:s28+$0xFFFFFFF0];
	vm1 =	vgt.s32 v9, $0x0;
	v9 =	vsel vm0, $0x1, v4  }
0x30e: {  	v12 =	vld [tilespmem:s31+$0x0];
	v11 =	vsel vm1, $0x1, v4;
	(xrf0) =	vadd.scan.msk.s32 $0xffff, v9  }
0x30f: {  	v13 =	vld [tilespmem:s31+$0xFFFFFFF0];
	(xrf0) =	vadd.scan.msk.s32 $0xffff, v11  }
0x310: {  	v11 =	vmpcnt.ones.xlane vm1;
	vm3 =	vgt.s32 v8, $0x0  }
0x311: {  	v9 =	vimm.s32 $0x0;
	v8 =	vsel vm3, $0x1, v4  }
0x312: {  	vm2 =	vgt.s32 v10, $0x0;
	vm0 =	vmmov vm0;
	(xrf0) =	vadd.scan.msk.s32 $0xffff, v8;
	v8 =	vadd.s32 v9, v11  }
0x313: {  	vm5 =	vgt.s32 v12, $0x0;
	v14 =	vsel vm2, $0x1, v4;
	v10 =	vmpcnt.ones.xlane vm0  }
0x314: {  	vm4 =	vgt.s32 v13, $0x0;
	v15 =	vmpcnt.ones.xlane vm2;
	vm2 =	vmmov vm2;
	v11, _, _ =	vpop (xrf0);
	(xrf0) =	vadd.scan.msk.s32 $0xffff, v14  }
0x315: {  	vm1 =	vmmov vm1;
	v14 =	vadd.s32 v11, v8;
	v11 =	vadd.s32 v8, v10;
	v8, _, _ =	vpop (xrf0)  }
0x316: {  	v18 =	vsel vm4, $0x1, v4;
	vm1 =	vmmov vm1;
	v8 =	vadd.s32 v8, v9  }
0x317: {  	vm0 =	vmmov vm0;
	vm3 =	vmmov vm3;
	v10 =	vadd.s32 $0xFFFFFFFF, v8  }
0x318: {  	s1 =	simm.s32 $0x8070;
	s0 =	simm.s32 $0x10;
	v12 =	vsel vm5, $0x1, v4;
	v17 =	vmpcnt.ones.xlane vm3;
	v8 =	vadd.s32 $0xFFFFFFFF, v14  }
0x319: {  	s3 =	simm.s32 $0x0;
	v13 =	vmpcnt.ones.xlane vm4;
	(xrf0) =	vadd.scan.msk.s32 $0xffff, v12;
	v12 =	vadd.s32 v11, v15;
	v9 =	vor.u32 s0, v1;
	v14 =	vld [tilespmem:s1+$0x0];
	v15, _, _ =	vpop (xrf0)  }
0x31a: {  	s2 =	simm.s32 $0x6;
	v16 =	vld [tilespmem:s1+$0xFFFFFFF0];
	(xrf0) =	vadd.scan.msk.s32 $0xffff, v18;
	v15 =	vadd.s32 v15, v12;
	v12 =	vadd.s32 v12, v17;
	v18, _, _ =	vpop (xrf0);
	v17 =	vor.u32 s3, v1  }
.LBB2_52:
0x31b: {  	s2 =	sadd.s32 $0x2, s2  }
0x31c: {  	v18 =	vadd.s32 v18, v11;
	[tilespmem:v10+s13+$0x0] =	vst.idx.msk vm1, v17;
	s0 =	sadd.s32 $0x20, s0;
	v11 =	vmovc v12;
	vm1 =	vmmov vm2;
	vm2 =	vmmov vm4;
	p0 =	slt.u32 s2, $0x1E  }
.Ltmp34:
0x31d: {  	v10 =	vadd.s32 $0xFFFFFFFF, v18;
	[tilespmem:v8+s13+$0x0] =	vst.idx.msk vm0, v9;
	v8 =	vadd.s32 $0xFFFFFFFF, v15;
	vm0 =	vmmov vm3;
	(pc) =	sbr.rel @p0 .LBB2_52-.Ltmp34, $4  }
0x31e: {  	s1 =	sadd.s32 $0x20, s1;
	v9 =	vor.u32 s0, v1;
	vm3 =	vmmov vm5;
	vm5 =	vgt.s32 v14, $0x0  }
0x31f: {  	v17 =	vmpcnt.ones.xlane vm3;
	v14 =	vld [tilespmem:s1+$0x0];
	vm4 =	vgt.s32 v16, $0x0;
	v19 =	vsel vm5, $0x1, v4  }
0x320: {  	v12 =	vadd.s32 v12, v13;
	s3 =	sadd.s32 $0xFFFFFFF0, s0;
	v16 =	vld [tilespmem:s1+$0xFFFFFFF0];
	v20 =	vsel vm4, $0x1, v4;
	(xrf0) =	vadd.scan.msk.s32 $0xffff, v19;
	v13 =	vmpcnt.ones.xlane vm4;
	v15, _, _ =	vpop (xrf0)  }
0x321: {  	(xrf0) =	vadd.scan.msk.s32 $0xffff, v20;
	v15 =	vadd.s32 v15, v12;
	v12 =	vadd.s32 v12, v17;
	v18, _, _ =	vpop (xrf0);
	v17 =	vor.u32 s3, v1  }
0x322: {  	_ =	sdelay $0x1  }
0x323: {  	vm6 =	vmmov vm5  }
0x324: {  	v51 =	vmpcnt.ones.xlane vm6;
	vm15 =	vgt.s32 v14, $0x0;
	vm11 =	vgt.s32 v16, $0x0  }
0x325: {  	v13 =	vadd.s32 v12, v13;
	vm13 =	vmmov vm15;
	v16 =	vmpcnt.ones.xlane vm11  }
0x326: {  	v14 =	vadd.s32 v13, v51;
	v19 =	vmpcnt.ones.xlane vm13  }
0x327: {  	v16 =	vadd.s32 v14, v16  }
0x328: {  	(v2sf) =	vpush v7, $0xF;
	v7 =	vadd.s32 v16, v19  }
0x329: {  	(v2sf) =	vpush v7, $0x0;
	_ =	sdelay $0x9  }
0x32a: {  	v7 =	vsel vm15, $0x1, v4  }
0x32b: {  	v52 =	vsel vm11, $0x1, v4;
	(xrf0) =	vadd.scan.msk.s32 $0xffff, v7  }
0x32c: {  	(xrf0) =	vadd.scan.msk.s32 $0xffff, v52  }
0x32d: {  	vm2 =	vmmov vm2;
	v7 =	vadd.s32 v18, v11  }
0x32e: {  	v7 =	vadd.s32 $0xFFFFFFFF, v7;
	s22 =	spop (v2sf)  }
0x32f: {  	vm4 =	vmmov vm4;
	vm3 =	vmmov vm3;
	v53, _, _ =	vpop (xrf0);
	s23 =	spop (v2sf)  }
0x330: {  	s0 =	sadd.s32 $0x20, s0;
	v15 =	vadd.s32 $0xFFFFFFFF, v15;
	vm6 =	vmmov vm6;
	v54, _, _ =	vpop (xrf0);
	v11 =	vadd.s32 v53, v13;
	s2 =	sshra.s32 s23, $0x1F  }
0x331: {  	s1 =	sadd.s32 $0xFFFFFFF0, s0;
	vm4 =	vmmov vm4;
	v56 =	vadd.s32 v54, v12;
	v58 =	vadd.s32 $0xFFFFFFFF, v11;
	v57, _, _ =	vpop (xrf0);
	s2 =	sshrl.u32 s2, $0x1E  }
0x332: {  	[tilespmem:v8+s13+$0x0] =	vst.idx.msk vm0, v9;
	v55 =	vor.u32 s1, v1;
	v12 =	vadd.s32 $0xFFFFFFFF, v56;
	v19, _, _ =	vpop (xrf0);
	v8 =	vadd.s32 v57, v16;
	s2 =	sadd.s32 s2, s23  }
0x333: {  	vm5 =	vmmov vm11;
	[tilespmem:v7+s13+$0x0] =	vst.idx.msk vm2, v55;
	v59 =	vadd.s32 v19, v14;
	v7 =	vadd.s32 $0xFFFFFFFF, v8;
	s24 =	sand.u32 $0xFFFFFFFC, s2  }
0x334: {  	[tilespmem:v10+s13+$0x0] =	vst.idx.msk vm1, v17;
	s25 =	sadd.s32 $0x20, s0;
	v61 =	vor.u32 s0, v1;
	v60 =	vadd.s32 $0xFFFFFFFF, v59;
	p0 =	slt.s32 s24, $0x1  }
.Ltmp35:
0x335: {  	s26 =	sadd.s32 $0xFFFFFFF0, s25;
	v62 =	vor.u32 s25, v1;
	[tilespmem:v15+s13+$0x0] =	vst.idx.msk vm3, v61;
	(pc) =	sbr.rel @p0 .LBB2_54-.Ltmp35, $4  }
0x336: {  	s28 =	sadd.s32 $0x20, s25;
	[tilespmem:v58+s13+$0x0] =	vst.idx.msk vm6, v62;
	v8 =	vor.u32 s26, v1  }
0x337: {  	s31 =	sadd.s32 $0xFFFFFFF0, s28;
	v63 =	vor.u32 s28, v1;
	[tilespmem:v12+s13+$0x0] =	vst.idx.msk vm4, v8  }
0x338: {  	v8 =	vor.u32 s31, v1;
	[tilespmem:v7+s13+$0x0] =	vst.idx.msk vm13, v63  }
0x339: {  	vm14 =	vmmov vm5;
	vm15 =	vmmov vm13;
	v7 =	vimm.f32 $0.0e+00;
	[tilespmem:v60+s13+$0x0] =	vst.idx.msk vm5, v8  }
0x33a: {  	v8 =	vld [tilespmem:$0x1FF90];
	_ =	sdelay $0x3  }
0x33b: {  	s0 =	simm.s32 $0x8582  }
0x33c: {  	vm4 =	vnez.u8 v8;
	v8 =	vld [tilespmem:s0+$0x0]  }
0x33d: {  	v9 =	vld [tilespmem:s0+$0x1];
	_ =	sdelay $0x1  }
0x33e: {  	v10 =	vld [tilespmem:s0+$0xFFFFFFFE];
	_ =	sdelay $0x1  }
0x33f: {  	v11 =	vld [tilespmem:s0+$0xFFFFFFFF];
	(v2sf) =	vpush v8, $0x0  }
0x340: {  	(v2sf) =	vpush v9, $0x0;
	_ =	sdelay $0x1  }
0x341: {  	(v2sf) =	vpush v10, $0x0;
	_ =	sdelay $0x1  }
0x342: {  	(v2sf) =	vpush v11, $0x0;
	_ =	sdelay $0x9  }
0x343: {  	p0 =	sgt.s32 s24, $0x4;
	s1 =	simm.s32 $0x8586;
	s6 =	spop (v2sf)  }
0x344: {  	s19 =	sshra.s32 s6, $0x1F;
	s25 =	sshll.u32 s6, $0x4;
	s3 =	spop (v2sf)  }
0x345: {  	s21 =	sand.u32 $0xF, s6;
	s16 =	sshrl.u32 s19, $0x1C;
	s2 =	sand.u32 $0xF, s3  }
.Ltmp36:
0x346: {  	s10 =	sshra.s32 s3, $0x1F;
	s7 =	spop (v2sf);
	(pc) =	sbr.rel @!p0 .LBB2_66-.Ltmp36, $4  }
0x347: {  	s28 =	sshll.u32 s3, $0x4;
	p3 =	slt.s32 s3, $0x1;
	p4 =	sne.s32 s21, $0x0  }
0x348: {  	p2 =	sne.s32 s2, $0x0;
	s19 =	spop (v2sf);
	p1 =	slt.s32 s7, $0x1  }
0x349: {  	v8 =	vld [tilespmem:s25+$0x2000];
	s26 =	sshll.u32 s7, $0x4;
	s5 =	sand.u32 $0xF, s7;
	s31 =	sand.u32 $0xF, s19  }
0x34a: {  	v9 =	vld [tilespmem:s26+$0x2000];
	p6 =	slt.s32 s19, $0x1;
	s0 =	sshll.u32 s19, $0x4;
	p5 =	sne.s32 s31, $0x0  }
0x34b: {  	v10 =	vld [tilespmem:s1+$0x0];
	_ =	sdelay $0x1  }
0x34c: {  	v11 =	vld [tilespmem:s1+$0x1];
	_ =	sdelay $0x2  }
0x34d: {  	v12 =	vld [tilespmem:s1+$0xFFFFFFFE];
	(v2sf) =	vpush v10, $0x0  }
0x34e: {  	s12 =	sshra.s32 s7, $0x1F  }
0x34f: {  	v13 =	vld [tilespmem:s1+$0xFFFFFFFF];
	s2 =	sshra.s32 s19, $0x1F;
	p0 =	por !p6, !p5;
	p6 =	slt.s32 s6, $0x1;
	(v2sf) =	vpush v11, $0x0  }
0x350: {  	s4 =	simm.s32 $0x1;
	s8 =	sadd.s32 s16, s6;
	s9 =	simm.s32 $0x1  }
0x351: {  	s16 =	sshrl.u32 s10, $0x1C;
	s1 =	sshrl.u32 s12, $0x1C;
	s2 =	sshrl.u32 s2, $0x1C  }
0x352: {  	p0 =	por !p0, !p0;
	p5 =	por !p6, !p4;
	s2 =	sadd.s32 s2, s19;
	(v2sf) =	vpush v12, $0x0  }
0x353: {  	s15 =	sshra.s32 s8, $0x4;
	s4 =	simm.s32 @!p0 $0x0;
	s2 =	sshra.s32 s2, $0x4;
	v11 =	vld [tilespmem:s0+$0x2000]  }
0x354: {  	p6 =	sne.s32 s5, $0x0;
	p0 =	por !p5, !p5;
	s2 =	ssub.s32 s2, s4;
	v12 =	vld [tilespmem:s6+$0x8000];
	(v2sf) =	vpush v13, $0x0  }
0x355: {  	s5 =	simm.s32 $0x1;
	s9 =	simm.s32 @!p0 $0x0;
	p0 =	por !p1, !p6;
	v13 =	vld [tilespmem:s2+$0x8500]  }
0x356: {  	v15 =	vld [tilespmem:s7+$0x8280];
	s1 =	sadd.s32 s1, s7;
	s4 =	ssub.s32 s15, s9;
	p0 =	por !p0, !p0  }
0x357: {  	p2 =	por !p3, !p2;
	s1 =	sshra.s32 s1, $0x4;
	vm0 =	vgt.f32 v9, v6;
	v14 =	vld [tilespmem:s4+$0x8500];
	s5 =	simm.s32 @!p0 $0x0  }
0x358: {  	v10 =	vld [tilespmem:s28+$0x2000];
	v17 =	vnsel vm0, $0x0, v9;
	p0 =	por !p2, !p2;
	s1 =	ssub.s32 s1, s5;
	s5 =	simm.s32 $0x1  }
0x359: {  	v16 =	vld [tilespmem:s19+$0x8280];
	v7 =	vadd.f32 v17, v7;
	s5 =	simm.s32 @!p0 $0x0;
	p0 =	sgt.s32 s24, $0x8;
	s2 =	sadd.s32 s16, s3;
	vm1 =	vgt.f32 v11, v6;
	(v2sf) =	vpush v12, $0x0  }
0x35a: {  	v18 =	vld [tilespmem:s6+$0x8280];
	s18 =	sshra.s32 s2, $0x4;
	s2 =	simm.s32 @!p0 $0x0;
	(v2sf) =	vpush v13, $0x0;
	v13 =	vnsel vm1, $0x0, v11  }
0x35b: {  	vm3 =	vgt.f32 v8, v6;
	s4 =	simm.s32 $0x8;
	v17 =	vld [tilespmem:s19+$0x8000];
	s2 =	simm.s32 @p0 $0x1;
	p0 =	por $0x1, $0x1;
	v7 =	vadd.f32 v13, v7  }
0x35c: {  	v12 =	vld [tilespmem:s1+$0x8500];
	s1 =	ssub.s32 s18, s5;
	[smem:$0x7F9] =	sst s2;
	s6 =	spop (v2sf);
	(v2sf) =	vpush v14, $0x0;
	v14 =	vnsel vm3, $0x0, v8  }
0x35d: {  	vm4 =	vgt.f32 v10, v6;
	s2 =	simm.s32 $0x858A;
	v19 =	vld [tilespmem:s3+$0x8280];
	s31 =	sld [smem:$0x7F9];
	s21 =	sshra.s32 s6, $0x1F;
	v7 =	vadd.f32 v14, v7  }
0x35e: {  	v13 =	vld [tilespmem:s7+$0x8000];
	(v2sf) =	vpush v15, $0x0;
	s8 =	sshll.u32 s6, $0x4;
	s9 =	spop (v2sf);
	s29 =	sand.u32 $0xF, s6;
	v15 =	vnsel vm4, $0x0, v10  }
0x35f: {  	s16 =	sshrl.u32 s21, $0x1C;
	s11 =	sand.u32 $0xF, s9;
	v7 =	vadd.f32 v15, v7;
	v15 =	vld [tilespmem:s3+$0x8000];
	s3 =	simm.s32 @!p0 $0x0  }
0x360: {  	(v2sf) =	vpush v16, $0x0;
	s10 =	sshra.s32 s9, $0x1F;
	s3 =	simm.s32 @p0 $0x1;
	p0 =	seq.s32 s31, $0x1  }
.Ltmp37:
0x361: {  	v14 =	vld [tilespmem:s1+$0x8500];
	s7 =	spop (v2sf);
	s1 =	sshll.u32 s9, $0x4;
	(v2sf) =	vpush v18, $0x0;
	(pc) =	sbr.rel @!p0 .LBB2_68-.Ltmp37, $4  }
0x362: {  	p3 =	slt.s32 s9, $0x1;
	p4 =	sne.s32 s29, $0x0;
	p2 =	sne.s32 s11, $0x0;
	(v2sf) =	vpush v12, $0x0  }
0x363: {  	s19 =	spop (v2sf);
	p1 =	slt.s32 s7, $0x1;
	s11 =	sshll.u32 s7, $0x4;
	(v2sf) =	vpush v17, $0x0  }
0x364: {  	vm15 =	vmmov vm3;
	vm0 =	vmmov vm0;
	s5 =	sand.u32 $0xF, s7;
	s30 =	sand.u32 $0xF, s19;
	v12 =	vld [tilespmem:s8+$0x2000];
	p6 =	slt.s32 s19, $0x1;
	(v2sf) =	vpush v13, $0x0  }
0x365: {  	vm2 =	vmmov vm1;
	vm1 =	vmmov vm4;
	s18 =	sshll.u32 s19, $0x4;
	p5 =	sne.s32 s30, $0x0;
	v13 =	vld [tilespmem:s11+$0x2000];
	[smem:$0x7FA] =	sst s3;
	(v2sf) =	vpush v19, $0x0  }
.LBB2_69:
0x366: {  	s12 =	sshra.s32 s7, $0x1F;
	s21 =	sshra.s32 s19, $0x1F  }
0x367: {  	p5 =	por !p6, !p5;
	s15 =	smov.u32 s25;
	s25 =	smov.u32 s8  }
0x368: {  	v16 =	vld [tilespmem:s18+$0x2000];
	(v2sf) =	vpush v14, $0x0;
	s3 =	smov.u32 s9;
	p0 =	slt.s32 s6, $0x1;
	p2 =	por !p3, !p2  }
0x369: {  	s16 =	sadd.s32 s16, s6;
	v14 =	vld [tilespmem:s2+$0x0];
	s9 =	sshrl.u32 s12, $0x1C;
	s8 =	sshrl.u32 s21, $0x1C;
	(v2sf) =	vpush v15, $0x0  }
0x36a: {  	p5 =	por !p5, !p5;
	s21 =	simm.s32 $0x1;
	s8 =	sadd.s32 s8, s19;
	v15 =	vld [tilespmem:s1+$0x2000]  }
0x36b: {  	s21 =	simm.s32 @!p5 $0x0;
	v17 =	vld [tilespmem:s2+$0x1];
	s12 =	sshra.s32 s8, $0x4;
	s8 =	spop (v2sf)  }
0x36c: {  	p0 =	por !p0, !p4;
	v18 =	vld [tilespmem:s2+$0xFFFFFFFE];
	vm3 =	vgt.f32 v13, v6;
	s12 =	ssub.s32 s12, s21;
	s21 =	spop (v2sf)  }
0x36d: {  	s10 =	sshrl.u32 s10, $0x1C;
	p0 =	por !p0, !p0;
	v19 =	vld [tilespmem:s2+$0xFFFFFFFF];
	v20 =	vnsel vm3, $0x0, v13;
	vm5 =	vgt.f32 v16, v6;
	s29 =	spop (v2sf)  }
0x36e: {  	s30 =	simm.s32 $0x1;
	vm4 =	vgt.f32 v12, v6;
	(v2sf) =	vpush v14, $0x0;
	v7 =	vadd.f32 v20, v7;
	v20 =	vld [tilespmem:s12+$0x8500];
	s12 =	sshra.s32 s16, $0x4;
	s16 =	spop (v2sf)  }
0x36f: {  	s10 =	sadd.s32 s10, s3;
	s30 =	simm.s32 @!p0 $0x0;
	v21 =	vnsel vm4, $0x0, v12;
	v14 =	vnsel vm5, $0x0, v16;
	s31 =	spop (v2sf)  }
0x370: {  	s9 =	sadd.s32 s9, s7;
	s12 =	ssub.s32 s12, s30;
	(v2sf) =	vpush v17, $0x0;
	v7 =	vadd.f32 v14, v7;
	s30 =	spop (v2sf)  }
0x371: {  	s4 =	sadd.s32 $0x4, s4;
	(v2sf) =	vpush v18, $0x0;
	v17 =	vld [tilespmem:s12+$0x8500];
	s12 =	sadd.s32 s29, s30;
	s29 =	spop (v2sf)  }
0x372: {  	p0 =	sne.s32 s5, $0x0;
	vm6 =	vgt.f32 v15, v6;
	s21 =	sadd.s32 s21, s31;
	(v2sf) =	vpush v19, $0x0;
	v7 =	vadd.f32 v21, v7;
	s30 =	spop (v2sf)  }
0x373: {  	p0 =	por !p1, !p0;
	s5 =	sadd.s32 s29, s16;
	s16 =	spop (v2sf)  }
0x374: {  	p0 =	por !p0, !p0;
	v14 =	vnsel vm6, $0x0, v15;
	v18 =	vld [tilespmem:s19+$0x8280];
	s5 =	ssub.s32 s5, s16;
	s16 =	simm.s32 $0x1  }
0x375: {  	s9 =	sshra.s32 s9, $0x4;
	p1 =	por !p2, !p2;
	v19 =	vld [tilespmem:s6+$0x8000];
	v7 =	vadd.f32 v14, v7;
	s16 =	simm.s32 @!p0 $0x0  }
0x376: {  	v21 =	vld [tilespmem:s7+$0x8280];
	p0 =	slt.s32 s5, $0x800;
	s9 =	ssub.s32 s9, s16;
	s16 =	simm.s32 $0x1  }
0x377: {  	v22 =	vld [tilespmem:s19+$0x8000];
	s19 =	spop (v2sf);
	s16 =	simm.s32 @!p1 $0x0  }
0x378: {  	v23 =	vld [tilespmem:s9+$0x8500];
	s9 =	sshra.s32 s10, $0x4;
	s10 =	ssub.s32 s21, s30;
	s21 =	spop (v2sf)  }
0x379: {  	v24 =	vld [tilespmem:s6+$0x8280];
	s6 =	ssub.s32 s9, s16;
	p1 =	slt.s32 s10, $0x800;
	s9 =	spop (v2sf)  }
0x37a: {  	s12 =	ssub.s32 s12, s8;
	v14 =	vld [tilespmem:s6+$0x8500];
	(v2sf) =	vpush v19, $0x0;
	s10 =	simm.s32 @!p1 $0x800;
	s6 =	sadd.s32 s21, s19  }
0x37b: {  	s5 =	simm.s32 @!p0 $0x800;
	p1 =	slt.s32 s12, $0x800;
	v19 =	vld [tilespmem:s7+$0x8000];
	(v2sf) =	vpush v20, $0x0;
	[tilespmem:s10+$0x8800] =	vst.msk vm2, v11;
	v20 =	vor.u32 s0, v1;
	s7 =	ssub.s32 s6, s9;
	v11 =	vmov v16  }
0x37c: {  	p0 =	slt.s32 s4, s24;
	s12 =	simm.s32 @!p1 $0x800;
	(v2sf) =	vpush v17, $0x0;
	[tilespmem:s10+$0x9080] =	vst.msk vm2, v20;
	p1 =	slt.s32 s7, $0x800;
	vm2 =	vmmov vm5  }
0x37d: {  	s9 =	smov.u32 s26;
	s26 =	smov.u32 s11;
	v16 =	vld [tilespmem:s3+$0x8280];
	(v2sf) =	vpush v21, $0x0;
	[tilespmem:s5+$0x8800] =	vst.msk vm0, v9;
	s7 =	simm.s32 @!p1 $0x800;
	v9 =	vmov v13  }
0x37e: {  	s0 =	smov.u32 s18;
	v13 =	vor.u32 s28, v1;
	s28 =	smov.u32 s1;
	s6 =	spop (v2sf);
	(v2sf) =	vpush v18, $0x0;
	[tilespmem:s7+$0x8800] =	vst.msk vm1, v10;
	v10 =	vmov v15  }
0x37f: {  	s2 =	sadd.s32 $0x4, s2;
	v15 =	vor.u32 s9, v1;
	s1 =	sshra.s32 s6, $0x1F;
	s8 =	sshll.u32 s6, $0x4;
	(v2sf) =	vpush v24, $0x0;
	[tilespmem:s7+$0x9080] =	vst.msk vm1, v13;
	vm1 =	vmmov vm6  }
0x380: {  	s9 =	spop (v2sf)  }
0x381: {  	s18 =	sand.u32 $0xF, s6;
	s16 =	sshrl.u32 s1, $0x1C;
	(v2sf) =	vpush v23, $0x0;
	[tilespmem:s5+$0x9080] =	vst.msk vm0, v15;
	vm0 =	vmmov vm3;
	s10 =	sshra.s32 s9, $0x1F  }
.Ltmp38:
0x382: {  	v13 =	vor.u32 s15, v1;
	s1 =	sand.u32 $0xF, s9;
	s7 =	spop (v2sf);
	(v2sf) =	vpush v22, $0x0;
	[tilespmem:s12+$0x8800] =	vst.msk vm15, v8;
	(pc) =	sbr.rel @p0 .LBB2_69-.Ltmp38, $4  }
0x383: {  	v8 =	vmov v12;
	p2 =	sne.s32 s1, $0x0;
	s1 =	sshll.u32 s9, $0x4;
	s19 =	spop (v2sf);
	v15 =	vld [tilespmem:s3+$0x8000];
	(v2sf) =	vpush v19, $0x0;
	[tilespmem:s12+$0x9080] =	vst.msk vm15, v13;
	vm15 =	vmmov vm4  }
0x384: {  	p3 =	slt.s32 s9, $0x1;
	p1 =	slt.s32 s7, $0x1;
	s3 =	sand.u32 $0xF, s19  }
0x385: {  	p4 =	sne.s32 s18, $0x0;
	s11 =	sshll.u32 s7, $0x4;
	p5 =	sne.s32 s3, $0x0;
	v12 =	vld [tilespmem:s8+$0x2000]  }
0x386: {  	s5 =	sand.u32 $0xF, s7;
	p6 =	slt.s32 s19, $0x1;
	s18 =	sshll.u32 s19, $0x4;
	v13 =	vld [tilespmem:s11+$0x2000];
	(v2sf) =	vpush v16, $0x0  }
0x387: {  	v16 =	vld [tilespmem:$0x1FF90];
	_ =	sdelay $0x2  }
0x388: {  	s4 =	smov.u32 s25  }
0x389: {  	s2 =	smov.u32 s26;
	s25 =	smov.u32 s8;
	s3 =	smov.u32 s9  }
0x38a: {  	s26 =	smov.u32 s11;
	s29 =	simm.s32 $0x80;
	s30 =	simm.s32 $0x400;
	vm4 =	vnez.u8 v16  }
.LBB2_71:
0x38b: {  	s8 =	sshra.s32 s19, $0x1F;
	p0 =	por !p6, !p5  }
0x38c: {  	p6 =	slt.s32 s6, $0x1;
	s9 =	simm.s32 $0x1;
	s11 =	sadd.s32 s16, s6  }
0x38d: {  	s12 =	simm.s32 $0x1;
	s31 =	sld [smem:$0x7FA];
	s8 =	sshrl.u32 s8, $0x1C  }
0x38e: {  	p0 =	por !p0, !p0;
	p4 =	por !p6, !p4;
	s8 =	sadd.s32 s8, s19  }
0x38f: {  	s9 =	simm.s32 @!p0 $0x0;
	p0 =	por !p4, !p4;
	s8 =	sshra.s32 s8, $0x4  }
0x390: {  	v16 =	vld [tilespmem:s6+$0x8000];
	s15 =	sshra.s32 s11, $0x4;
	s12 =	simm.s32 @!p0 $0x0;
	s8 =	ssub.s32 s8, s9  }
0x391: {  	s16 =	sshra.s32 s7, $0x1F;
	p5 =	sne.s32 s5, $0x0;
	s21 =	ssub.s32 s15, s12;
	v17 =	vld [tilespmem:s8+$0x8500]  }
0x392: {  	p4 =	seq.s32 s31, $0x1;
	p0 =	por !p1, !p5;
	s9 =	sshrl.u32 s16, $0x1C;
	v50 =	vld [tilespmem:s21+$0x8500]  }
0x393: {  	v51 =	vld [tilespmem:s7+$0x8280];
	(v2sf) =	vpush @p4 v14, $0x0;
	p0 =	por !p0, !p0;
	s5 =	sadd.s32 s9, s7;
	s8 =	simm.s32 $0x1  }
0x394: {  	v18 =	vld [tilespmem:s19+$0x8280];
	(v2sf) =	vpush @p4 v15, $0x0;
	s5 =	sshra.s32 s5, $0x4;
	s8 =	simm.s32 @!p0 $0x0  }
0x395: {  	v19 =	vld [tilespmem:s6+$0x8280];
	(v2sf) =	vpush v16, $0x0;
	s5 =	ssub.s32 s5, s8  }
0x396: {  	s10 =	sshrl.u32 s10, $0x1C;
	p6 =	por !p3, !p2;
	s6 =	spop @p4 (v2sf);
	v52 =	vld [tilespmem:s5+$0x8500];
	(v2sf) =	vpush v17, $0x0  }
0x397: {  	v53 =	vld [tilespmem:s19+$0x8000];
	s11 =	sadd.s32 s10, s3;
	p0 =	por !p6, !p6;
	s8 =	simm.s32 $0x1;
	(v2sf) =	vpush v50, $0x0  }
0x398: {  	v54 =	vld [tilespmem:s7+$0x8000];
	s9 =	spop @p4 (v2sf);
	s8 =	simm.s32 @!p0 $0x0;
	s5 =	sshra.s32 s11, $0x4;
	(v2sf) =	vpush v51, $0x0  }
0x399: {  	v55 =	vld [tilespmem:s3+$0x8280];
	s7 =	spop @p4 (v2sf);
	s5 =	ssub.s32 s5, s8;
	(v2sf) =	vpush v18, $0x0  }
0x39a: {  	s8 =	spop @p4 (v2sf);
	v56 =	vld [tilespmem:s5+$0x8500];
	(v2sf) =	vpush v19, $0x0  }
0x39b: {  	v57 =	vld [tilespmem:s3+$0x8000];
	s5 =	spop @p4 (v2sf);
	(v2sf) =	vpush v52, $0x0  }
0x39c: {  	s3 =	spop @p4 (v2sf);
	(v2sf) =	vpush v53, $0x0  }
0x39d: {  	s10 =	spop @p4 (v2sf);
	(v2sf) =	vpush v54, $0x0  }
0x39e: {  	s11 =	spop @p4 (v2sf);
	(v2sf) =	vpush v55, $0x0  }
0x39f: {  	s12 =	spop @p4 (v2sf);
	(v2sf) =	vpush v56, $0x0  }
0x3a0: {  	s15 =	spop @p4 (v2sf);
	(v2sf) =	vpush v57, $0x0  }
0x3a1: {  	s5 =	sadd.s32 @p4 s9, s5  }
0x3a2: {  	s7 =	sadd.s32 @p4 s7, s3;
	s3 =	sadd.s32 @p4 s10, s8;
	s16 =	spop @p4 (v2sf)  }
0x3a3: {  	s6 =	ssub.s32 @p4 s7, s6;
	s5 =	ssub.s32 @p4 s5, s11;
	s19 =	spop @p4 (v2sf)  }
0x3a4: {  	s8 =	ssub.s32 @p4 s3, s12;
	p0 =	slt.s32 @p4 s5, $0x800;
	s3 =	spop (v2sf)  }
0x3a5: {  	p1 =	slt.s32 @p4 s8, $0x800;
	p0 =	por !p0, !p4;
	s12 =	spop (v2sf)  }
0x3a6: {  	s5 =	simm.s32 @p0 $0x800;
	s10 =	sadd.s32 @p4 s16, s15;
	s11 =	spop (v2sf)  }
0x3a7: {  	p0 =	por !p1, !p4;
	[tilespmem:s5+$0x8800] =	vst.msk @p4 vm2, v11;
	v11 =	vor.u32 @p4 s0, v1;
	s7 =	ssub.s32 @p4 s10, s19;
	s16 =	spop (v2sf)  }
0x3a8: {  	v58 =	vld [tilespmem:s18+$0x2000];
	s8 =	simm.s32 @p0 $0x800;
	[tilespmem:s5+$0x9080] =	vst.msk @p4 vm2, v11;
	p1 =	slt.s32 @p4 s7, $0x800;
	s19 =	spop (v2sf)  }
0x3a9: {  	[tilespmem:s8+$0x8800] =	vst.msk @p4 vm0, v9;
	v11 =	vor.u32 @p4 s2, v1;
	p0 =	por !p1, !p4;
	s5 =	spop (v2sf)  }
0x3aa: {  	[tilespmem:s8+$0x9080] =	vst.msk @p4 vm0, v11;
	p1 =	slt.s32 @p4 s6, $0x800;
	s7 =	simm.s32 @p0 $0x800;
	s21 =	spop (v2sf)  }
0x3ab: {  	v9 =	vor.u32 @p4 s28, v1;
	p0 =	por !p1, !p4;
	[tilespmem:s7+$0x8800] =	vst.msk @p4 vm1, v10;
	s0 =	sadd.s32 s12, s19;
	s31 =	spop (v2sf)  }
0x3ac: {  	v59 =	vld [tilespmem:s1+$0x2000];
	s6 =	simm.s32 @p0 $0x800;
	[tilespmem:s7+$0x9080] =	vst.msk @p4 vm1, v9;
	s9 =	spop (v2sf);
	s0 =	ssub.s32 s0, s31  }
0x3ad: {  	vm0 =	vgt.f32 v58, v6;
	[tilespmem:s6+$0x8800] =	vst.msk @p4 vm15, v8;
	v8 =	vor.u32 @p4 s4, v1;
	s16 =	sadd.s32 s21, s16;
	s19 =	spop (v2sf);
	p0 =	slt.s32 s0, $0x800  }
0x3ae: {  	vm2 =	vmmov vm0;
	[tilespmem:s6+$0x9080] =	vst.msk @p4 vm15, v8;
	s2 =	ssub.s32 s16, s9;
	s21 =	spop (v2sf);
	s0 =	simm.s32 @!p0 $0x800  }
0x3af: {  	v60 =	vor.u32 s18, v1;
	vm1 =	vgt.f32 v13, v6;
	p0 =	slt.s32 s2, $0x800;
	s28 =	spop (v2sf);
	s4 =	sadd.s32 s21, s19;
	[tilespmem:s0+$0x8800] =	vst.msk vm2, v58  }
0x3b0: {  	v8 =	vnsel vm1, $0x0, v13;
	vm1 =	vmmov vm1;
	s2 =	simm.s32 @!p0 $0x800;
	s4 =	ssub.s32 s4, s28;
	[tilespmem:s0+$0x9080] =	vst.msk vm2, v60  }
0x3b1: {  	v62 =	vor.u32 s26, v1;
	vm3 =	vgt.f32 v59, v6;
	v7 =	vadd.f32 v8, v7;
	s31 =	sadd.s32 s11, s5;
	[tilespmem:s2+$0x8800] =	vst.msk vm1, v13;
	p0 =	slt.s32 s4, $0x800  }
0x3b2: {  	v8 =	vnsel vm0, $0x0, v58;
	vm0 =	vmmov vm3;
	s0 =	ssub.s32 s31, s3;
	[tilespmem:s2+$0x9080] =	vst.msk vm1, v62;
	s4 =	simm.s32 @!p0 $0x800  }
0x3b3: {  	v7 =	vadd.f32 v8, v7;
	v8 =	vor.u32 s1, v1;
	vm2 =	vgt.f32 v12, v6;
	p0 =	slt.s32 s0, $0x800;
	[tilespmem:s4+$0x8800] =	vst.msk vm0, v59  }
0x3b4: {  	v61 =	vnsel vm2, $0x0, v12;
	s0 =	simm.s32 @!p0 $0x800;
	[tilespmem:s4+$0x9080] =	vst.msk vm0, v8;
	vm0 =	vmmov vm2  }
0x3b5: {  	v63 =	vor.u32 s25, v1;
	v7 =	vadd.f32 v61, v7;
	[tilespmem:s0+$0x8800] =	vst.msk vm0, v12  }
0x3b6: {  	v8 =	vnsel vm3, $0x0, v59;
	[tilespmem:s0+$0x9080] =	vst.msk vm0, v63  }
0x3b7: {  	v7 =	vadd.f32 v8, v7;
	v8 =	vld [tilespmem:$0x1FF40];
	_ =	sdelay $0x4  }
0x3b8: {  	vm5 =	vnez.u8 v8;
	v8 =	vld [tilespmem:$0x1FF50];
	_ =	sdelay $0x4  }
0x3b9: {  	vm6 =	vnez.u8 v8;
	v8 =	vld [tilespmem:$0x1FF70];
	_ =	sdelay $0x4  }
0x3ba: {  	vm2 =	vnez.u8 v8;
	v8 =	vld [tilespmem:$0x1FF80]  }
.Ltmp39:
0x3bb: {  	_ = 	snop;
	(pc) =	sbr.rel .LBB2_55-.Ltmp39, $2  }
0x3bc: {  	_ =	sdelay $0x2  }
0x3bd: {  	vm3 =	vnez.u8 v8  }
.LBB2_54:
0x3be: {  	v8 =	vld [tilespmem:$0x1FF40];
	_ =	sdelay $0x4  }
0x3bf: {  	vm5 =	vnez.u8 v8;
	v8 =	vld [tilespmem:$0x1FF50];
	_ =	sdelay $0x4  }
0x3c0: {  	vm6 =	vnez.u8 v8;
	v8 =	vld [tilespmem:$0x1FF70];
	_ =	sdelay $0x4  }
0x3c1: {  	vm2 =	vnez.u8 v8;
	v8 =	vld [tilespmem:$0x1FF80];
	_ =	sdelay $0x4  }
0x3c2: {  	vm3 =	vnez.u8 v8;
	v8 =	vld [tilespmem:$0x1FF90];
	_ =	sdelay $0x4  }
0x3c3: {  	vm4 =	vnez.u8 v8  }
.LBB2_55:
0x3c4: {  	p0 =	sge.s32 s24, s23;
	v8 =	vld [tilespmem:$0x1FF60]  }
.Ltmp40:
0x3c5: {  	_ = 	snop;
	(pc) =	sbr.rel @p0 .LBB2_58-.Ltmp40, $2  }
0x3c6: {  	_ =	sdelay $0x2  }
0x3c7: {  	vm13 =	vnez.u8 v8  }
0x3c8: {  	s0 =	ssub.s32 s23, s24  }
0x3c9: {  	s1 =	sshll.u32 s23, $0x2;
	s2 =	sshll.u32 s0, $0x2  }
0x3ca: {  	s1 =	ssub.s32 s1, s2  }
0x3cb: {  	s1 =	sshra.s32 s1, $0x2  }
0x3cc: {  	s1 =	sadd.s32 $0x8580, s1  }
.LBB2_57:
0x3cd: {  	v8 =	vld [tilespmem:s1+$0x0];
	_ =	sdelay $0x4  }
0x3ce: {  	(v2sf) =	vpush v8, $0x0;
	_ =	sdelay $0xe  }
0x3cf: {  	s2 =	spop (v2sf)  }
0x3d0: {  	s3 =	sand.u32 $0xF, s2  }
0x3d1: {  	s4 =	sshra.s32 s2, $0x1F;
	p0 =	slt.s32 s2, $0x1;
	p1 =	sne.s32 s3, $0x0  }
0x3d2: {  	s26 =	sshrl.u32 s4, $0x1C;
	p0 =	por !p0, !p1  }
0x3d3: {  	s4 =	simm.s32 $0x1;
	s3 =	sadd.s32 s26, s2;
	p0 =	por !p0, !p0  }
0x3d4: {  	s3 =	sshra.s32 s3, $0x4;
	s4 =	simm.s32 @!p0 $0x0  }
0x3d5: {  	s3 =	ssub.s32 s3, s4  }
0x3d6: {  	v8 =	vld [tilespmem:s3+$0x8500]  }
0x3d7: {  	v9 =	vld [tilespmem:s2+$0x8280]  }
0x3d8: {  	v10 =	vld [tilespmem:s2+$0x8000];
	_ =	sdelay $0x2  }
0x3d9: {  	(v2sf) =	vpush v8, $0x0  }
0x3da: {  	(v2sf) =	vpush v9, $0x0  }
0x3db: {  	(v2sf) =	vpush v10, $0x0;
	_ =	sdelay $0xc  }
0x3dc: {  	s28 =	spop (v2sf)  }
0x3dd: {  	s31 =	spop (v2sf)  }
0x3de: {  	s2 =	sshll.u32 s2, $0x4;
	s5 =	spop (v2sf);
	s3 =	sadd.s32 s28, s31  }
0x3df: {  	v8 =	vld [tilespmem:s2+$0x2000];
	s3 =	ssub.s32 s3, s5  }
0x3e0: {  	p0 =	slt.s32 s3, $0x800  }
0x3e1: {  	s3 =	simm.s32 @!p0 $0x800;
	p0 =	sne.s32 s0, $0x1  }
.Ltmp41:
0x3e2: {  	_ = 	snop;
	(pc) =	sbr.rel @p0 .LBB2_57-.Ltmp41, $4  }
0x3e3: {  	_ = 	snop  }
0x3e4: {  	vm0 =	vgt.f32 v8, v6  }
0x3e5: {  	v63 =	vor.u32 s2, v1;
	[tilespmem:s3+$0x8800] =	vst.msk vm0, v8;
	v8 =	vnsel vm0, $0x0, v8  }
0x3e6: {  	s1 =	sadd.s32 $0x1, s1;
	s0 =	sadd.s32 $0xFFFFFFFF, s0;
	[tilespmem:s3+$0x9080] =	vst.msk vm0, v63;
	v7 =	vadd.f32 v8, v7  }
.LBB2_58:
0x3e7: {  	p0 =	slt.s32 s22, $0x800  }
0x3e8: {  	p1 =	slt.s32 s22, $0xFFFFFFF2;
	s22 =	simm.s32 @!p0 $0x800  }
0x3e9: {  	(xrf2) =	vadd.scan.msk.f32 $0xffff, v7;
	p0 =	sgt.s32 s22, $0x1;
	s0 =	smov.u32 s22  }
0x3ea: {  	s0 =	simm.s32 @!p0 $0x1  }
0x3eb: {  	s0 =	scvt.s32.f32 s0  }
0x3ec: {  	s1 =	sadd.s32 $0xF, s22  }
0x3ed: {  	s2 =	sand.u32 $0xF, s1;
	v6 =	vmov s0  }
0x3ee: {  	s31 =	sshra.s32 s1, $0x1F;
	p6 =	sne.s32 s2, $0x0;
	(erf) = vrcp.f32 v6  }
0x3ef: {  	p0 =	por !p1, !p6;
	s0 =	sshrl.u32 s31, $0x1C  }
0x3f0: {  	p0 =	por !p0, !p0;
	s0 =	sadd.s32 s0, s1;
	s1 =	simm.s32 $0x1  }
0x3f1: {  	s0 =	sshra.s32 s0, $0x4;
	s1 =	simm.s32 @!p0 $0x0  }
0x3f2: {  	s1 =	ssub.s32 s0, s1  }
0x3f3: {  	s0 =	sshrl.u32 s1, $0x1F;
	v6, _, _ =	vpop (xrf2)  }
.Ltmp42:
0x3f4: {  	s0 =	sadd.s32 s0, s1;
	v6 =	vadd.f32 $-1.000000000e+00, v6;
	(pc) =	sbr.rel .LBB2_59-.Ltmp42, $4  }
0x3f5: {  	s0 =	sand.u32 $0xFFFFFFFE, s0  }
0x3f6: {  	s1 =	ssub.s32 s1, s0;
	v6 =	vbroadcast v6, $0xF  }
0x3f7: {  	s3 =	sshll.u32 s0, $0x6;
	p0 =	slt.s32 s1, $0x1;
	v7 =	vpop (erf)  }
0x3f8: {  	[tilespmem:s22+$0x8800] =	vst v5;
	s2 =	simm.s32 $0x0;
	p1 =	slt.s32 s0, $0x1;
	s1 =	sshra.s32 @!p0 s3, $0x2;
	v7 =	vmul.f32 v6, v7  }
.LBB2_60:
0x3f9: {  	v6 =	vimm.s32 $0x0;
	v8 =	vimm.f32 $0.0e+00  }
.LBB2_61:
0x3fa: {  	v9 =	vld @!p0 [tilespmem:s1+$0x8800];
	_ =	sdelay $0x4  }
0x3fb: {  	v10 =	vimm.s32 @!p0 $0x0;
	vm0 =	vgt.f32 @!p0 v9, v7  }
0x3fc: {  	v10 =	vsel @!p0 vm0, $0x1, v10  }
0x3fd: {  	v10 =	vadd.s32 @!p0 v10, v6  }
0x3fe: {  	v6 =	vpsel p0, v6, v10  }
0x3ff: {  	(xrf0) =	vadd.scan.msk.s32 $0xffff, v6;
	_ =	sdelay $0x5  }
0x400: {  	v6, _, _ =	vpop (xrf0)  }
0x401: {  	(v2sf) =	vpush v6, $0xF;
	_ =	sdelay $0xb  }
0x402: {  	v9 =	vnsel @!p0 vm0, $0x0, v9  }
0x403: {  	v9 =	vadd.f32 @!p0 v9, v8;
	_ =	sdelay $0x1  }
0x404: {  	v8 =	vpsel p0, v8, v9;
	s3 =	spop (v2sf)  }
0x405: {  	(xrf2) =	vadd.scan.msk.f32 $0xffff, v8;
	p2 =	sgt.s32 s3, $0x1  }
0x406: {  	s3 =	simm.s32 @!p2 $0x1  }
0x407: {  	s3 =	scvt.s32.f32 s3;
	_ =	sdelay $0x1  }
0x408: {  	v6 =	vmov s3  }
0x409: {  	(erf) = vrcp.f32 v6;
	_ =	sdelay $0x4  }
0x40a: {  	v6, _, _ =	vpop (xrf2)  }
0x40b: {  	v6 =	vadd.f32 $-1.000000000e+00, v6;
	_ =	sdelay $0x1  }
0x40c: {  	v6 =	vbroadcast v6, $0xF  }
0x40d: {  	v8 =	vpop (erf)  }
0x40e: {  	v6 =	vmul.f32 v8, v6;
	_ =	sdelay $0x1  }
0x40f: {  	vm0 =	vlt.f32 v6, v7;
	vm1 =	vgt.f32 v6, v7  }
0x410: {  	vm0 =	vmor vm1, vm0  }
0x411: {  	v7 =	vmpcnt.ones.xlane vm0;
	_ =	sdelay $0x1  }
0x412: {  	(v2sf) =	vpush v7, $0x0;
	_ =	sdelay $0xe  }
0x413: {  	p2 =	sgt.u32 s2, $0x12A;
	s3 =	spop (v2sf)  }
0x414: {  	p3 =	sgt.s32 @!p2 s3, $0x0  }
0x415: {  	p2 =	por p2, !p3  }
.Ltmp43:
0x416: {  	_ = 	snop;
	(pc) =	sbr.rel @p2 .LBB2_62-.Ltmp43, $2  }
0x417: {  	_ =	sdelay $0x2  }
0x418: {  	s2 =	sadd.s32 $0x1, s2;
	v7 =	vmov v6  }
.LBB2_59:
.Ltmp44:
0x419: {  	(pc) =	sbr.rel @p1 .LBB2_60-.Ltmp44, $1  }
0x41a: {  	_ =	sdelay $0x3  }
0x41b: {  	p3 =	sgt.s32 s0, $0x2  }
.Ltmp45:
0x41c: {  	_ = 	snop;
	(pc) =	sbr.rel @!p3 .LBB2_73-.Ltmp45, $4  }
0x41d: {  	_ = 	snop  }
0x41e: {  	s3 =	simm.s32 $0x8810  }
0x41f: {  	v13 =	vld [tilespmem:s3+$0xFFFFFFF0]  }
0x420: {  	v6 =	vimm.f32 $0.0e+00;
	v8 =	vimm.s32 $0x0;
	p2 =	por $0x0, $0x0;
	v10 =	vld [tilespmem:s3+$0x0]  }
0x421: {  	_ = 	snop  }
0x422: {  	p3 =	sgt.s32 s0, $0x4  }
.Ltmp46:
0x423: {  	_ = 	snop;
	(pc) =	sbr.rel @!p3 .LBB2_75-.Ltmp46, $4  }
0x424: {  	vm0 =	vgt.f32 v13, v7  }
0x425: {  	s3 =	simm.s32 $0x8830;
	v11 =	vsel vm0, $0x1, v4;
	vm1 =	vgt.f32 v10, v7  }
0x426: {  	v9 =	vld [tilespmem:s3+$0xFFFFFFF0];
	v12 =	vnsel vm0, $0x0, v13;
	v8 =	vadd.s32 v11, v8;
	v13 =	vsel vm1, $0x1, v4  }
0x427: {  	s4 =	simm.s32 $0x4;
	p2 =	por $0x1, $0x1;
	v11 =	vld [tilespmem:s3+$0x0];
	v12 =	vadd.f32 v12, v6;
	v14 =	vnsel vm1, $0x0, v10;
	v8 =	vadd.s32 v13, v8  }
.LBB2_76:
0x428: {  	s4 =	sadd.s32 $0x2, s4  }
0x429: {  	v10 =	vadd.f32 v14, v12;
	p3 =	slt.s32 s4, s0  }
.Ltmp47:
0x42a: {  	(pc) =	sbr.rel @p3 .LBB2_76-.Ltmp47, $4  }
0x42b: {  	s3 =	sadd.s32 $0x20, s3;
	vm0 =	vgt.f32 v9, v7  }
0x42c: {  	v12 =	vnsel vm0, $0x0, v9;
	v9 =	vld [tilespmem:s3+$0xFFFFFFF0];
	v13 =	vsel vm0, $0x1, v4;
	vm0 =	vgt.f32 v11, v7;
	v14 =	vmovc v11  }
0x42d: {  	v11 =	vld [tilespmem:s3+$0x0];
	v12 =	vadd.f32 v12, v10;
	v8 =	vadd.s32 v13, v8;
	v10 =	vsel vm0, $0x1, v4  }
0x42e: {  	v14 =	vnsel vm0, $0x0, v14;
	v8 =	vadd.s32 v10, v8  }
0x42f: {  	_ =	sdelay $0x2  }
0x430: {  	v13 =	vmov v9;
	v10 =	vmov v11  }
.LBB2_78:
0x431: {  	v9 =	vadd.f32 @p2 v14, v12  }
.Ltmp48:
0x432: {  	vm0 =	vgt.f32 v13, v7;
	(pc) =	sbr.rel .LBB2_61-.Ltmp48, $4  }
0x433: {  	v11 =	vnsel vm0, $0x0, v13;
	v6 =	vpsel p2, v9, v6  }
0x434: {  	v9 =	vsel vm0, $0x1, v4;
	vm0 =	vgt.f32 v10, v7;
	v11 =	vadd.f32 v11, v6  }
0x435: {  	v6 =	vadd.s32 v9, v8;
	v8 =	vsel vm0, $0x1, v4;
	v9 =	vnsel vm0, $0x0, v10  }
0x436: {  	v6 =	vadd.s32 v8, v6;
	v8 =	vadd.f32 v9, v11  }
.LBB2_73:
.Ltmp49:
0x437: {  	(pc) =	sbr.rel .LBB2_78-.Ltmp49, $2  }
0x438: {  	_ =	sdelay $0x2  }
0x439: {  	_ = 	snop  }
.LBB2_75:
.Ltmp50:
0x43a: {  	_ = 	snop;
	(pc) =	sbr.rel .LBB2_78-.Ltmp50, $2  }
0x43b: {  	_ =	sdelay $0x2  }
0x43c: {  	v13 =	vmov v9;
	v10 =	vmov v11  }
.LBB2_62:
.Ltmp51:
0x43d: {  	(pc) =	sbr.rel @p1 .LBB2_84-.Ltmp51, $1  }
0x43e: {  	_ =	sdelay $0x3  }
0x43f: {  	p2 =	sgt.s32 s0, $0x2  }
.Ltmp52:
0x440: {  	s3 =	simm.s32 $0x9090;
	(pc) =	sbr.rel @!p2 .LBB2_64-.Ltmp52, $4  }
0x441: {  	v15 =	vld [tilespmem:s3+$0x0]  }
0x442: {  	s2 =	simm.s32 $0x8810;
	v9 =	vld [tilespmem:s3+$0xFFFFFFF0]  }
0x443: {  	s1 =	simm.s32 $0x10;
	s31 =	simm.s32 $0x0;
	v8 =	vld [tilespmem:s2+$0x0]  }
0x444: {  	v7 =	vmov s22;
	p1 =	por $0x0, $0x0;
	v10 =	vld [tilespmem:s2+$0xFFFFFFF0];
	v14 =	vor.u32 s1, v1;
	v16 =	vor.u32 s31, v1  }
0x445: {  	_ = 	snop  }
0x446: {  	p2 =	sgt.s32 s0, $0x4  }
.Ltmp53:
0x447: {  	vm0 =	vlt.s32 v16, v7;
	s1 =	simm.s32 $0x90B0;
	vm1 =	vlt.s32 v14, v7;
	(pc) =	sbr.rel @!p2 .LBB2_80-.Ltmp53, $4  }
0x448: {  	v13 =	vld [tilespmem:s1+$0x0];
	v12 =	vnsel vm1, $0x0, v15;
	vm1 =	vmmov vm1;
	v11 =	vnsel vm0, $0x0, v9  }
0x449: {  	s2 =	simm.s32 $0x8830;
	s3 =	simm.s32 $0x30;
	v9 =	vld [tilespmem:s1+$0xFFFFFFF0];
	v17 =	vsub.f32 v8, v6;
	v18 =	vsub.f32 v10, v6  }
0x44a: {  	s5 =	simm.s32 $0x20;
	v14 =	vor.u32 s3, v1;
	v8 =	vld [tilespmem:s2+$0x0]  }
0x44b: {  	s4 =	simm.s32 $0x4;
	p1 =	por $0x1, $0x1;
	v16 =	vor.u32 s5, v1;
	v10 =	vld [tilespmem:s2+$0xFFFFFFF0];
	v17 =	vmax.f32 v17, $0.0e+00;
	v18 =	vmax.f32 v18, $0.0e+00  }
.LBB2_81:
0x44c: {  	s4 =	sadd.s32 $0x2, s4  }
0x44d: {  	vm2 =	vlt.s32 v14, v7;
	s1 =	sadd.s32 $0x20, s1;
	[tilespmem:v11+s17+$0x0] =	vst.idx.msk vm0, v18;
	vm0 =	vlt.s32 v16, v7;
	p2 =	slt.s32 s4, s0  }
.Ltmp54:
0x44e: {  	v11 =	vnsel vm0, $0x0, v9;
	[tilespmem:v12+s17+$0x0] =	vst.idx.msk vm1, v17;
	v12 =	vnsel vm2, $0x0, v13;
	v13 =	vld [tilespmem:s1+$0x0];
	vm1 =	vmmov vm2;
	(pc) =	sbr.rel @p2 .LBB2_81-.Ltmp54, $4  }
0x44f: {  	s2 =	sadd.s32 $0x20, s2;
	v9 =	vld [tilespmem:s1+$0xFFFFFFF0];
	v15 =	vsub.f32 v8, v6  }
0x450: {  	s3 =	sadd.s32 $0x20, s3;
	v8 =	vld [tilespmem:s2+$0x0];
	v17 =	vsub.f32 v10, v6  }
0x451: {  	s5 =	sadd.s32 $0xFFFFFFF0, s3;
	v14 =	vor.u32 s3, v1;
	v10 =	vld [tilespmem:s2+$0xFFFFFFF0]  }
0x452: {  	v16 =	vor.u32 s5, v1;
	v18 =	vmax.f32 v17, $0.0e+00;
	v17 =	vmax.f32 v15, $0.0e+00  }
.Ltmp55:
0x453: {  	(pc) =	sbr.rel .LBB2_83-.Ltmp55, $2  }
0x454: {  	_ =	sdelay $0x2  }
0x455: {  	v15 =	vmov v13  }
.LBB2_23:
.Ltmp56:
0x456: {  	_ = 	snop;
	(pc) =	sbr.rel .LBB2_28-.Ltmp56, $4  }
0x457: {  	p1 =	por $0x0, $0x0  }
0x458: {  	s0 =	simm.s32 @!p1 $0x0  }
0x459: {  	s0 =	simm.s32 @p1 $0x1  }
0x45a: {  	s31 =	smov.u32 s1;
	[smem:$0x7FC] =	sst s0;
	s0 =	smov.u32 s18;
	v12 =	vmov v8;
	v13 =	vmov v9  }
.LBB2_21:
.Ltmp57:
0x45b: {  	(pc) =	sbr.rel .LBB2_40-.Ltmp57, $2  }
0x45c: {  	_ =	sdelay $0x2  }
0x45d: {  	_ = 	snop  }
.LBB2_66:
.Ltmp58:
0x45e: {  	_ = 	snop;
	(pc) =	sbr.rel .LBB2_71-.Ltmp58, $4  }
0x45f: {  	p0 =	por $0x0, $0x0  }
0x460: {  	s1 =	simm.s32 @!p0 $0x0  }
0x461: {  	s1 =	simm.s32 @p0 $0x1  }
0x462: {  	s18 =	smov.u32 s0;
	[smem:$0x7FA] =	sst s1;
	s1 =	smov.u32 s28;
	v12 =	vmov v8;
	v13 =	vmov v9  }
.LBB2_25:
0x463: {  	v16 =	vld [tilespmem:$0x1FF90]  }
.Ltmp59:
0x464: {  	_ = 	snop;
	(pc) =	sbr.rel .LBB2_28-.Ltmp59, $4  }
0x465: {  	_ = 	snop  }
0x466: {  	s4 =	smov.u32 s8;
	s2 =	smov.u32 s11;
	s8 =	smov.u32 s29  }
0x467: {  	s15 =	smov.u32 s3;
	s11 =	smov.u32 s30;
	s23 =	rddreg [dreg:$0x8]  }
0x468: {  	s29 =	simm.s32 $0x80;
	s30 =	simm.s32 $0x400;
	s24 =	rddreg [dreg:$0x9];
	vm4 =	vnez.u8 v16  }
.LBB2_37:
.Ltmp60:
0x469: {  	(pc) =	sbr.rel .LBB2_40-.Ltmp60, $2  }
0x46a: {  	_ =	sdelay $0x2  }
0x46b: {  	v15 =	vmov v13  }
.LBB2_68:
0x46c: {  	v16 =	vld [tilespmem:$0x1FF90]  }
.Ltmp61:
0x46d: {  	_ = 	snop;
	(pc) =	sbr.rel .LBB2_71-.Ltmp61, $4  }
0x46e: {  	_ = 	snop  }
0x46f: {  	s4 =	smov.u32 s25  }
0x470: {  	s2 =	smov.u32 s26;
	s25 =	smov.u32 s8;
	s3 =	smov.u32 s9  }
0x471: {  	s26 =	smov.u32 s11;
	s29 =	simm.s32 $0x80;
	s30 =	simm.s32 $0x400;
	vm4 =	vnez.u8 v16  }
.LBB2_80:
.Ltmp62:
0x472: {  	(pc) =	sbr.rel .LBB2_83-.Ltmp62, $2  }
0x473: {  	_ =	sdelay $0x2  }
0x474: {  	v15 =	vmov v13  }
.LBB2_86:
0x475: {  	_ =	sfence.sel $0x180000  }
0x476: {  	[bflag:$0x0] =	sbarrier.arrive $0xFFFF  }
0x477: {  	_ =	strace $0x90000047  }
0x478: {  	s0 =	stileid.u32;
	[bflag:$0x2] =	sbarrier.arrive $0xFFFF  }
0x479: {  	p0 =	sne.s32 s0, $0x0;
	s0 =	rddreg [dreg:$0x2]  }
0x47a: {  	s0 =	sadd.s32 @!p0 $0x100000, s0  }
0x47b: {  	[sflag:s0] =	ssyncadd.tile.s32 @!p0 $0x1;
	_ =	shalt  }
.Lfunc_end2:
_tile_overlayer_lowered:
.L_overlay_start_2:
0x47c: {  	(tag) =	ssettag $0x2  }
0x47d: {  	s0 =	rddreg [dreg:$0x0];
	s2 =	stileid.u32  }
0x47e: {  	s1 =	rddreg [dreg:$0x1];
	p0 =	sne.s32 s2, $0x0  }
0x47f: {  	s3 =	rddreg [dreg:$0x2];
	[bflag:$0x3] =	sbarrier.arrive $0xFFFF;
	s2 =	simm.s32 @!p0 $0x1C05  }
0x480: {  	[timem:s3], [sflag:s2] =	dma.local @!p0 [hbm:s0], s1  }
0x481: {  	s0 =	simm.s32 @!p0 $0x5  }
0x482: {  	_ =	swait.ge @!p0 [sflag:s0], s1  }
0x483: {  	s1 =	ssub.s32 @!p0 $0x0, s1;
	[sflag:s0] =	ssyncset.done @!p0 $0x0  }
0x484: {  	[sflag:s0] =	ssyncadd.s32 @!p0 s1  }
0x485: {  	[bflag:$0x3] =	sbarrier.arrive $0xFFFF  }
0x486: {  	_ =	shalt  }

</sc_bundles>
